<compile_context>
chip_gen: v7x
topology: tpu7x:2x2x1
jax: 0.10.2.dev20260603
libtpu: 0.0.44.dev20260713+nightly
codegen_flags: <defaults>
</compile_context>

<pallas_src>
import math

import jax
import jax.numpy as jnp
from jax import lax
from jax.experimental import pallas as pl
from jax.experimental.pallas import tpu as pltpu
from jax.experimental.pallas import tpu_sc as plsc

D_MODEL = 512
SCALE = math.sqrt(D_MODEL)
LANES = 16

NUM_CORES = 2
NUM_SUBCORES = 16
NW = NUM_CORES * NUM_SUBCORES

BATCH = 4096
SEQ = 50
B_PER_W = BATCH // NW
CHUNK = 64
SPLITS = B_PER_W // CHUNK
NCHUNK = SEQ * SPLITS
NBUF = 2


def _sc_body(table_hbm, idx_hbm, out_hbm, idx_v, *rest):
  cid = lax.axis_index("c")
  sid = lax.axis_index("s")
  wid = sid * NUM_CORES + cid

  bufs = rest[:NBUF]
  gsems = rest[NBUF:2 * NBUF]
  osems = rest[2 * NBUF:]

  pltpu.sync_copy(idx_hbm.at[wid], idx_v)

  def gcp(c, b):
    return pltpu.make_async_copy(table_hbm.at[idx_v.at[c]], bufs[b], gsems[b])

  def ocp(c, b):
    s = c // SPLITS
    h = c % SPLITS
    return pltpu.make_async_copy(
        bufs[b], out_hbm.at[s, pl.ds(wid * B_PER_W + h * CHUNK, CHUNK)],
        osems[b])

  def scale_buf(b):
    buf = bufs[b]

    @plsc.parallel_loop(0, CHUNK)
    def _(r):
      for j in range(D_MODEL // LANES):
        sl = pl.ds(j * LANES, LANES)
        buf[r, sl] = buf[r, sl] * SCALE

  for b in range(NBUF):
    gcp(b, b).start()

  def do_round(p, start_next):
    for b in range(NBUF):
      g = p * NBUF + b
      gcp(g, b).wait()
      scale_buf(b)
      ocp(g, b).start()
      if start_next:
        ocp(g, b).wait()
        gcp(g + NBUF, b).start()

  nrounds = NCHUNK // NBUF

  def loop_body(p, carry):
    do_round(p, True)
    return carry

  lax.fori_loop(0, nrounds - 1, loop_body, jnp.int32(0))
  do_round(nrounds - 1, False)

  for b in range(NBUF):
    ocp(NCHUNK - NBUF + b, b).wait()


def _make_sc_call():
  mesh = plsc.VectorSubcoreMesh(core_axis_name="c", subcore_axis_name="s")
  return pl.kernel(
      _sc_body,
      out_type=jax.ShapeDtypeStruct((SEQ, BATCH, D_MODEL), jnp.float32),
      mesh=mesh,
      scratch_types=(
          [pltpu.VMEM((NCHUNK, CHUNK), jnp.int32)]
          + [pltpu.VMEM((CHUNK, D_MODEL), jnp.float32)] * NBUF
          + [pltpu.SemaphoreType.DMA] * (2 * NBUF)
      ),
      name="embedding_gather_scale_sc",
  )


def kernel(x, table):
  idx = (
      x.astype(jnp.int32)
      .T.reshape(SEQ, NW, SPLITS, CHUNK)
      .transpose(1, 0, 2, 3)
      .reshape(NW, NCHUNK, CHUNK)
  )
  out = _make_sc_call()(table, idx)
  return out.transpose(1, 0, 2)

# --- scband reference (transcript-rebuilt; emitter-appended) ---
"""Pipeline reference for scband-embeddings-31275951849573 (READ-ONLY COPY).

The authoritative reference and input builder live on the scoring server;
editing this copy changes nothing except your own understanding.
"""

import jax, jax.numpy as jnp
import numpy as np
import math

VOCAB = 100000
D_MODEL = 512

def setup_inputs(seed: int = 0) -> dict:
    key = jax.random.key(seed)
    k1, k2 = jax.random.split(key)
    x = jax.random.randint(k1, (4096, 50), 0, VOCAB, dtype=jnp.int64 if jax.config.jax_enable_x64 else jnp.int32)
    # nn.Embedding default init: N(0, 1)
    table = jax.random.normal(k2, (VOCAB, D_MODEL), dtype=jnp.float32)
    return {"x": x, "table": table}

def reference(x, table):
    # Embeddings.forward: self.embedding(x) * sqrt(d_model)
    emb = jnp.take(table, x, axis=0)
    return emb * math.sqrt(D_MODEL)

if __name__ == "__main__":
    import jax
    _d = setup_inputs()
    print(jax.jit(kernel)(*tuple(_d.values())))

</pallas_src>

<mosaic_0001>
#map = affine_map<(d0, d1) -> (0, 0)>
#map1 = affine_map<(d0, d1) -> (0, 0, 0)>
module attributes {stable_mosaic.version = 14 : i64} {
  func.func @embedding_gather_scale_sc(%arg0: i32, %arg1: i32, %arg2: memref<100000x512xf32, #tpu.memory_space<hbm>>, %arg3: memref<32x100x64xi32, #tpu.memory_space<hbm>>, %arg4: memref<50x4096x512xf32, #tpu.memory_space<hbm>>, %arg5: memref<100x64xi32, #tpu.memory_space<vmem>>, %arg6: memref<64x512xf32, #tpu.memory_space<vmem>>, %arg7: memref<64x512xf32, #tpu.memory_space<vmem>>, %arg8: memref<!tpu.dma_semaphore, #tpu.memory_space<semaphore_mem>>, %arg9: memref<!tpu.dma_semaphore, #tpu.memory_space<semaphore_mem>>, %arg10: memref<!tpu.dma_semaphore, #tpu.memory_space<semaphore_mem>>, %arg11: memref<!tpu.dma_semaphore, #tpu.memory_space<semaphore_mem>>) attributes {dimension_semantics = [#tpu.dimension_semantics<core_parallel>, #tpu.dimension_semantics<subcore_parallel>], iteration_bounds = array<i64: 2, 16>, scalar_prefetch = 0 : i64, scratch_operands = 7 : i64, tpu.core_type = #tpu.core_type<sc_vector_subcore>, window_params = [{transform_indices = #map}, {transform_indices = #map1}, {transform_indices = #map1}]} {
    %mul3A = arith.constant 2 : i32
    %mul3A_0 = arith.muli %arg1, %mul3A : i32
    %add3A = arith.addi %mul3A_0, %arg0 : i32
    "tpu.region"() ({
      %run_scoped3A = tpu.sem_alloc : memref<!tpu.dma_semaphore, #tpu.memory_space<semaphore_mem>>
      %dma_start3A_81 = arith.constant 0 : i32
      %dma_start3A_82 = arith.constant 0 : i32
      %dma_start3A_83 = tpu.memref_slice %arg3[%add3A, %dma_start3A_81, %dma_start3A_82] : memref<32x100x64xi32, #tpu.memory_space<hbm>> -> memref<1x100x64xi32, #tpu.memory_space<hbm>>
      %dma_start3A_84 = tpu.memref_squeeze %dma_start3A_83 : memref<1x100x64xi32, #tpu.memory_space<hbm>> -> memref<100x64xi32, #tpu.memory_space<hbm>>
      %dma_start3A_85 = arith.constant 0 : i32
      %dma_start3A_86 = arith.constant 0 : i32
      %dma_start3A_87 = tpu.memref_slice %arg3[%add3A, %dma_start3A_85, %dma_start3A_86] : memref<32x100x64xi32, #tpu.memory_space<hbm>> -> memref<1x100x64xi32, #tpu.memory_space<hbm>>
      %dma_start3A_88 = tpu.memref_squeeze %dma_start3A_87 : memref<1x100x64xi32, #tpu.memory_space<hbm>> -> memref<100x64xi32, #tpu.memory_space<hbm>>
      tpu.enqueue_dma source(%dma_start3A_88 : memref<100x64xi32, #tpu.memory_space<hbm>>) target(%arg5 : memref<100x64xi32, #tpu.memory_space<vmem>>) target_semaphore(%run_scoped3A : memref<!tpu.dma_semaphore, #tpu.memory_space<semaphore_mem>>)
      %dma_wait3A_89 = arith.constant 0 : i32
      %dma_wait3A_90 = arith.constant 0 : i32
      %dma_wait3A_91 = tpu.memref_slice %arg3[%add3A, %dma_wait3A_89, %dma_wait3A_90] : memref<32x100x64xi32, #tpu.memory_space<hbm>> -> memref<1x100x64xi32, #tpu.memory_space<hbm>>
      %dma_wait3A_92 = tpu.memref_squeeze %dma_wait3A_91 : memref<1x100x64xi32, #tpu.memory_space<hbm>> -> memref<100x64xi32, #tpu.memory_space<hbm>>
      %dma_wait3A_93 = arith.constant 0 : i32
      %dma_wait3A_94 = arith.constant 0 : i32
      %dma_wait3A_95 = tpu.memref_slice %arg3[%add3A, %dma_wait3A_93, %dma_wait3A_94] : memref<32x100x64xi32, #tpu.memory_space<hbm>> -> memref<1x100x64xi32, #tpu.memory_space<hbm>>
      %dma_wait3A_96 = tpu.memref_squeeze %dma_wait3A_95 : memref<1x100x64xi32, #tpu.memory_space<hbm>> -> memref<100x64xi32, #tpu.memory_space<hbm>>
      tpu.wait_dma2 semaphore(%run_scoped3A : memref<!tpu.dma_semaphore, #tpu.memory_space<semaphore_mem>>) src(%dma_wait3A_96 : memref<100x64xi32, #tpu.memory_space<hbm>>) dst(%arg5 : memref<100x64xi32, #tpu.memory_space<vmem>>)
      tpu.yield
    }) : () -> ()
    %dma_start3A = arith.constant 0 : i32
    %dma_start3A_1 = arith.constant 0 : i32
    %dma_start3A_2 = tpu.memref_slice %arg5[%dma_start3A, %dma_start3A_1] : memref<100x64xi32, #tpu.memory_space<vmem>> -> memref<1x64xi32, #tpu.memory_space<vmem>>
    %dma_start3A_3 = tpu.memref_squeeze %dma_start3A_2 : memref<1x64xi32, #tpu.memory_space<vmem>> -> memref<64xi32, #tpu.memory_space<vmem>>
    %dma_start3A_4 = arith.constant 0 : i32
    %dma_start3A_5 = arith.constant 0 : i32
    %dma_start3A_6 = tpu.memref_slice %arg2[%dma_start3A_4, %dma_start3A_5] : memref<100000x512xf32, #tpu.memory_space<hbm>> -> memref<100000x512xf32, #tpu.memory_space<hbm>>
    tpu.enqueue_indirect_dma source(%dma_start3A_6 : memref<100000x512xf32, #tpu.memory_space<hbm>>) target(%arg6 : memref<64x512xf32, #tpu.memory_space<vmem>>) offsets(%dma_start3A_3 : memref<64xi32, #tpu.memory_space<vmem>>) semaphore(%arg8 : memref<!tpu.dma_semaphore, #tpu.memory_space<semaphore_mem>>)
    %dma_start3A_7 = arith.constant 1 : i32
    %dma_start3A_8 = arith.constant 0 : i32
    %dma_start3A_9 = tpu.memref_slice %arg5[%dma_start3A_7, %dma_start3A_8] : memref<100x64xi32, #tpu.memory_space<vmem>> -> memref<1x64xi32, #tpu.memory_space<vmem>>
    %dma_start3A_10 = tpu.memref_squeeze %dma_start3A_9 : memref<1x64xi32, #tpu.memory_space<vmem>> -> memref<64xi32, #tpu.memory_space<vmem>>
    %dma_start3A_11 = arith.constant 0 : i32
    %dma_start3A_12 = arith.constant 0 : i32
    %dma_start3A_13 = tpu.memref_slice %arg2[%dma_start3A_11, %dma_start3A_12] : memref<100000x512xf32, #tpu.memory_space<hbm>> -> memref<100000x512xf32, #tpu.memory_space<hbm>>
    tpu.enqueue_indirect_dma source(%dma_start3A_13 : memref<100000x512xf32, #tpu.memory_space<hbm>>) target(%arg7 : memref<64x512xf32, #tpu.memory_space<vmem>>) offsets(%dma_start3A_10 : memref<64xi32, #tpu.memory_space<vmem>>) semaphore(%arg9 : memref<!tpu.dma_semaphore, #tpu.memory_space<semaphore_mem>>)
    %scan3A = arith.constant 0 : i32
    %scan3A_14 = arith.constant 0 : i32
    %scan3A_15 = arith.constant 49 : i32
    %scan3A_16 = arith.addi %scan3A_14, %scan3A_15 : i32
    %scan3A_17 = arith.constant 1 : i32
    scf.for %scan3A_81 = %scan3A_14 to %scan3A_16 step %scan3A_17  : i32 {
      %mul3A_82 = arith.constant 2 : i32
      %mul3A_83 = arith.muli %scan3A_81, %mul3A_82 : i32
      %add3A_84 = arith.constant 0 : i32
      %add3A_85 = arith.addi %mul3A_83, %add3A_84 : i32
      %dma_wait3A_86 = arith.constant 0 : i32
      %dma_wait3A_87 = tpu.memref_slice %arg5[%add3A_85, %dma_wait3A_86] : memref<100x64xi32, #tpu.memory_space<vmem>> -> memref<1x64xi32, #tpu.memory_space<vmem>>
      %dma_wait3A_88 = tpu.memref_squeeze %dma_wait3A_87 : memref<1x64xi32, #tpu.memory_space<vmem>> -> memref<64xi32, #tpu.memory_space<vmem>>
      %dma_wait3A_89 = arith.constant 0 : i32
      %dma_wait3A_90 = arith.constant 0 : i32
      %dma_wait3A_91 = tpu.memref_slice %arg2[%dma_wait3A_89, %dma_wait3A_90] : memref<100000x512xf32, #tpu.memory_space<hbm>> -> memref<100000x512xf32, #tpu.memory_space<hbm>>
      tpu.wait_indirect_dma semaphore(%arg8 : memref<!tpu.dma_semaphore, #tpu.memory_space<semaphore_mem>>) src(%dma_wait3A_91 : memref<100000x512xf32, #tpu.memory_space<hbm>>) dst(%arg6 : memref<64x512xf32, #tpu.memory_space<vmem>>)
      %parallel_loop3A_92 = arith.constant 0 : i32
      %parallel_loop3A_93 = arith.constant 64 : i32
      %parallel_loop3A_94 = arith.constant 1 : i32
      scf.for %parallel_loop3A_318 = %parallel_loop3A_92 to %parallel_loop3A_93 step %parallel_loop3A_94  : i32 {
        %parallel_loop3A_319 = arith.index_cast %parallel_loop3A_318 : i32 to index
        %parallel_loop3A_320 = arith.constant 0 : index
        %parallel_loop3A_321 = tpu.vector_load %arg6[%parallel_loop3A_319, %parallel_loop3A_320] {strides = array<i32>} : memref<64x512xf32, #tpu.memory_space<vmem>>, vector<1x16xf32>,
        %parallel_loop3A_322 = vector.shape_cast %parallel_loop3A_321 : vector<1x16xf32> to vector<16xf32>
        %parallel_loop3A_323 = arith.constant 22.6274166 : f32
        %parallel_loop3A_324 = vector.broadcast %parallel_loop3A_323 : f32 to vector<16xf32>
        %parallel_loop3A_325 = arith.mulf %parallel_loop3A_322, %parallel_loop3A_324 : vector<16xf32>
        %parallel_loop3A_326 = arith.index_cast %parallel_loop3A_318 : i32 to index
        %parallel_loop3A_327 = arith.constant 0 : index
        %parallel_loop3A_328 = tpu.vector_load %arg6[%parallel_loop3A_326, %parallel_loop3A_327] {strides = array<i32>} : memref<64x512xf32, #tpu.memory_space<vmem>>, vector<1x16xf32>,
        %parallel_loop3A_329 = vector.shape_cast %parallel_loop3A_328 : vector<1x16xf32> to vector<16xf32>
        %parallel_loop3A_330 = vector.shape_cast %parallel_loop3A_325 : vector<16xf32> to vector<1x16xf32>
        tpu.vector_store %arg6[%parallel_loop3A_326, %parallel_loop3A_327], %parallel_loop3A_330 {strides = array<i32>} : memref<64x512xf32, #tpu.memory_space<vmem>>, vector<1x16xf32>,
        %parallel_loop3A_331 = arith.index_cast %parallel_loop3A_318 : i32 to index
        %parallel_loop3A_332 = arith.constant 16 : index
        %parallel_loop3A_333 = tpu.vector_load %arg6[%parallel_loop3A_331, %parallel_loop3A_332] {strides = array<i32>} : memref<64x512xf32, #tpu.memory_space<vmem>>, vector<1x16xf32>,
        %parallel_loop3A_334 = vector.shape_cast %parallel_loop3A_333 : vector<1x16xf32> to vector<16xf32>
        %parallel_loop3A_335 = arith.constant 22.6274166 : f32
        %parallel_loop3A_336 = vector.broadcast %parallel_loop3A_335 : f32 to vector<16xf32>
        %parallel_loop3A_337 = arith.mulf %parallel_loop3A_334, %parallel_loop3A_336 : vector<16xf32>
        %parallel_loop3A_338 = arith.index_cast %parallel_loop3A_318 : i32 to index
        %parallel_loop3A_339 = arith.constant 16 : index
        %parallel_loop3A_340 = tpu.vector_load %arg6[%parallel_loop3A_338, %parallel_loop3A_339] {strides = array<i32>} : memref<64x512xf32, #tpu.memory_space<vmem>>, vector<1x16xf32>,
        %parallel_loop3A_341 = vector.shape_cast %parallel_loop3A_340 : vector<1x16xf32> to vector<16xf32>
        %parallel_loop3A_342 = vector.shape_cast %parallel_loop3A_337 : vector<16xf32> to vector<1x16xf32>
        tpu.vector_store %arg6[%parallel_loop3A_338, %parallel_loop3A_339], %parallel_loop3A_342 {strides = array<i32>} : memref<64x512xf32, #tpu.memory_space<vmem>>, vector<1x16xf32>,
        %parallel_loop3A_343 = arith.index_cast %parallel_loop3A_318 : i32 to index
        %parallel_loop3A_344 = arith.constant 32 : index
        %parallel_loop3A_345 = tpu.vector_load %arg6[%parallel_loop3A_343, %parallel_loop3A_344] {strides = array<i32>} : memref<64x512xf32, #tpu.memory_space<vmem>>, vector<1x16xf32>,
        %parallel_loop3A_346 = vector.shape_cast %parallel_loop3A_345 : vector<1x16xf32> to vector<16xf32>
        %parallel_loop3A_347 = arith.constant 22.6274166 : f32
        %parallel_loop3A_348 = vector.broadcast %parallel_loop3A_347 : f32 to vector<16xf32>
        %parallel_loop3A_349 = arith.mulf %parallel_loop3A_346, %parallel_loop3A_348 : vector<16xf32>
        %parallel_loop3A_350 = arith.index_cast %parallel_loop3A_318 : i32 to index
        %parallel_loop3A_351 = arith.constant 32 : index
        %parallel_loop3A_352 = tpu.vector_load %arg6[%parallel_loop3A_350, %parallel_loop3A_351] {strides = array<i32>} : memref<64x512xf32, #tpu.memory_space<vmem>>, vector<1x16xf32>,
        %parallel_loop3A_353 = vector.shape_cast %parallel_loop3A_352 : vector<1x16xf32> to vector<16xf32>
        %parallel_loop3A_354 = vector.shape_cast %parallel_loop3A_349 : vector<16xf32> to vector<1x16xf32>
        tpu.vector_store %arg6[%parallel_loop3A_350, %parallel_loop3A_351], %parallel_loop3A_354 {strides = array<i32>} : memref<64x512xf32, #tpu.memory_space<vmem>>, vector<1x16xf32>,
        %parallel_loop3A_355 = arith.index_cast %parallel_loop3A_318 : i32 to index
        %parallel_loop3A_356 = arith.constant 48 : index
        %parallel_loop3A_357 = tpu.vector_load %arg6[%parallel_loop3A_355, %parallel_loop3A_356] {strides = array<i32>} : memref<64x512xf32, #tpu.memory_space<vmem>>, vector<1x16xf32>,
        %parallel_loop3A_358 = vector.shape_cast %parallel_loop3A_357 : vector<1x16xf32> to vector<16xf32>
        %parallel_loop3A_359 = arith.constant 22.6274166 : f32
        %parallel_loop3A_360 = vector.broadcast %parallel_loop3A_359 : f32 to vector<16xf32>
        %parallel_loop3A_361 = arith.mulf %parallel_loop3A_358, %parallel_loop3A_360 : vector<16xf32>
        %parallel_loop3A_362 = arith.index_cast %parallel_loop3A_318 : i32 to index
        %parallel_loop3A_363 = arith.constant 48 : index
        %parallel_loop3A_364 = tpu.vector_load %arg6[%parallel_loop3A_362, %parallel_loop3A_363] {strides = array<i32>} : memref<64x512xf32, #tpu.memory_space<vmem>>, vector<1x16xf32>,
        %parallel_loop3A_365 = vector.shape_cast %parallel_loop3A_364 : vector<1x16xf32> to vector<16xf32>
        %parallel_loop3A_366 = vector.shape_cast %parallel_loop3A_361 : vector<16xf32> to vector<1x16xf32>
        tpu.vector_store %arg6[%parallel_loop3A_362, %parallel_loop3A_363], %parallel_loop3A_366 {strides = array<i32>} : memref<64x512xf32, #tpu.memory_space<vmem>>, vector<1x16xf32>,
        %parallel_loop3A_367 = arith.index_cast %parallel_loop3A_318 : i32 to index
        %parallel_loop3A_368 = arith.constant 64 : index
        %parallel_loop3A_369 = tpu.vector_load %arg6[%parallel_loop3A_367, %parallel_loop3A_368] {strides = array<i32>} : memref<64x512xf32, #tpu.memory_space<vmem>>, vector<1x16xf32>,
        %parallel_loop3A_370 = vector.shape_cast %parallel_loop3A_369 : vector<1x16xf32> to vector<16xf32>
        %parallel_loop3A_371 = arith.constant 22.6274166 : f32
        %parallel_loop3A_372 = vector.broadcast %parallel_loop3A_371 : f32 to vector<16xf32>
        %parallel_loop3A_373 = arith.mulf %parallel_loop3A_370, %parallel_loop3A_372 : vector<16xf32>
        %parallel_loop3A_374 = arith.index_cast %parallel_loop3A_318 : i32 to index
        %parallel_loop3A_375 = arith.constant 64 : index
        %parallel_loop3A_376 = tpu.vector_load %arg6[%parallel_loop3A_374, %parallel_loop3A_375] {strides = array<i32>} : memref<64x512xf32, #tpu.memory_space<vmem>>, vector<1x16xf32>,
        %parallel_loop3A_377 = vector.shape_cast %parallel_loop3A_376 : vector<1x16xf32> to vector<16xf32>
        %parallel_loop3A_378 = vector.shape_cast %parallel_loop3A_373 : vector<16xf32> to vector<1x16xf32>
        tpu.vector_store %arg6[%parallel_loop3A_374, %parallel_loop3A_375], %parallel_loop3A_378 {strides = array<i32>} : memref<64x512xf32, #tpu.memory_space<vmem>>, vector<1x16xf32>,
        %parallel_loop3A_379 = arith.index_cast %parallel_loop3A_318 : i32 to index
        %parallel_loop3A_380 = arith.constant 80 : index
        %parallel_loop3A_381 = tpu.vector_load %arg6[%parallel_loop3A_379, %parallel_loop3A_380] {strides = array<i32>} : memref<64x512xf32, #tpu.memory_space<vmem>>, vector<1x16xf32>,
        %parallel_loop3A_382 = vector.shape_cast %parallel_loop3A_381 : vector<1x16xf32> to vector<16xf32>
        %parallel_loop3A_383 = arith.constant 22.6274166 : f32
        %parallel_loop3A_384 = vector.broadcast %parallel_loop3A_383 : f32 to vector<16xf32>
        %parallel_loop3A_385 = arith.mulf %parallel_loop3A_382, %parallel_loop3A_384 : vector<16xf32>
        %parallel_loop3A_386 = arith.index_cast %parallel_loop3A_318 : i32 to index
        %parallel_loop3A_387 = arith.constant 80 : index
        %parallel_loop3A_388 = tpu.vector_load %arg6[%parallel_loop3A_386, %parallel_loop3A_387] {strides = array<i32>} : memref<64x512xf32, #tpu.memory_space<vmem>>, vector<1x16xf32>,
        %parallel_loop3A_389 = vector.shape_cast %parallel_loop3A_388 : vector<1x16xf32> to vector<16xf32>
        %parallel_loop3A_390 = vector.shape_cast %parallel_loop3A_385 : vector<16xf32> to vector<1x16xf32>
        tpu.vector_store %arg6[%parallel_loop3A_386, %parallel_loop3A_387], %parallel_loop3A_390 {strides = array<i32>} : memref<64x512xf32, #tpu.memory_space<vmem>>, vector<1x16xf32>,
        %parallel_loop3A_391 = arith.index_cast %parallel_loop3A_318 : i32 to index
        %parallel_loop3A_392 = arith.constant 96 : index
        %parallel_loop3A_393 = tpu.vector_load %arg6[%parallel_loop3A_391, %parallel_loop3A_392] {strides = array<i32>} : memref<64x512xf32, #tpu.memory_space<vmem>>, vector<1x16xf32>,
        %parallel_loop3A_394 = vector.shape_cast %parallel_loop3A_393 : vector<1x16xf32> to vector<16xf32>
        %parallel_loop3A_395 = arith.constant 22.6274166 : f32
        %parallel_loop3A_396 = vector.broadcast %parallel_loop3A_395 : f32 to vector<16xf32>
        %parallel_loop3A_397 = arith.mulf %parallel_loop3A_394, %parallel_loop3A_396 : vector<16xf32>
        %parallel_loop3A_398 = arith.index_cast %parallel_loop3A_318 : i32 to index
        %parallel_loop3A_399 = arith.constant 96 : index
        %parallel_loop3A_400 = tpu.vector_load %arg6[%parallel_loop3A_398, %parallel_loop3A_399] {strides = array<i32>} : memref<64x512xf32, #tpu.memory_space<vmem>>, vector<1x16xf32>,
        %parallel_loop3A_401 = vector.shape_cast %parallel_loop3A_400 : vector<1x16xf32> to vector<16xf32>
        %parallel_loop3A_402 = vector.shape_cast %parallel_loop3A_397 : vector<16xf32> to vector<1x16xf32>
        tpu.vector_store %arg6[%parallel_loop3A_398, %parallel_loop3A_399], %parallel_loop3A_402 {strides = array<i32>} : memref<64x512xf32, #tpu.memory_space<vmem>>, vector<1x16xf32>,
        %parallel_loop3A_403 = arith.index_cast %parallel_loop3A_318 : i32 to index
        %parallel_loop3A_404 = arith.constant 112 : index
        %parallel_loop3A_405 = tpu.vector_load %arg6[%parallel_loop3A_403, %parallel_loop3A_404] {strides = array<i32>} : memref<64x512xf32, #tpu.memory_space<vmem>>, vector<1x16xf32>,
        %parallel_loop3A_406 = vector.shape_cast %parallel_loop3A_405 : vector<1x16xf32> to vector<16xf32>
        %parallel_loop3A_407 = arith.constant 22.6274166 : f32
        %parallel_loop3A_408 = vector.broadcast %parallel_loop3A_407 : f32 to vector<16xf32>
        %parallel_loop3A_409 = arith.mulf %parallel_loop3A_406, %parallel_loop3A_408 : vector<16xf32>
        %parallel_loop3A_410 = arith.index_cast %parallel_loop3A_318 : i32 to index
        %parallel_loop3A_411 = arith.constant 112 : index
        %parallel_loop3A_412 = tpu.vector_load %arg6[%parallel_loop3A_410, %parallel_loop3A_411] {strides = array<i32>} : memref<64x512xf32, #tpu.memory_space<vmem>>, vector<1x16xf32>,
        %parallel_loop3A_413 = vector.shape_cast %parallel_loop3A_412 : vector<1x16xf32> to vector<16xf32>
        %parallel_loop3A_414 = vector.shape_cast %parallel_loop3A_409 : vector<16xf32> to vector<1x16xf32>
        tpu.vector_store %arg6[%parallel_loop3A_410, %parallel_loop3A_411], %parallel_loop3A_414 {strides = array<i32>} : memref<64x512xf32, #tpu.memory_space<vmem>>, vector<1x16xf32>,
        %parallel_loop3A_415 = arith.index_cast %parallel_loop3A_318 : i32 to index
        %parallel_loop3A_416 = arith.constant 128 : index
        %parallel_loop3A_417 = tpu.vector_load %arg6[%parallel_loop3A_415, %parallel_loop3A_416] {strides = array<i32>} : memref<64x512xf32, #tpu.memory_space<vmem>>, vector<1x16xf32>,
        %parallel_loop3A_418 = vector.shape_cast %parallel_loop3A_417 : vector<1x16xf32> to vector<16xf32>
        %parallel_loop3A_419 = arith.constant 22.6274166 : f32
        %parallel_loop3A_420 = vector.broadcast %parallel_loop3A_419 : f32 to vector<16xf32>
        %parallel_loop3A_421 = arith.mulf %parallel_loop3A_418, %parallel_loop3A_420 : vector<16xf32>
        %parallel_loop3A_422 = arith.index_cast %parallel_loop3A_318 : i32 to index
        %parallel_loop3A_423 = arith.constant 128 : index
        %parallel_loop3A_424 = tpu.vector_load %arg6[%parallel_loop3A_422, %parallel_loop3A_423] {strides = array<i32>} : memref<64x512xf32, #tpu.memory_space<vmem>>, vector<1x16xf32>,
        %parallel_loop3A_425 = vector.shape_cast %parallel_loop3A_424 : vector<1x16xf32> to vector<16xf32>
        %parallel_loop3A_426 = vector.shape_cast %parallel_loop3A_421 : vector<16xf32> to vector<1x16xf32>
        tpu.vector_store %arg6[%parallel_loop3A_422, %parallel_loop3A_423], %parallel_loop3A_426 {strides = array<i32>} : memref<64x512xf32, #tpu.memory_space<vmem>>, vector<1x16xf32>,
        %parallel_loop3A_427 = arith.index_cast %parallel_loop3A_318 : i32 to index
        %parallel_loop3A_428 = arith.constant 144 : index
        %parallel_loop3A_429 = tpu.vector_load %arg6[%parallel_loop3A_427, %parallel_loop3A_428] {strides = array<i32>} : memref<64x512xf32, #tpu.memory_space<vmem>>, vector<1x16xf32>,
        %parallel_loop3A_430 = vector.shape_cast %parallel_loop3A_429 : vector<1x16xf32> to vector<16xf32>
        %parallel_loop3A_431 = arith.constant 22.6274166 : f32
        %parallel_loop3A_432 = vector.broadcast %parallel_loop3A_431 : f32 to vector<16xf32>
        %parallel_loop3A_433 = arith.mulf %parallel_loop3A_430, %parallel_loop3A_432 : vector<16xf32>
        %parallel_loop3A_434 = arith.index_cast %parallel_loop3A_318 : i32 to index
        %parallel_loop3A_435 = arith.constant 144 : index
        %parallel_loop3A_436 = tpu.vector_load %arg6[%parallel_loop3A_434, %parallel_loop3A_435] {strides = array<i32>} : memref<64x512xf32, #tpu.memory_space<vmem>>, vector<1x16xf32>,
        %parallel_loop3A_437 = vector.shape_cast %parallel_loop3A_436 : vector<1x16xf32> to vector<16xf32>
        %parallel_loop3A_438 = vector.shape_cast %parallel_loop3A_433 : vector<16xf32> to vector<1x16xf32>
        tpu.vector_store %arg6[%parallel_loop3A_434, %parallel_loop3A_435], %parallel_loop3A_438 {strides = array<i32>} : memref<64x512xf32, #tpu.memory_space<vmem>>, vector<1x16xf32>,
        %parallel_loop3A_439 = arith.index_cast %parallel_loop3A_318 : i32 to index
        %parallel_loop3A_440 = arith.constant 160 : index
        %parallel_loop3A_441 = tpu.vector_load %arg6[%parallel_loop3A_439, %parallel_loop3A_440] {strides = array<i32>} : memref<64x512xf32, #tpu.memory_space<vmem>>, vector<1x16xf32>,
        %parallel_loop3A_442 = vector.shape_cast %parallel_loop3A_441 : vector<1x16xf32> to vector<16xf32>
        %parallel_loop3A_443 = arith.constant 22.6274166 : f32
        %parallel_loop3A_444 = vector.broadcast %parallel_loop3A_443 : f32 to vector<16xf32>
        %parallel_loop3A_445 = arith.mulf %parallel_loop3A_442, %parallel_loop3A_444 : vector<16xf32>
        %parallel_loop3A_446 = arith.index_cast %parallel_loop3A_318 : i32 to index
        %parallel_loop3A_447 = arith.constant 160 : index
        %parallel_loop3A_448 = tpu.vector_load %arg6[%parallel_loop3A_446, %parallel_loop3A_447] {strides = array<i32>} : memref<64x512xf32, #tpu.memory_space<vmem>>, vector<1x16xf32>,
        %parallel_loop3A_449 = vector.shape_cast %parallel_loop3A_448 : vector<1x16xf32> to vector<16xf32>
        %parallel_loop3A_450 = vector.shape_cast %parallel_loop3A_445 : vector<16xf32> to vector<1x16xf32>
        tpu.vector_store %arg6[%parallel_loop3A_446, %parallel_loop3A_447], %parallel_loop3A_450 {strides = array<i32>} : memref<64x512xf32, #tpu.memory_space<vmem>>, vector<1x16xf32>,
        %parallel_loop3A_451 = arith.index_cast %parallel_loop3A_318 : i32 to index
        %parallel_loop3A_452 = arith.constant 176 : index
        %parallel_loop3A_453 = tpu.vector_load %arg6[%parallel_loop3A_451, %parallel_loop3A_452] {strides = array<i32>} : memref<64x512xf32, #tpu.memory_space<vmem>>, vector<1x16xf32>,
        %parallel_loop3A_454 = vector.shape_cast %parallel_loop3A_453 : vector<1x16xf32> to vector<16xf32>
        %parallel_loop3A_455 = arith.constant 22.6274166 : f32
        %parallel_loop3A_456 = vector.broadcast %parallel_loop3A_455 : f32 to vector<16xf32>
        %parallel_loop3A_457 = arith.mulf %parallel_loop3A_454, %parallel_loop3A_456 : vector<16xf32>
        %parallel_loop3A_458 = arith.index_cast %parallel_loop3A_318 : i32 to index
        %parallel_loop3A_459 = arith.constant 176 : index
        %parallel_loop3A_460 = tpu.vector_load %arg6[%parallel_loop3A_458, %parallel_loop3A_459] {strides = array<i32>} : memref<64x512xf32, #tpu.memory_space<vmem>>, vector<1x16xf32>,
        %parallel_loop3A_461 = vector.shape_cast %parallel_loop3A_460 : vector<1x16xf32> to vector<16xf32>
        %parallel_loop3A_462 = vector.shape_cast %parallel_loop3A_457 : vector<16xf32> to vector<1x16xf32>
        tpu.vector_store %arg6[%parallel_loop3A_458, %parallel_loop3A_459], %parallel_loop3A_462 {strides = array<i32>} : memref<64x512xf32, #tpu.memory_space<vmem>>, vector<1x16xf32>,
        %parallel_loop3A_463 = arith.index_cast %parallel_loop3A_318 : i32 to index
        %parallel_loop3A_464 = arith.constant 192 : index
        %parallel_loop3A_465 = tpu.vector_load %arg6[%parallel_loop3A_463, %parallel_loop3A_464] {strides = array<i32>} : memref<64x512xf32, #tpu.memory_space<vmem>>, vector<1x16xf32>,
        %parallel_loop3A_466 = vector.shape_cast %parallel_loop3A_465 : vector<1x16xf32> to vector<16xf32>
        %parallel_loop3A_467 = arith.constant 22.6274166 : f32
        %parallel_loop3A_468 = vector.broadcast %parallel_loop3A_467 : f32 to vector<16xf32>
        %parallel_loop3A_469 = arith.mulf %parallel_loop3A_466, %parallel_loop3A_468 : vector<16xf32>
        %parallel_loop3A_470 = arith.index_cast %parallel_loop3A_318 : i32 to index
        %parallel_loop3A_471 = arith.constant 192 : index
        %parallel_loop3A_472 = tpu.vector_load %arg6[%parallel_loop3A_470, %parallel_loop3A_471] {strides = array<i32>} : memref<64x512xf32, #tpu.memory_space<vmem>>, vector<1x16xf32>,
        %parallel_loop3A_473 = vector.shape_cast %parallel_loop3A_472 : vector<1x16xf32> to vector<16xf32>
        %parallel_loop3A_474 = vector.shape_cast %parallel_loop3A_469 : vector<16xf32> to vector<1x16xf32>
        tpu.vector_store %arg6[%parallel_loop3A_470, %parallel_loop3A_471], %parallel_loop3A_474 {strides = array<i32>} : memref<64x512xf32, #tpu.memory_space<vmem>>, vector<1x16xf32>,
        %parallel_loop3A_475 = arith.index_cast %parallel_loop3A_318 : i32 to index
        %parallel_loop3A_476 = arith.constant 208 : index
        %parallel_loop3A_477 = tpu.vector_load %arg6[%parallel_loop3A_475, %parallel_loop3A_476] {strides = array<i32>} : memref<64x512xf32, #tpu.memory_space<vmem>>, vector<1x16xf32>,
        %parallel_loop3A_478 = vector.shape_cast %parallel_loop3A_477 : vector<1x16xf32> to vector<16xf32>
        %parallel_loop3A_479 = arith.constant 22.6274166 : f32
        %parallel_loop3A_480 = vector.broadcast %parallel_loop3A_479 : f32 to vector<16xf32>
        %parallel_loop3A_481 = arith.mulf %parallel_loop3A_478, %parallel_loop3A_480 : vector<16xf32>
        %parallel_loop3A_482 = arith.index_cast %parallel_loop3A_318 : i32 to index
        %parallel_loop3A_483 = arith.constant 208 : index
        %parallel_loop3A_484 = tpu.vector_load %arg6[%parallel_loop3A_482, %parallel_loop3A_483] {strides = array<i32>} : memref<64x512xf32, #tpu.memory_space<vmem>>, vector<1x16xf32>,
        %parallel_loop3A_485 = vector.shape_cast %parallel_loop3A_484 : vector<1x16xf32> to vector<16xf32>
        %parallel_loop3A_486 = vector.shape_cast %parallel_loop3A_481 : vector<16xf32> to vector<1x16xf32>
        tpu.vector_store %arg6[%parallel_loop3A_482, %parallel_loop3A_483], %parallel_loop3A_486 {strides = array<i32>} : memref<64x512xf32, #tpu.memory_space<vmem>>, vector<1x16xf32>,
        %parallel_loop3A_487 = arith.index_cast %parallel_loop3A_318 : i32 to index
        %parallel_loop3A_488 = arith.constant 224 : index
        %parallel_loop3A_489 = tpu.vector_load %arg6[%parallel_loop3A_487, %parallel_loop3A_488] {strides = array<i32>} : memref<64x512xf32, #tpu.memory_space<vmem>>, vector<1x16xf32>,
        %parallel_loop3A_490 = vector.shape_cast %parallel_loop3A_489 : vector<1x16xf32> to vector<16xf32>
        %parallel_loop3A_491 = arith.constant 22.6274166 : f32
        %parallel_loop3A_492 = vector.broadcast %parallel_loop3A_491 : f32 to vector<16xf32>
        %parallel_loop3A_493 = arith.mulf %parallel_loop3A_490, %parallel_loop3A_492 : vector<16xf32>
        %parallel_loop3A_494 = arith.index_cast %parallel_loop3A_318 : i32 to index
        %parallel_loop3A_495 = arith.constant 224 : index
        %parallel_loop3A_496 = tpu.vector_load %arg6[%parallel_loop3A_494, %parallel_loop3A_495] {strides = array<i32>} : memref<64x512xf32, #tpu.memory_space<vmem>>, vector<1x16xf32>,
        %parallel_loop3A_497 = vector.shape_cast %parallel_loop3A_496 : vector<1x16xf32> to vector<16xf32>
        %parallel_loop3A_498 = vector.shape_cast %parallel_loop3A_493 : vector<16xf32> to vector<1x16xf32>
        tpu.vector_store %arg6[%parallel_loop3A_494, %parallel_loop3A_495], %parallel_loop3A_498 {strides = array<i32>} : memref<64x512xf32, #tpu.memory_space<vmem>>, vector<1x16xf32>,
        %parallel_loop3A_499 = arith.index_cast %parallel_loop3A_318 : i32 to index
        %parallel_loop3A_500 = arith.constant 240 : index
        %parallel_loop3A_501 = tpu.vector_load %arg6[%parallel_loop3A_499, %parallel_loop3A_500] {strides = array<i32>} : memref<64x512xf32, #tpu.memory_space<vmem>>, vector<1x16xf32>,
        %parallel_loop3A_502 = vector.shape_cast %parallel_loop3A_501 : vector<1x16xf32> to vector<16xf32>
        %parallel_loop3A_503 = arith.constant 22.6274166 : f32
        %parallel_loop3A_504 = vector.broadcast %parallel_loop3A_503 : f32 to vector<16xf32>
        %parallel_loop3A_505 = arith.mulf %parallel_loop3A_502, %parallel_loop3A_504 : vector<16xf32>
        %parallel_loop3A_506 = arith.index_cast %parallel_loop3A_318 : i32 to index
        %parallel_loop3A_507 = arith.constant 240 : index
        %parallel_loop3A_508 = tpu.vector_load %arg6[%parallel_loop3A_506, %parallel_loop3A_507] {strides = array<i32>} : memref<64x512xf32, #tpu.memory_space<vmem>>, vector<1x16xf32>,
        %parallel_loop3A_509 = vector.shape_cast %parallel_loop3A_508 : vector<1x16xf32> to vector<16xf32>
        %parallel_loop3A_510 = vector.shape_cast %parallel_loop3A_505 : vector<16xf32> to vector<1x16xf32>
        tpu.vector_store %arg6[%parallel_loop3A_506, %parallel_loop3A_507], %parallel_loop3A_510 {strides = array<i32>} : memref<64x512xf32, #tpu.memory_space<vmem>>, vector<1x16xf32>,
        %parallel_loop3A_511 = arith.index_cast %parallel_loop3A_318 : i32 to index
        %parallel_loop3A_512 = arith.constant 256 : index
        %parallel_loop3A_513 = tpu.vector_load %arg6[%parallel_loop3A_511, %parallel_loop3A_512] {strides = array<i32>} : memref<64x512xf32, #tpu.memory_space<vmem>>, vector<1x16xf32>,
        %parallel_loop3A_514 = vector.shape_cast %parallel_loop3A_513 : vector<1x16xf32> to vector<16xf32>
        %parallel_loop3A_515 = arith.constant 22.6274166 : f32
        %parallel_loop3A_516 = vector.broadcast %parallel_loop3A_515 : f32 to vector<16xf32>
        %parallel_loop3A_517 = arith.mulf %parallel_loop3A_514, %parallel_loop3A_516 : vector<16xf32>
        %parallel_loop3A_518 = arith.index_cast %parallel_loop3A_318 : i32 to index
        %parallel_loop3A_519 = arith.constant 256 : index
        %parallel_loop3A_520 = tpu.vector_load %arg6[%parallel_loop3A_518, %parallel_loop3A_519] {strides = array<i32>} : memref<64x512xf32, #tpu.memory_space<vmem>>, vector<1x16xf32>,
        %parallel_loop3A_521 = vector.shape_cast %parallel_loop3A_520 : vector<1x16xf32> to vector<16xf32>
        %parallel_loop3A_522 = vector.shape_cast %parallel_loop3A_517 : vector<16xf32> to vector<1x16xf32>
        tpu.vector_store %arg6[%parallel_loop3A_518, %parallel_loop3A_519], %parallel_loop3A_522 {strides = array<i32>} : memref<64x512xf32, #tpu.memory_space<vmem>>, vector<1x16xf32>,
        %parallel_loop3A_523 = arith.index_cast %parallel_loop3A_318 : i32 to index
        %parallel_loop3A_524 = arith.constant 272 : index
        %parallel_loop3A_525 = tpu.vector_load %arg6[%parallel_loop3A_523, %parallel_loop3A_524] {strides = array<i32>} : memref<64x512xf32, #tpu.memory_space<vmem>>, vector<1x16xf32>,
        %parallel_loop3A_526 = vector.shape_cast %parallel_loop3A_525 : vector<1x16xf32> to vector<16xf32>
        %parallel_loop3A_527 = arith.constant 22.6274166 : f32
        %parallel_loop3A_528 = vector.broadcast %parallel_loop3A_527 : f32 to vector<16xf32>
        %parallel_loop3A_529 = arith.mulf %parallel_loop3A_526, %parallel_loop3A_528 : vector<16xf32>
        %parallel_loop3A_530 = arith.index_cast %parallel_loop3A_318 : i32 to index
        %parallel_loop3A_531 = arith.constant 272 : index
        %parallel_loop3A_532 = tpu.vector_load %arg6[%parallel_loop3A_530, %parallel_loop3A_531] {strides = array<i32>} : memref<64x512xf32, #tpu.memory_space<vmem>>, vector<1x16xf32>,
        %parallel_loop3A_533 = vector.shape_cast %parallel_loop3A_532 : vector<1x16xf32> to vector<16xf32>
        %parallel_loop3A_534 = vector.shape_cast %parallel_loop3A_529 : vector<16xf32> to vector<1x16xf32>
        tpu.vector_store %arg6[%parallel_loop3A_530, %parallel_loop3A_531], %parallel_loop3A_534 {strides = array<i32>} : memref<64x512xf32, #tpu.memory_space<vmem>>, vector<1x16xf32>,
        %parallel_loop3A_535 = arith.index_cast %parallel_loop3A_318 : i32 to index
        %parallel_loop3A_536 = arith.constant 288 : index
        %parallel_loop3A_537 = tpu.vector_load %arg6[%parallel_loop3A_535, %parallel_loop3A_536] {strides = array<i32>} : memref<64x512xf32, #tpu.memory_space<vmem>>, vector<1x16xf32>,
        %parallel_loop3A_538 = vector.shape_cast %parallel_loop3A_537 : vector<1x16xf32> to vector<16xf32>
        %parallel_loop3A_539 = arith.constant 22.6274166 : f32
        %parallel_loop3A_540 = vector.broadcast %parallel_loop3A_539 : f32 to vector<16xf32>
        %parallel_loop3A_541 = arith.mulf %parallel_loop3A_538, %parallel_loop3A_540 : vector<16xf32>
        %parallel_loop3A_542 = arith.index_cast %parallel_loop3A_318 : i32 to index
        %parallel_loop3A_543 = arith.constant 288 : index
        %parallel_loop3A_544 = tpu.vector_load %arg6[%parallel_loop3A_542, %parallel_loop3A_543] {strides = array<i32>} : memref<64x512xf32, #tpu.memory_space<vmem>>, vector<1x16xf32>,
        %parallel_loop3A_545 = vector.shape_cast %parallel_loop3A_544 : vector<1x16xf32> to vector<16xf32>
        %parallel_loop3A_546 = vector.shape_cast %parallel_loop3A_541 : vector<16xf32> to vector<1x16xf32>
        tpu.vector_store %arg6[%parallel_loop3A_542, %parallel_loop3A_543], %parallel_loop3A_546 {strides = array<i32>} : memref<64x512xf32, #tpu.memory_space<vmem>>, vector<1x16xf32>,
        %parallel_loop3A_547 = arith.index_cast %parallel_loop3A_318 : i32 to index
        %parallel_loop3A_548 = arith.constant 304 : index
        %parallel_loop3A_549 = tpu.vector_load %arg6[%parallel_loop3A_547, %parallel_loop3A_548] {strides = array<i32>} : memref<64x512xf32, #tpu.memory_space<vmem>>, vector<1x16xf32>,
        %parallel_loop3A_550 = vector.shape_cast %parallel_loop3A_549 : vector<1x16xf32> to vector<16xf32>
        %parallel_loop3A_551 = arith.constant 22.6274166 : f32
        %parallel_loop3A_552 = vector.broadcast %parallel_loop3A_551 : f32 to vector<16xf32>
        %parallel_loop3A_553 = arith.mulf %parallel_loop3A_550, %parallel_loop3A_552 : vector<16xf32>
        %parallel_loop3A_554 = arith.index_cast %parallel_loop3A_318 : i32 to index
        %parallel_loop3A_555 = arith.constant 304 : index
        %parallel_loop3A_556 = tpu.vector_load %arg6[%parallel_loop3A_554, %parallel_loop3A_555] {strides = array<i32>} : memref<64x512xf32, #tpu.memory_space<vmem>>, vector<1x16xf32>,
        %parallel_loop3A_557 = vector.shape_cast %parallel_loop3A_556 : vector<1x16xf32> to vector<16xf32>
        %parallel_loop3A_558 = vector.shape_cast %parallel_loop3A_553 : vector<16xf32> to vector<1x16xf32>
        tpu.vector_store %arg6[%parallel_loop3A_554, %parallel_loop3A_555], %parallel_loop3A_558 {strides = array<i32>} : memref<64x512xf32, #tpu.memory_space<vmem>>, vector<1x16xf32>,
        %parallel_loop3A_559 = arith.index_cast %parallel_loop3A_318 : i32 to index
        %parallel_loop3A_560 = arith.constant 320 : index
        %parallel_loop3A_561 = tpu.vector_load %arg6[%parallel_loop3A_559, %parallel_loop3A_560] {strides = array<i32>} : memref<64x512xf32, #tpu.memory_space<vmem>>, vector<1x16xf32>,
        %parallel_loop3A_562 = vector.shape_cast %parallel_loop3A_561 : vector<1x16xf32> to vector<16xf32>
        %parallel_loop3A_563 = arith.constant 22.6274166 : f32
        %parallel_loop3A_564 = vector.broadcast %parallel_loop3A_563 : f32 to vector<16xf32>
        %parallel_loop3A_565 = arith.mulf %parallel_loop3A_562, %parallel_loop3A_564 : vector<16xf32>
        %parallel_loop3A_566 = arith.index_cast %parallel_loop3A_318 : i32 to index
        %parallel_loop3A_567 = arith.constant 320 : index
        %parallel_loop3A_568 = tpu.vector_load %arg6[%parallel_loop3A_566, %parallel_loop3A_567] {strides = array<i32>} : memref<64x512xf32, #tpu.memory_space<vmem>>, vector<1x16xf32>,
        %parallel_loop3A_569 = vector.shape_cast %parallel_loop3A_568 : vector<1x16xf32> to vector<16xf32>
        %parallel_loop3A_570 = vector.shape_cast %parallel_loop3A_565 : vector<16xf32> to vector<1x16xf32>
        tpu.vector_store %arg6[%parallel_loop3A_566, %parallel_loop3A_567], %parallel_loop3A_570 {strides = array<i32>} : memref<64x512xf32, #tpu.memory_space<vmem>>, vector<1x16xf32>,
        %parallel_loop3A_571 = arith.index_cast %parallel_loop3A_318 : i32 to index
        %parallel_loop3A_572 = arith.constant 336 : index
        %parallel_loop3A_573 = tpu.vector_load %arg6[%parallel_loop3A_571, %parallel_loop3A_572] {strides = array<i32>} : memref<64x512xf32, #tpu.memory_space<vmem>>, vector<1x16xf32>,
        %parallel_loop3A_574 = vector.shape_cast %parallel_loop3A_573 : vector<1x16xf32> to vector<16xf32>
        %parallel_loop3A_575 = arith.constant 22.6274166 : f32
        %parallel_loop3A_576 = vector.broadcast %parallel_loop3A_575 : f32 to vector<16xf32>
        %parallel_loop3A_577 = arith.mulf %parallel_loop3A_574, %parallel_loop3A_576 : vector<16xf32>
        %parallel_loop3A_578 = arith.index_cast %parallel_loop3A_318 : i32 to index
        %parallel_loop3A_579 = arith.constant 336 : index
        %parallel_loop3A_580 = tpu.vector_load %arg6[%parallel_loop3A_578, %parallel_loop3A_579] {strides = array<i32>} : memref<64x512xf32, #tpu.memory_space<vmem>>, vector<1x16xf32>,
        %parallel_loop3A_581 = vector.shape_cast %parallel_loop3A_580 : vector<1x16xf32> to vector<16xf32>
        %parallel_loop3A_582 = vector.shape_cast %parallel_loop3A_577 : vector<16xf32> to vector<1x16xf32>
        tpu.vector_store %arg6[%parallel_loop3A_578, %parallel_loop3A_579], %parallel_loop3A_582 {strides = array<i32>} : memref<64x512xf32, #tpu.memory_space<vmem>>, vector<1x16xf32>,
        %parallel_loop3A_583 = arith.index_cast %parallel_loop3A_318 : i32 to index
        %parallel_loop3A_584 = arith.constant 352 : index
        %parallel_loop3A_585 = tpu.vector_load %arg6[%parallel_loop3A_583, %parallel_loop3A_584] {strides = array<i32>} : memref<64x512xf32, #tpu.memory_space<vmem>>, vector<1x16xf32>,
        %parallel_loop3A_586 = vector.shape_cast %parallel_loop3A_585 : vector<1x16xf32> to vector<16xf32>
        %parallel_loop3A_587 = arith.constant 22.6274166 : f32
        %parallel_loop3A_588 = vector.broadcast %parallel_loop3A_587 : f32 to vector<16xf32>
        %parallel_loop3A_589 = arith.mulf %parallel_loop3A_586, %parallel_loop3A_588 : vector<16xf32>
        %parallel_loop3A_590 = arith.index_cast %parallel_loop3A_318 : i32 to index
        %parallel_loop3A_591 = arith.constant 352 : index
        %parallel_loop3A_592 = tpu.vector_load %arg6[%parallel_loop3A_590, %parallel_loop3A_591] {strides = array<i32>} : memref<64x512xf32, #tpu.memory_space<vmem>>, vector<1x16xf32>,
        %parallel_loop3A_593 = vector.shape_cast %parallel_loop3A_592 : vector<1x16xf32> to vector<16xf32>
        %parallel_loop3A_594 = vector.shape_cast %parallel_loop3A_589 : vector<16xf32> to vector<1x16xf32>
        tpu.vector_store %arg6[%parallel_loop3A_590, %parallel_loop3A_591], %parallel_loop3A_594 {strides = array<i32>} : memref<64x512xf32, #tpu.memory_space<vmem>>, vector<1x16xf32>,
        %parallel_loop3A_595 = arith.index_cast %parallel_loop3A_318 : i32 to index
        %parallel_loop3A_596 = arith.constant 368 : index
        %parallel_loop3A_597 = tpu.vector_load %arg6[%parallel_loop3A_595, %parallel_loop3A_596] {strides = array<i32>} : memref<64x512xf32, #tpu.memory_space<vmem>>, vector<1x16xf32>,
        %parallel_loop3A_598 = vector.shape_cast %parallel_loop3A_597 : vector<1x16xf32> to vector<16xf32>
        %parallel_loop3A_599 = arith.constant 22.6274166 : f32
        %parallel_loop3A_600 = vector.broadcast %parallel_loop3A_599 : f32 to vector<16xf32>
        %parallel_loop3A_601 = arith.mulf %parallel_loop3A_598, %parallel_loop3A_600 : vector<16xf32>
        %parallel_loop3A_602 = arith.index_cast %parallel_loop3A_318 : i32 to index
        %parallel_loop3A_603 = arith.constant 368 : index
        %parallel_loop3A_604 = tpu.vector_load %arg6[%parallel_loop3A_602, %parallel_loop3A_603] {strides = array<i32>} : memref<64x512xf32, #tpu.memory_space<vmem>>, vector<1x16xf32>,
        %parallel_loop3A_605 = vector.shape_cast %parallel_loop3A_604 : vector<1x16xf32> to vector<16xf32>
        %parallel_loop3A_606 = vector.shape_cast %parallel_loop3A_601 : vector<16xf32> to vector<1x16xf32>
        tpu.vector_store %arg6[%parallel_loop3A_602, %parallel_loop3A_603], %parallel_loop3A_606 {strides = array<i32>} : memref<64x512xf32, #tpu.memory_space<vmem>>, vector<1x16xf32>,
        %parallel_loop3A_607 = arith.index_cast %parallel_loop3A_318 : i32 to index
        %parallel_loop3A_608 = arith.constant 384 : index
        %parallel_loop3A_609 = tpu.vector_load %arg6[%parallel_loop3A_607, %parallel_loop3A_608] {strides = array<i32>} : memref<64x512xf32, #tpu.memory_space<vmem>>, vector<1x16xf32>,
        %parallel_loop3A_610 = vector.shape_cast %parallel_loop3A_609 : vector<1x16xf32> to vector<16xf32>
        %parallel_loop3A_611 = arith.constant 22.6274166 : f32
        %parallel_loop3A_612 = vector.broadcast %parallel_loop3A_611 : f32 to vector<16xf32>
        %parallel_loop3A_613 = arith.mulf %parallel_loop3A_610, %parallel_loop3A_612 : vector<16xf32>
        %parallel_loop3A_614 = arith.index_cast %parallel_loop3A_318 : i32 to index
        %parallel_loop3A_615 = arith.constant 384 : index
        %parallel_loop3A_616 = tpu.vector_load %arg6[%parallel_loop3A_614, %parallel_loop3A_615] {strides = array<i32>} : memref<64x512xf32, #tpu.memory_space<vmem>>, vector<1x16xf32>,
        %parallel_loop3A_617 = vector.shape_cast %parallel_loop3A_616 : vector<1x16xf32> to vector<16xf32>
        %parallel_loop3A_618 = vector.shape_cast %parallel_loop3A_613 : vector<16xf32> to vector<1x16xf32>
        tpu.vector_store %arg6[%parallel_loop3A_614, %parallel_loop3A_615], %parallel_loop3A_618 {strides = array<i32>} : memref<64x512xf32, #tpu.memory_space<vmem>>, vector<1x16xf32>,
        %parallel_loop3A_619 = arith.index_cast %parallel_loop3A_318 : i32 to index
        %parallel_loop3A_620 = arith.constant 400 : index
        %parallel_loop3A_621 = tpu.vector_load %arg6[%parallel_loop3A_619, %parallel_loop3A_620] {strides = array<i32>} : memref<64x512xf32, #tpu.memory_space<vmem>>, vector<1x16xf32>,
        %parallel_loop3A_622 = vector.shape_cast %parallel_loop3A_621 : vector<1x16xf32> to vector<16xf32>
        %parallel_loop3A_623 = arith.constant 22.6274166 : f32
        %parallel_loop3A_624 = vector.broadcast %parallel_loop3A_623 : f32 to vector<16xf32>
        %parallel_loop3A_625 = arith.mulf %parallel_loop3A_622, %parallel_loop3A_624 : vector<16xf32>
        %parallel_loop3A_626 = arith.index_cast %parallel_loop3A_318 : i32 to index
        %parallel_loop3A_627 = arith.constant 400 : index
        %parallel_loop3A_628 = tpu.vector_load %arg6[%parallel_loop3A_626, %parallel_loop3A_627] {strides = array<i32>} : memref<64x512xf32, #tpu.memory_space<vmem>>, vector<1x16xf32>,
        %parallel_loop3A_629 = vector.shape_cast %parallel_loop3A_628 : vector<1x16xf32> to vector<16xf32>
        %parallel_loop3A_630 = vector.shape_cast %parallel_loop3A_625 : vector<16xf32> to vector<1x16xf32>
        tpu.vector_store %arg6[%parallel_loop3A_626, %parallel_loop3A_627], %parallel_loop3A_630 {strides = array<i32>} : memref<64x512xf32, #tpu.memory_space<vmem>>, vector<1x16xf32>,
        %parallel_loop3A_631 = arith.index_cast %parallel_loop3A_318 : i32 to index
        %parallel_loop3A_632 = arith.constant 416 : index
        %parallel_loop3A_633 = tpu.vector_load %arg6[%parallel_loop3A_631, %parallel_loop3A_632] {strides = array<i32>} : memref<64x512xf32, #tpu.memory_space<vmem>>, vector<1x16xf32>,
        %parallel_loop3A_634 = vector.shape_cast %parallel_loop3A_633 : vector<1x16xf32> to vector<16xf32>
        %parallel_loop3A_635 = arith.constant 22.6274166 : f32
        %parallel_loop3A_636 = vector.broadcast %parallel_loop3A_635 : f32 to vector<16xf32>
        %parallel_loop3A_637 = arith.mulf %parallel_loop3A_634, %parallel_loop3A_636 : vector<16xf32>
        %parallel_loop3A_638 = arith.index_cast %parallel_loop3A_318 : i32 to index
        %parallel_loop3A_639 = arith.constant 416 : index
        %parallel_loop3A_640 = tpu.vector_load %arg6[%parallel_loop3A_638, %parallel_loop3A_639] {strides = array<i32>} : memref<64x512xf32, #tpu.memory_space<vmem>>, vector<1x16xf32>,
        %parallel_loop3A_641 = vector.shape_cast %parallel_loop3A_640 : vector<1x16xf32> to vector<16xf32>
        %parallel_loop3A_642 = vector.shape_cast %parallel_loop3A_637 : vector<16xf32> to vector<1x16xf32>
        tpu.vector_store %arg6[%parallel_loop3A_638, %parallel_loop3A_639], %parallel_loop3A_642 {strides = array<i32>} : memref<64x512xf32, #tpu.memory_space<vmem>>, vector<1x16xf32>,
        %parallel_loop3A_643 = arith.index_cast %parallel_loop3A_318 : i32 to index
        %parallel_loop3A_644 = arith.constant 432 : index
        %parallel_loop3A_645 = tpu.vector_load %arg6[%parallel_loop3A_643, %parallel_loop3A_644] {strides = array<i32>} : memref<64x512xf32, #tpu.memory_space<vmem>>, vector<1x16xf32>,
        %parallel_loop3A_646 = vector.shape_cast %parallel_loop3A_645 : vector<1x16xf32> to vector<16xf32>
        %parallel_loop3A_647 = arith.constant 22.6274166 : f32
        %parallel_loop3A_648 = vector.broadcast %parallel_loop3A_647 : f32 to vector<16xf32>
        %parallel_loop3A_649 = arith.mulf %parallel_loop3A_646, %parallel_loop3A_648 : vector<16xf32>
        %parallel_loop3A_650 = arith.index_cast %parallel_loop3A_318 : i32 to index
        %parallel_loop3A_651 = arith.constant 432 : index
        %parallel_loop3A_652 = tpu.vector_load %arg6[%parallel_loop3A_650, %parallel_loop3A_651] {strides = array<i32>} : memref<64x512xf32, #tpu.memory_space<vmem>>, vector<1x16xf32>,
        %parallel_loop3A_653 = vector.shape_cast %parallel_loop3A_652 : vector<1x16xf32> to vector<16xf32>
        %parallel_loop3A_654 = vector.shape_cast %parallel_loop3A_649 : vector<16xf32> to vector<1x16xf32>
        tpu.vector_store %arg6[%parallel_loop3A_650, %parallel_loop3A_651], %parallel_loop3A_654 {strides = array<i32>} : memref<64x512xf32, #tpu.memory_space<vmem>>, vector<1x16xf32>,
        %parallel_loop3A_655 = arith.index_cast %parallel_loop3A_318 : i32 to index
        %parallel_loop3A_656 = arith.constant 448 : index
        %parallel_loop3A_657 = tpu.vector_load %arg6[%parallel_loop3A_655, %parallel_loop3A_656] {strides = array<i32>} : memref<64x512xf32, #tpu.memory_space<vmem>>, vector<1x16xf32>,
        %parallel_loop3A_658 = vector.shape_cast %parallel_loop3A_657 : vector<1x16xf32> to vector<16xf32>
        %parallel_loop3A_659 = arith.constant 22.6274166 : f32
        %parallel_loop3A_660 = vector.broadcast %parallel_loop3A_659 : f32 to vector<16xf32>
        %parallel_loop3A_661 = arith.mulf %parallel_loop3A_658, %parallel_loop3A_660 : vector<16xf32>
        %parallel_loop3A_662 = arith.index_cast %parallel_loop3A_318 : i32 to index
        %parallel_loop3A_663 = arith.constant 448 : index
        %parallel_loop3A_664 = tpu.vector_load %arg6[%parallel_loop3A_662, %parallel_loop3A_663] {strides = array<i32>} : memref<64x512xf32, #tpu.memory_space<vmem>>, vector<1x16xf32>,
        %parallel_loop3A_665 = vector.shape_cast %parallel_loop3A_664 : vector<1x16xf32> to vector<16xf32>
        %parallel_loop3A_666 = vector.shape_cast %parallel_loop3A_661 : vector<16xf32> to vector<1x16xf32>
        tpu.vector_store %arg6[%parallel_loop3A_662, %parallel_loop3A_663], %parallel_loop3A_666 {strides = array<i32>} : memref<64x512xf32, #tpu.memory_space<vmem>>, vector<1x16xf32>,
        %parallel_loop3A_667 = arith.index_cast %parallel_loop3A_318 : i32 to index
        %parallel_loop3A_668 = arith.constant 464 : index
        %parallel_loop3A_669 = tpu.vector_load %arg6[%parallel_loop3A_667, %parallel_loop3A_668] {strides = array<i32>} : memref<64x512xf32, #tpu.memory_space<vmem>>, vector<1x16xf32>,
        %parallel_loop3A_670 = vector.shape_cast %parallel_loop3A_669 : vector<1x16xf32> to vector<16xf32>
        %parallel_loop3A_671 = arith.constant 22.6274166 : f32
        %parallel_loop3A_672 = vector.broadcast %parallel_loop3A_671 : f32 to vector<16xf32>
        %parallel_loop3A_673 = arith.mulf %parallel_loop3A_670, %parallel_loop3A_672 : vector<16xf32>
        %parallel_loop3A_674 = arith.index_cast %parallel_loop3A_318 : i32 to index
        %parallel_loop3A_675 = arith.constant 464 : index
        %parallel_loop3A_676 = tpu.vector_load %arg6[%parallel_loop3A_674, %parallel_loop3A_675] {strides = array<i32>} : memref<64x512xf32, #tpu.memory_space<vmem>>, vector<1x16xf32>,
        %parallel_loop3A_677 = vector.shape_cast %parallel_loop3A_676 : vector<1x16xf32> to vector<16xf32>
        %parallel_loop3A_678 = vector.shape_cast %parallel_loop3A_673 : vector<16xf32> to vector<1x16xf32>
        tpu.vector_store %arg6[%parallel_loop3A_674, %parallel_loop3A_675], %parallel_loop3A_678 {strides = array<i32>} : memref<64x512xf32, #tpu.memory_space<vmem>>, vector<1x16xf32>,
        %parallel_loop3A_679 = arith.index_cast %parallel_loop3A_318 : i32 to index
        %parallel_loop3A_680 = arith.constant 480 : index
        %parallel_loop3A_681 = tpu.vector_load %arg6[%parallel_loop3A_679, %parallel_loop3A_680] {strides = array<i32>} : memref<64x512xf32, #tpu.memory_space<vmem>>, vector<1x16xf32>,
        %parallel_loop3A_682 = vector.shape_cast %parallel_loop3A_681 : vector<1x16xf32> to vector<16xf32>
        %parallel_loop3A_683 = arith.constant 22.6274166 : f32
        %parallel_loop3A_684 = vector.broadcast %parallel_loop3A_683 : f32 to vector<16xf32>
        %parallel_loop3A_685 = arith.mulf %parallel_loop3A_682, %parallel_loop3A_684 : vector<16xf32>
        %parallel_loop3A_686 = arith.index_cast %parallel_loop3A_318 : i32 to index
        %parallel_loop3A_687 = arith.constant 480 : index
        %parallel_loop3A_688 = tpu.vector_load %arg6[%parallel_loop3A_686, %parallel_loop3A_687] {strides = array<i32>} : memref<64x512xf32, #tpu.memory_space<vmem>>, vector<1x16xf32>,
        %parallel_loop3A_689 = vector.shape_cast %parallel_loop3A_688 : vector<1x16xf32> to vector<16xf32>
        %parallel_loop3A_690 = vector.shape_cast %parallel_loop3A_685 : vector<16xf32> to vector<1x16xf32>
        tpu.vector_store %arg6[%parallel_loop3A_686, %parallel_loop3A_687], %parallel_loop3A_690 {strides = array<i32>} : memref<64x512xf32, #tpu.memory_space<vmem>>, vector<1x16xf32>,
        %parallel_loop3A_691 = arith.index_cast %parallel_loop3A_318 : i32 to index
        %parallel_loop3A_692 = arith.constant 496 : index
        %parallel_loop3A_693 = tpu.vector_load %arg6[%parallel_loop3A_691, %parallel_loop3A_692] {strides = array<i32>} : memref<64x512xf32, #tpu.memory_space<vmem>>, vector<1x16xf32>,
        %parallel_loop3A_694 = vector.shape_cast %parallel_loop3A_693 : vector<1x16xf32> to vector<16xf32>
        %parallel_loop3A_695 = arith.constant 22.6274166 : f32
        %parallel_loop3A_696 = vector.broadcast %parallel_loop3A_695 : f32 to vector<16xf32>
        %parallel_loop3A_697 = arith.mulf %parallel_loop3A_694, %parallel_loop3A_696 : vector<16xf32>
        %parallel_loop3A_698 = arith.index_cast %parallel_loop3A_318 : i32 to index
        %parallel_loop3A_699 = arith.constant 496 : index
        %parallel_loop3A_700 = tpu.vector_load %arg6[%parallel_loop3A_698, %parallel_loop3A_699] {strides = array<i32>} : memref<64x512xf32, #tpu.memory_space<vmem>>, vector<1x16xf32>,
        %parallel_loop3A_701 = vector.shape_cast %parallel_loop3A_700 : vector<1x16xf32> to vector<16xf32>
        %parallel_loop3A_702 = vector.shape_cast %parallel_loop3A_697 : vector<16xf32> to vector<1x16xf32>
        tpu.vector_store %arg6[%parallel_loop3A_698, %parallel_loop3A_699], %parallel_loop3A_702 {strides = array<i32>} : memref<64x512xf32, #tpu.memory_space<vmem>>, vector<1x16xf32>,
      } {sc.loop_unroll_factor = 1 : i64, sc.parallel_access}
      %jit3A = arith.constant 2 : i32
      %div3A = arith.divsi %add3A_85, %jit3A : i32
      %sign3A = arith.constant 0 : i32
      %sign3A_95 = arith.cmpi sgt, %add3A_85, %sign3A : i32
      %sign3A_96 = arith.extui %sign3A_95 : i1 to i32
      %sign3A_97 = arith.constant 0 : i32
      %sign3A_98 = arith.cmpi slt, %add3A_85, %sign3A_97 : i32
      %sign3A_99 = arith.extui %sign3A_98 : i1 to i32
      %sign3A_100 = arith.subi %sign3A_96, %sign3A_99 : i32
      %sign3A_101 = arith.constant 0 : i32
      %sign3A_102 = arith.cmpi sgt, %jit3A, %sign3A_101 : i32
      %sign3A_103 = arith.extui %sign3A_102 : i1 to i32
      %sign3A_104 = arith.constant 0 : i32
      %sign3A_105 = arith.cmpi slt, %jit3A, %sign3A_104 : i32
      %sign3A_106 = arith.extui %sign3A_105 : i1 to i32
      %sign3A_107 = arith.subi %sign3A_103, %sign3A_106 : i32
      %ne3A = arith.cmpi ne, %sign3A_100, %sign3A_107 : i32
      %rem3A = arith.remsi %add3A_85, %jit3A : i32
      %ne3A_108 = arith.constant 0 : i32
      %ne3A_109 = arith.cmpi ne, %rem3A, %ne3A_108 : i32
      %and3A = arith.andi %ne3A, %ne3A_109 : i1
      %sub3A = arith.constant 1 : i32
      %sub3A_110 = arith.subi %div3A, %sub3A : i32
      %select_n3A = arith.select %and3A, %sub3A_110, %div3A : i32
      %jit3A_111 = arith.constant 2 : i32
      %eq3A = arith.constant 0 : i32
      %eq3A_112 = arith.cmpi eq, %jit3A_111, %eq3A : i32
      %jit3A_113 = arith.constant 1 : i32
      %select_n3A_114 = arith.select %eq3A_112, %jit3A_113, %jit3A_111 : i32
      %rem3A_115 = arith.remsi %add3A_85, %select_n3A_114 : i32
      %ne3A_116 = arith.constant 0 : i32
      %ne3A_117 = arith.cmpi ne, %rem3A_115, %ne3A_116 : i32
      %lt3A = arith.constant 0 : i32
      %lt3A_118 = arith.cmpi slt, %rem3A_115, %lt3A : i32
      %lt3A_119 = arith.constant 0 : i32
      %lt3A_120 = arith.cmpi slt, %select_n3A_114, %lt3A_119 : i32
      %ne3A_121 = arith.xori %lt3A_118, %lt3A_120 : i1
      %and3A_122 = arith.andi %ne3A_121, %ne3A_117 : i1
      %add3A_123 = arith.addi %rem3A_115, %select_n3A_114 : i32
      %select_n3A_124 = arith.select %and3A_122, %add3A_123, %rem3A_115 : i32
      %mul3A_125 = arith.constant 128 : i32
      %mul3A_126 = arith.muli %add3A, %mul3A_125 : i32
      %mul3A_127 = arith.constant 64 : i32
      %mul3A_128 = arith.muli %select_n3A_124, %mul3A_127 : i32
      %add3A_129 = arith.addi %mul3A_126, %mul3A_128 : i32
      %dma_start3A_130 = arith.constant 0 : i32
      %dma_start3A_131 = tpu.memref_slice %arg4[%select_n3A, %add3A_129, %dma_start3A_130] : memref<50x4096x512xf32, #tpu.memory_space<hbm>> -> memref<1x64x512xf32, #tpu.memory_space<hbm>>
      %dma_start3A_132 = tpu.memref_squeeze %dma_start3A_131 : memref<1x64x512xf32, #tpu.memory_space<hbm>> -> memref<64x512xf32, #tpu.memory_space<hbm>>
      %dma_start3A_133 = arith.constant 0 : i32
      %dma_start3A_134 = tpu.memref_slice %arg4[%select_n3A, %add3A_129, %dma_start3A_133] : memref<50x4096x512xf32, #tpu.memory_space<hbm>> -> memref<1x64x512xf32, #tpu.memory_space<hbm>>
      %dma_start3A_135 = tpu.memref_squeeze %dma_start3A_134 : memref<1x64x512xf32, #tpu.memory_space<hbm>> -> memref<64x512xf32, #tpu.memory_space<hbm>>
      tpu.enqueue_dma source(%arg6 : memref<64x512xf32, #tpu.memory_space<vmem>>) target(%dma_start3A_135 : memref<64x512xf32, #tpu.memory_space<hbm>>) target_semaphore(%arg10 : memref<!tpu.dma_semaphore, #tpu.memory_space<semaphore_mem>>)
      %jit3A_136 = arith.constant 2 : i32
      %div3A_137 = arith.divsi %add3A_85, %jit3A_136 : i32
      %sign3A_138 = arith.constant 0 : i32
      %sign3A_139 = arith.cmpi sgt, %add3A_85, %sign3A_138 : i32
      %sign3A_140 = arith.extui %sign3A_139 : i1 to i32
      %sign3A_141 = arith.constant 0 : i32
      %sign3A_142 = arith.cmpi slt, %add3A_85, %sign3A_141 : i32
      %sign3A_143 = arith.extui %sign3A_142 : i1 to i32
      %sign3A_144 = arith.subi %sign3A_140, %sign3A_143 : i32
      %sign3A_145 = arith.constant 0 : i32
      %sign3A_146 = arith.cmpi sgt, %jit3A_136, %sign3A_145 : i32
      %sign3A_147 = arith.extui %sign3A_146 : i1 to i32
      %sign3A_148 = arith.constant 0 : i32
      %sign3A_149 = arith.cmpi slt, %jit3A_136, %sign3A_148 : i32
      %sign3A_150 = arith.extui %sign3A_149 : i1 to i32
      %sign3A_151 = arith.subi %sign3A_147, %sign3A_150 : i32
      %ne3A_152 = arith.cmpi ne, %sign3A_144, %sign3A_151 : i32
      %rem3A_153 = arith.remsi %add3A_85, %jit3A_136 : i32
      %ne3A_154 = arith.constant 0 : i32
      %ne3A_155 = arith.cmpi ne, %rem3A_153, %ne3A_154 : i32
      %and3A_156 = arith.andi %ne3A_152, %ne3A_155 : i1
      %sub3A_157 = arith.constant 1 : i32
      %sub3A_158 = arith.subi %div3A_137, %sub3A_157 : i32
      %select_n3A_159 = arith.select %and3A_156, %sub3A_158, %div3A_137 : i32
      %jit3A_160 = arith.constant 2 : i32
      %eq3A_161 = arith.constant 0 : i32
      %eq3A_162 = arith.cmpi eq, %jit3A_160, %eq3A_161 : i32
      %jit3A_163 = arith.constant 1 : i32
      %select_n3A_164 = arith.select %eq3A_162, %jit3A_163, %jit3A_160 : i32
      %rem3A_165 = arith.remsi %add3A_85, %select_n3A_164 : i32
      %ne3A_166 = arith.constant 0 : i32
      %ne3A_167 = arith.cmpi ne, %rem3A_165, %ne3A_166 : i32
      %lt3A_168 = arith.constant 0 : i32
      %lt3A_169 = arith.cmpi slt, %rem3A_165, %lt3A_168 : i32
      %lt3A_170 = arith.constant 0 : i32
      %lt3A_171 = arith.cmpi slt, %select_n3A_164, %lt3A_170 : i32
      %ne3A_172 = arith.xori %lt3A_169, %lt3A_171 : i1
      %and3A_173 = arith.andi %ne3A_172, %ne3A_167 : i1
      %add3A_174 = arith.addi %rem3A_165, %select_n3A_164 : i32
      %select_n3A_175 = arith.select %and3A_173, %add3A_174, %rem3A_165 : i32
      %mul3A_176 = arith.constant 128 : i32
      %mul3A_177 = arith.muli %add3A, %mul3A_176 : i32
      %mul3A_178 = arith.constant 64 : i32
      %mul3A_179 = arith.muli %select_n3A_175, %mul3A_178 : i32
      %add3A_180 = arith.addi %mul3A_177, %mul3A_179 : i32
      %dma_wait3A_181 = arith.constant 0 : i32
      %dma_wait3A_182 = tpu.memref_slice %arg4[%select_n3A_159, %add3A_180, %dma_wait3A_181] : memref<50x4096x512xf32, #tpu.memory_space<hbm>> -> memref<1x64x512xf32, #tpu.memory_space<hbm>>
      %dma_wait3A_183 = tpu.memref_squeeze %dma_wait3A_182 : memref<1x64x512xf32, #tpu.memory_space<hbm>> -> memref<64x512xf32, #tpu.memory_space<hbm>>
      %dma_wait3A_184 = arith.constant 0 : i32
      %dma_wait3A_185 = tpu.memref_slice %arg4[%select_n3A_159, %add3A_180, %dma_wait3A_184] : memref<50x4096x512xf32, #tpu.memory_space<hbm>> -> memref<1x64x512xf32, #tpu.memory_space<hbm>>
      %dma_wait3A_186 = tpu.memref_squeeze %dma_wait3A_185 : memref<1x64x512xf32, #tpu.memory_space<hbm>> -> memref<64x512xf32, #tpu.memory_space<hbm>>
      tpu.wait_dma2 semaphore(%arg10 : memref<!tpu.dma_semaphore, #tpu.memory_space<semaphore_mem>>) src(%arg6 : memref<64x512xf32, #tpu.memory_space<vmem>>) dst(%dma_wait3A_186 : memref<64x512xf32, #tpu.memory_space<hbm>>)
      %add3A_187 = arith.constant 2 : i32
      %add3A_188 = arith.addi %add3A_85, %add3A_187 : i32
      %dma_start3A_189 = arith.constant 0 : i32
      %dma_start3A_190 = tpu.memref_slice %arg5[%add3A_188, %dma_start3A_189] : memref<100x64xi32, #tpu.memory_space<vmem>> -> memref<1x64xi32, #tpu.memory_space<vmem>>
      %dma_start3A_191 = tpu.memref_squeeze %dma_start3A_190 : memref<1x64xi32, #tpu.memory_space<vmem>> -> memref<64xi32, #tpu.memory_space<vmem>>
      %dma_start3A_192 = arith.constant 0 : i32
      %dma_start3A_193 = arith.constant 0 : i32
      %dma_start3A_194 = tpu.memref_slice %arg2[%dma_start3A_192, %dma_start3A_193] : memref<100000x512xf32, #tpu.memory_space<hbm>> -> memref<100000x512xf32, #tpu.memory_space<hbm>>
      tpu.enqueue_indirect_dma source(%dma_start3A_194 : memref<100000x512xf32, #tpu.memory_space<hbm>>) target(%arg6 : memref<64x512xf32, #tpu.memory_space<vmem>>) offsets(%dma_start3A_191 : memref<64xi32, #tpu.memory_space<vmem>>) semaphore(%arg8 : memref<!tpu.dma_semaphore, #tpu.memory_space<semaphore_mem>>)
      %mul3A_195 = arith.constant 2 : i32
      %mul3A_196 = arith.muli %scan3A_81, %mul3A_195 : i32
      %add3A_197 = arith.constant 1 : i32
      %add3A_198 = arith.addi %mul3A_196, %add3A_197 : i32
      %dma_wait3A_199 = arith.constant 0 : i32
      %dma_wait3A_200 = tpu.memref_slice %arg5[%add3A_198, %dma_wait3A_199] : memref<100x64xi32, #tpu.memory_space<vmem>> -> memref<1x64xi32, #tpu.memory_space<vmem>>
      %dma_wait3A_201 = tpu.memref_squeeze %dma_wait3A_200 : memref<1x64xi32, #tpu.memory_space<vmem>> -> memref<64xi32, #tpu.memory_space<vmem>>
      %dma_wait3A_202 = arith.constant 0 : i32
      %dma_wait3A_203 = arith.constant 0 : i32
      %dma_wait3A_204 = tpu.memref_slice %arg2[%dma_wait3A_202, %dma_wait3A_203] : memref<100000x512xf32, #tpu.memory_space<hbm>> -> memref<100000x512xf32, #tpu.memory_space<hbm>>
      tpu.wait_indirect_dma semaphore(%arg9 : memref<!tpu.dma_semaphore, #tpu.memory_space<semaphore_mem>>) src(%dma_wait3A_204 : memref<100000x512xf32, #tpu.memory_space<hbm>>) dst(%arg7 : memref<64x512xf32, #tpu.memory_space<vmem>>)
      %parallel_loop3A_205 = arith.constant 0 : i32
      %parallel_loop3A_206 = arith.constant 64 : i32
      %parallel_loop3A_207 = arith.constant 1 : i32
      scf.for %parallel_loop3A_318 = %parallel_loop3A_205 to %parallel_loop3A_206 step %parallel_loop3A_207  : i32 {
        %parallel_loop3A_319 = arith.index_cast %parallel_loop3A_318 : i32 to index
        %parallel_loop3A_320 = arith.constant 0 : index
        %parallel_loop3A_321 = tpu.vector_load %arg7[%parallel_loop3A_319, %parallel_loop3A_320] {strides = array<i32>} : memref<64x512xf32, #tpu.memory_space<vmem>>, vector<1x16xf32>,
        %parallel_loop3A_322 = vector.shape_cast %parallel_loop3A_321 : vector<1x16xf32> to vector<16xf32>
        %parallel_loop3A_323 = arith.constant 22.6274166 : f32
        %parallel_loop3A_324 = vector.broadcast %parallel_loop3A_323 : f32 to vector<16xf32>
        %parallel_loop3A_325 = arith.mulf %parallel_loop3A_322, %parallel_loop3A_324 : vector<16xf32>
        %parallel_loop3A_326 = arith.index_cast %parallel_loop3A_318 : i32 to index
        %parallel_loop3A_327 = arith.constant 0 : index
        %parallel_loop3A_328 = tpu.vector_load %arg7[%parallel_loop3A_326, %parallel_loop3A_327] {strides = array<i32>} : memref<64x512xf32, #tpu.memory_space<vmem>>, vector<1x16xf32>,
        %parallel_loop3A_329 = vector.shape_cast %parallel_loop3A_328 : vector<1x16xf32> to vector<16xf32>
        %parallel_loop3A_330 = vector.shape_cast %parallel_loop3A_325 : vector<16xf32> to vector<1x16xf32>
        tpu.vector_store %arg7[%parallel_loop3A_326, %parallel_loop3A_327], %parallel_loop3A_330 {strides = array<i32>} : memref<64x512xf32, #tpu.memory_space<vmem>>, vector<1x16xf32>,
        %parallel_loop3A_331 = arith.index_cast %parallel_loop3A_318 : i32 to index
        %parallel_loop3A_332 = arith.constant 16 : index
        %parallel_loop3A_333 = tpu.vector_load %arg7[%parallel_loop3A_331, %parallel_loop3A_332] {strides = array<i32>} : memref<64x512xf32, #tpu.memory_space<vmem>>, vector<1x16xf32>,
        %parallel_loop3A_334 = vector.shape_cast %parallel_loop3A_333 : vector<1x16xf32> to vector<16xf32>
        %parallel_loop3A_335 = arith.constant 22.6274166 : f32
        %parallel_loop3A_336 = vector.broadcast %parallel_loop3A_335 : f32 to vector<16xf32>
        %parallel_loop3A_337 = arith.mulf %parallel_loop3A_334, %parallel_loop3A_336 : vector<16xf32>
        %parallel_loop3A_338 = arith.index_cast %parallel_loop3A_318 : i32 to index
        %parallel_loop3A_339 = arith.constant 16 : index
        %parallel_loop3A_340 = tpu.vector_load %arg7[%parallel_loop3A_338, %parallel_loop3A_339] {strides = array<i32>} : memref<64x512xf32, #tpu.memory_space<vmem>>, vector<1x16xf32>,
        %parallel_loop3A_341 = vector.shape_cast %parallel_loop3A_340 : vector<1x16xf32> to vector<16xf32>
        %parallel_loop3A_342 = vector.shape_cast %parallel_loop3A_337 : vector<16xf32> to vector<1x16xf32>
        tpu.vector_store %arg7[%parallel_loop3A_338, %parallel_loop3A_339], %parallel_loop3A_342 {strides = array<i32>} : memref<64x512xf32, #tpu.memory_space<vmem>>, vector<1x16xf32>,
        %parallel_loop3A_343 = arith.index_cast %parallel_loop3A_318 : i32 to index
        %parallel_loop3A_344 = arith.constant 32 : index
        %parallel_loop3A_345 = tpu.vector_load %arg7[%parallel_loop3A_343, %parallel_loop3A_344] {strides = array<i32>} : memref<64x512xf32, #tpu.memory_space<vmem>>, vector<1x16xf32>,
        %parallel_loop3A_346 = vector.shape_cast %parallel_loop3A_345 : vector<1x16xf32> to vector<16xf32>
        %parallel_loop3A_347 = arith.constant 22.6274166 : f32
        %parallel_loop3A_348 = vector.broadcast %parallel_loop3A_347 : f32 to vector<16xf32>
        %parallel_loop3A_349 = arith.mulf %parallel_loop3A_346, %parallel_loop3A_348 : vector<16xf32>
        %parallel_loop3A_350 = arith.index_cast %parallel_loop3A_318 : i32 to index
        %parallel_loop3A_351 = arith.constant 32 : index
        %parallel_loop3A_352 = tpu.vector_load %arg7[%parallel_loop3A_350, %parallel_loop3A_351] {strides = array<i32>} : memref<64x512xf32, #tpu.memory_space<vmem>>, vector<1x16xf32>,
        %parallel_loop3A_353 = vector.shape_cast %parallel_loop3A_352 : vector<1x16xf32> to vector<16xf32>
        %parallel_loop3A_354 = vector.shape_cast %parallel_loop3A_349 : vector<16xf32> to vector<1x16xf32>
        tpu.vector_store %arg7[%parallel_loop3A_350, %parallel_loop3A_351], %parallel_loop3A_354 {strides = array<i32>} : memref<64x512xf32, #tpu.memory_space<vmem>>, vector<1x16xf32>,
        %parallel_loop3A_355 = arith.index_cast %parallel_loop3A_318 : i32 to index
        %parallel_loop3A_356 = arith.constant 48 : index
        %parallel_loop3A_357 = tpu.vector_load %arg7[%parallel_loop3A_355, %parallel_loop3A_356] {strides = array<i32>} : memref<64x512xf32, #tpu.memory_space<vmem>>, vector<1x16xf32>,
        %parallel_loop3A_358 = vector.shape_cast %parallel_loop3A_357 : vector<1x16xf32> to vector<16xf32>
        %parallel_loop3A_359 = arith.constant 22.6274166 : f32
        %parallel_loop3A_360 = vector.broadcast %parallel_loop3A_359 : f32 to vector<16xf32>
        %parallel_loop3A_361 = arith.mulf %parallel_loop3A_358, %parallel_loop3A_360 : vector<16xf32>
        %parallel_loop3A_362 = arith.index_cast %parallel_loop3A_318 : i32 to index
        %parallel_loop3A_363 = arith.constant 48 : index
        %parallel_loop3A_364 = tpu.vector_load %arg7[%parallel_loop3A_362, %parallel_loop3A_363] {strides = array<i32>} : memref<64x512xf32, #tpu.memory_space<vmem>>, vector<1x16xf32>,
        %parallel_loop3A_365 = vector.shape_cast %parallel_loop3A_364 : vector<1x16xf32> to vector<16xf32>
        %parallel_loop3A_366 = vector.shape_cast %parallel_loop3A_361 : vector<16xf32> to vector<1x16xf32>
        tpu.vector_store %arg7[%parallel_loop3A_362, %parallel_loop3A_363], %parallel_loop3A_366 {strides = array<i32>} : memref<64x512xf32, #tpu.memory_space<vmem>>, vector<1x16xf32>,
        %parallel_loop3A_367 = arith.index_cast %parallel_loop3A_318 : i32 to index
        %parallel_loop3A_368 = arith.constant 64 : index
        %parallel_loop3A_369 = tpu.vector_load %arg7[%parallel_loop3A_367, %parallel_loop3A_368] {strides = array<i32>} : memref<64x512xf32, #tpu.memory_space<vmem>>, vector<1x16xf32>,
        %parallel_loop3A_370 = vector.shape_cast %parallel_loop3A_369 : vector<1x16xf32> to vector<16xf32>
        %parallel_loop3A_371 = arith.constant 22.6274166 : f32
        %parallel_loop3A_372 = vector.broadcast %parallel_loop3A_371 : f32 to vector<16xf32>
        %parallel_loop3A_373 = arith.mulf %parallel_loop3A_370, %parallel_loop3A_372 : vector<16xf32>
        %parallel_loop3A_374 = arith.index_cast %parallel_loop3A_318 : i32 to index
        %parallel_loop3A_375 = arith.constant 64 : index
        %parallel_loop3A_376 = tpu.vector_load %arg7[%parallel_loop3A_374, %parallel_loop3A_375] {strides = array<i32>} : memref<64x512xf32, #tpu.memory_space<vmem>>, vector<1x16xf32>,
        %parallel_loop3A_377 = vector.shape_cast %parallel_loop3A_376 : vector<1x16xf32> to vector<16xf32>
        %parallel_loop3A_378 = vector.shape_cast %parallel_loop3A_373 : vector<16xf32> to vector<1x16xf32>
        tpu.vector_store %arg7[%parallel_loop3A_374, %parallel_loop3A_375], %parallel_loop3A_378 {strides = array<i32>} : memref<64x512xf32, #tpu.memory_space<vmem>>, vector<1x16xf32>,
        %parallel_loop3A_379 = arith.index_cast %parallel_loop3A_318 : i32 to index
        %parallel_loop3A_380 = arith.constant 80 : index
        %parallel_loop3A_381 = tpu.vector_load %arg7[%parallel_loop3A_379, %parallel_loop3A_380] {strides = array<i32>} : memref<64x512xf32, #tpu.memory_space<vmem>>, vector<1x16xf32>,
        %parallel_loop3A_382 = vector.shape_cast %parallel_loop3A_381 : vector<1x16xf32> to vector<16xf32>
        %parallel_loop3A_383 = arith.constant 22.6274166 : f32
        %parallel_loop3A_384 = vector.broadcast %parallel_loop3A_383 : f32 to vector<16xf32>
        %parallel_loop3A_385 = arith.mulf %parallel_loop3A_382, %parallel_loop3A_384 : vector<16xf32>
        %parallel_loop3A_386 = arith.index_cast %parallel_loop3A_318 : i32 to index
        %parallel_loop3A_387 = arith.constant 80 : index
        %parallel_loop3A_388 = tpu.vector_load %arg7[%parallel_loop3A_386, %parallel_loop3A_387] {strides = array<i32>} : memref<64x512xf32, #tpu.memory_space<vmem>>, vector<1x16xf32>,
        %parallel_loop3A_389 = vector.shape_cast %parallel_loop3A_388 : vector<1x16xf32> to vector<16xf32>
        %parallel_loop3A_390 = vector.shape_cast %parallel_loop3A_385 : vector<16xf32> to vector<1x16xf32>
        tpu.vector_store %arg7[%parallel_loop3A_386, %parallel_loop3A_387], %parallel_loop3A_390 {strides = array<i32>} : memref<64x512xf32, #tpu.memory_space<vmem>>, vector<1x16xf32>,
        %parallel_loop3A_391 = arith.index_cast %parallel_loop3A_318 : i32 to index
        %parallel_loop3A_392 = arith.constant 96 : index
        %parallel_loop3A_393 = tpu.vector_load %arg7[%parallel_loop3A_391, %parallel_loop3A_392] {strides = array<i32>} : memref<64x512xf32, #tpu.memory_space<vmem>>, vector<1x16xf32>,
        %parallel_loop3A_394 = vector.shape_cast %parallel_loop3A_393 : vector<1x16xf32> to vector<16xf32>
        %parallel_loop3A_395 = arith.constant 22.6274166 : f32
        %parallel_loop3A_396 = vector.broadcast %parallel_loop3A_395 : f32 to vector<16xf32>
        %parallel_loop3A_397 = arith.mulf %parallel_loop3A_394, %parallel_loop3A_396 : vector<16xf32>
        %parallel_loop3A_398 = arith.index_cast %parallel_loop3A_318 : i32 to index
        %parallel_loop3A_399 = arith.constant 96 : index
        %parallel_loop3A_400 = tpu.vector_load %arg7[%parallel_loop3A_398, %parallel_loop3A_399] {strides = array<i32>} : memref<64x512xf32, #tpu.memory_space<vmem>>, vector<1x16xf32>,
        %parallel_loop3A_401 = vector.shape_cast %parallel_loop3A_400 : vector<1x16xf32> to vector<16xf32>
        %parallel_loop3A_402 = vector.shape_cast %parallel_loop3A_397 : vector<16xf32> to vector<1x16xf32>
        tpu.vector_store %arg7[%parallel_loop3A_398, %parallel_loop3A_399], %parallel_loop3A_402 {strides = array<i32>} : memref<64x512xf32, #tpu.memory_space<vmem>>, vector<1x16xf32>,
        %parallel_loop3A_403 = arith.index_cast %parallel_loop3A_318 : i32 to index
        %parallel_loop3A_404 = arith.constant 112 : index
        %parallel_loop3A_405 = tpu.vector_load %arg7[%parallel_loop3A_403, %parallel_loop3A_404] {strides = array<i32>} : memref<64x512xf32, #tpu.memory_space<vmem>>, vector<1x16xf32>,
        %parallel_loop3A_406 = vector.shape_cast %parallel_loop3A_405 : vector<1x16xf32> to vector<16xf32>
        %parallel_loop3A_407 = arith.constant 22.6274166 : f32
        %parallel_loop3A_408 = vector.broadcast %parallel_loop3A_407 : f32 to vector<16xf32>
        %parallel_loop3A_409 = arith.mulf %parallel_loop3A_406, %parallel_loop3A_408 : vector<16xf32>
        %parallel_loop3A_410 = arith.index_cast %parallel_loop3A_318 : i32 to index
        %parallel_loop3A_411 = arith.constant 112 : index
        %parallel_loop3A_412 = tpu.vector_load %arg7[%parallel_loop3A_410, %parallel_loop3A_411] {strides = array<i32>} : memref<64x512xf32, #tpu.memory_space<vmem>>, vector<1x16xf32>,
        %parallel_loop3A_413 = vector.shape_cast %parallel_loop3A_412 : vector<1x16xf32> to vector<16xf32>
        %parallel_loop3A_414 = vector.shape_cast %parallel_loop3A_409 : vector<16xf32> to vector<1x16xf32>
        tpu.vector_store %arg7[%parallel_loop3A_410, %parallel_loop3A_411], %parallel_loop3A_414 {strides = array<i32>} : memref<64x512xf32, #tpu.memory_space<vmem>>, vector<1x16xf32>,
        %parallel_loop3A_415 = arith.index_cast %parallel_loop3A_318 : i32 to index
        %parallel_loop3A_416 = arith.constant 128 : index
        %parallel_loop3A_417 = tpu.vector_load %arg7[%parallel_loop3A_415, %parallel_loop3A_416] {strides = array<i32>} : memref<64x512xf32, #tpu.memory_space<vmem>>, vector<1x16xf32>,
        %parallel_loop3A_418 = vector.shape_cast %parallel_loop3A_417 : vector<1x16xf32> to vector<16xf32>
        %parallel_loop3A_419 = arith.constant 22.6274166 : f32
        %parallel_loop3A_420 = vector.broadcast %parallel_loop3A_419 : f32 to vector<16xf32>
        %parallel_loop3A_421 = arith.mulf %parallel_loop3A_418, %parallel_loop3A_420 : vector<16xf32>
        %parallel_loop3A_422 = arith.index_cast %parallel_loop3A_318 : i32 to index
        %parallel_loop3A_423 = arith.constant 128 : index
        %parallel_loop3A_424 = tpu.vector_load %arg7[%parallel_loop3A_422, %parallel_loop3A_423] {strides = array<i32>} : memref<64x512xf32, #tpu.memory_space<vmem>>, vector<1x16xf32>,
        %parallel_loop3A_425 = vector.shape_cast %parallel_loop3A_424 : vector<1x16xf32> to vector<16xf32>
        %parallel_loop3A_426 = vector.shape_cast %parallel_loop3A_421 : vector<16xf32> to vector<1x16xf32>
        tpu.vector_store %arg7[%parallel_loop3A_422, %parallel_loop3A_423], %parallel_loop3A_426 {strides = array<i32>} : memref<64x512xf32, #tpu.memory_space<vmem>>, vector<1x16xf32>,
        %parallel_loop3A_427 = arith.index_cast %parallel_loop3A_318 : i32 to index
        %parallel_loop3A_428 = arith.constant 144 : index
        %parallel_loop3A_429 = tpu.vector_load %arg7[%parallel_loop3A_427, %parallel_loop3A_428] {strides = array<i32>} : memref<64x512xf32, #tpu.memory_space<vmem>>, vector<1x16xf32>,
        %parallel_loop3A_430 = vector.shape_cast %parallel_loop3A_429 : vector<1x16xf32> to vector<16xf32>
        %parallel_loop3A_431 = arith.constant 22.6274166 : f32
        %parallel_loop3A_432 = vector.broadcast %parallel_loop3A_431 : f32 to vector<16xf32>
        %parallel_loop3A_433 = arith.mulf %parallel_loop3A_430, %parallel_loop3A_432 : vector<16xf32>
        %parallel_loop3A_434 = arith.index_cast %parallel_loop3A_318 : i32 to index
        %parallel_loop3A_435 = arith.constant 144 : index
        %parallel_loop3A_436 = tpu.vector_load %arg7[%parallel_loop3A_434, %parallel_loop3A_435] {strides = array<i32>} : memref<64x512xf32, #tpu.memory_space<vmem>>, vector<1x16xf32>,
        %parallel_loop3A_437 = vector.shape_cast %parallel_loop3A_436 : vector<1x16xf32> to vector<16xf32>
        %parallel_loop3A_438 = vector.shape_cast %parallel_loop3A_433 : vector<16xf32> to vector<1x16xf32>
        tpu.vector_store %arg7[%parallel_loop3A_434, %parallel_loop3A_435], %parallel_loop3A_438 {strides = array<i32>} : memref<64x512xf32, #tpu.memory_space<vmem>>, vector<1x16xf32>,
        %parallel_loop3A_439 = arith.index_cast %parallel_loop3A_318 : i32 to index
        %parallel_loop3A_440 = arith.constant 160 : index
        %parallel_loop3A_441 = tpu.vector_load %arg7[%parallel_loop3A_439, %parallel_loop3A_440] {strides = array<i32>} : memref<64x512xf32, #tpu.memory_space<vmem>>, vector<1x16xf32>,
        %parallel_loop3A_442 = vector.shape_cast %parallel_loop3A_441 : vector<1x16xf32> to vector<16xf32>
        %parallel_loop3A_443 = arith.constant 22.6274166 : f32
        %parallel_loop3A_444 = vector.broadcast %parallel_loop3A_443 : f32 to vector<16xf32>
        %parallel_loop3A_445 = arith.mulf %parallel_loop3A_442, %parallel_loop3A_444 : vector<16xf32>
        %parallel_loop3A_446 = arith.index_cast %parallel_loop3A_318 : i32 to index
        %parallel_loop3A_447 = arith.constant 160 : index
        %parallel_loop3A_448 = tpu.vector_load %arg7[%parallel_loop3A_446, %parallel_loop3A_447] {strides = array<i32>} : memref<64x512xf32, #tpu.memory_space<vmem>>, vector<1x16xf32>,
        %parallel_loop3A_449 = vector.shape_cast %parallel_loop3A_448 : vector<1x16xf32> to vector<16xf32>
        %parallel_loop3A_450 = vector.shape_cast %parallel_loop3A_445 : vector<16xf32> to vector<1x16xf32>
        tpu.vector_store %arg7[%parallel_loop3A_446, %parallel_loop3A_447], %parallel_loop3A_450 {strides = array<i32>} : memref<64x512xf32, #tpu.memory_space<vmem>>, vector<1x16xf32>,
        %parallel_loop3A_451 = arith.index_cast %parallel_loop3A_318 : i32 to index
        %parallel_loop3A_452 = arith.constant 176 : index
        %parallel_loop3A_453 = tpu.vector_load %arg7[%parallel_loop3A_451, %parallel_loop3A_452] {strides = array<i32>} : memref<64x512xf32, #tpu.memory_space<vmem>>, vector<1x16xf32>,
        %parallel_loop3A_454 = vector.shape_cast %parallel_loop3A_453 : vector<1x16xf32> to vector<16xf32>
        %parallel_loop3A_455 = arith.constant 22.6274166 : f32
        %parallel_loop3A_456 = vector.broadcast %parallel_loop3A_455 : f32 to vector<16xf32>
        %parallel_loop3A_457 = arith.mulf %parallel_loop3A_454, %parallel_loop3A_456 : vector<16xf32>
        %parallel_loop3A_458 = arith.index_cast %parallel_loop3A_318 : i32 to index
        %parallel_loop3A_459 = arith.constant 176 : index
        %parallel_loop3A_460 = tpu.vector_load %arg7[%parallel_loop3A_458, %parallel_loop3A_459] {strides = array<i32>} : memref<64x512xf32, #tpu.memory_space<vmem>>, vector<1x16xf32>,
        %parallel_loop3A_461 = vector.shape_cast %parallel_loop3A_460 : vector<1x16xf32> to vector<16xf32>
        %parallel_loop3A_462 = vector.shape_cast %parallel_loop3A_457 : vector<16xf32> to vector<1x16xf32>
        tpu.vector_store %arg7[%parallel_loop3A_458, %parallel_loop3A_459], %parallel_loop3A_462 {strides = array<i32>} : memref<64x512xf32, #tpu.memory_space<vmem>>, vector<1x16xf32>,
        %parallel_loop3A_463 = arith.index_cast %parallel_loop3A_318 : i32 to index
        %parallel_loop3A_464 = arith.constant 192 : index
        %parallel_loop3A_465 = tpu.vector_load %arg7[%parallel_loop3A_463, %parallel_loop3A_464] {strides = array<i32>} : memref<64x512xf32, #tpu.memory_space<vmem>>, vector<1x16xf32>,
        %parallel_loop3A_466 = vector.shape_cast %parallel_loop3A_465 : vector<1x16xf32> to vector<16xf32>
        %parallel_loop3A_467 = arith.constant 22.6274166 : f32
        %parallel_loop3A_468 = vector.broadcast %parallel_loop3A_467 : f32 to vector<16xf32>
        %parallel_loop3A_469 = arith.mulf %parallel_loop3A_466, %parallel_loop3A_468 : vector<16xf32>
        %parallel_loop3A_470 = arith.index_cast %parallel_loop3A_318 : i32 to index
        %parallel_loop3A_471 = arith.constant 192 : index
        %parallel_loop3A_472 = tpu.vector_load %arg7[%parallel_loop3A_470, %parallel_loop3A_471] {strides = array<i32>} : memref<64x512xf32, #tpu.memory_space<vmem>>, vector<1x16xf32>,
        %parallel_loop3A_473 = vector.shape_cast %parallel_loop3A_472 : vector<1x16xf32> to vector<16xf32>
        %parallel_loop3A_474 = vector.shape_cast %parallel_loop3A_469 : vector<16xf32> to vector<1x16xf32>
        tpu.vector_store %arg7[%parallel_loop3A_470, %parallel_loop3A_471], %parallel_loop3A_474 {strides = array<i32>} : memref<64x512xf32, #tpu.memory_space<vmem>>, vector<1x16xf32>,
        %parallel_loop3A_475 = arith.index_cast %parallel_loop3A_318 : i32 to index
        %parallel_loop3A_476 = arith.constant 208 : index
        %parallel_loop3A_477 = tpu.vector_load %arg7[%parallel_loop3A_475, %parallel_loop3A_476] {strides = array<i32>} : memref<64x512xf32, #tpu.memory_space<vmem>>, vector<1x16xf32>,
        %parallel_loop3A_478 = vector.shape_cast %parallel_loop3A_477 : vector<1x16xf32> to vector<16xf32>
        %parallel_loop3A_479 = arith.constant 22.6274166 : f32
        %parallel_loop3A_480 = vector.broadcast %parallel_loop3A_479 : f32 to vector<16xf32>
        %parallel_loop3A_481 = arith.mulf %parallel_loop3A_478, %parallel_loop3A_480 : vector<16xf32>
        %parallel_loop3A_482 = arith.index_cast %parallel_loop3A_318 : i32 to index
        %parallel_loop3A_483 = arith.constant 208 : index
        %parallel_loop3A_484 = tpu.vector_load %arg7[%parallel_loop3A_482, %parallel_loop3A_483] {strides = array<i32>} : memref<64x512xf32, #tpu.memory_space<vmem>>, vector<1x16xf32>,
        %parallel_loop3A_485 = vector.shape_cast %parallel_loop3A_484 : vector<1x16xf32> to vector<16xf32>
        %parallel_loop3A_486 = vector.shape_cast %parallel_loop3A_481 : vector<16xf32> to vector<1x16xf32>
        tpu.vector_store %arg7[%parallel_loop3A_482, %parallel_loop3A_483], %parallel_loop3A_486 {strides = array<i32>} : memref<64x512xf32, #tpu.memory_space<vmem>>, vector<1x16xf32>,
        %parallel_loop3A_487 = arith.index_cast %parallel_loop3A_318 : i32 to index
        %parallel_loop3A_488 = arith.constant 224 : index
        %parallel_loop3A_489 = tpu.vector_load %arg7[%parallel_loop3A_487, %parallel_loop3A_488] {strides = array<i32>} : memref<64x512xf32, #tpu.memory_space<vmem>>, vector<1x16xf32>,
        %parallel_loop3A_490 = vector.shape_cast %parallel_loop3A_489 : vector<1x16xf32> to vector<16xf32>
        %parallel_loop3A_491 = arith.constant 22.6274166 : f32
        %parallel_loop3A_492 = vector.broadcast %parallel_loop3A_491 : f32 to vector<16xf32>
        %parallel_loop3A_493 = arith.mulf %parallel_loop3A_490, %parallel_loop3A_492 : vector<16xf32>
        %parallel_loop3A_494 = arith.index_cast %parallel_loop3A_318 : i32 to index
        %parallel_loop3A_495 = arith.constant 224 : index
        %parallel_loop3A_496 = tpu.vector_load %arg7[%parallel_loop3A_494, %parallel_loop3A_495] {strides = array<i32>} : memref<64x512xf32, #tpu.memory_space<vmem>>, vector<1x16xf32>,
        %parallel_loop3A_497 = vector.shape_cast %parallel_loop3A_496 : vector<1x16xf32> to vector<16xf32>
        %parallel_loop3A_498 = vector.shape_cast %parallel_loop3A_493 : vector<16xf32> to vector<1x16xf32>
        tpu.vector_store %arg7[%parallel_loop3A_494, %parallel_loop3A_495], %parallel_loop3A_498 {strides = array<i32>} : memref<64x512xf32, #tpu.memory_space<vmem>>, vector<1x16xf32>,
        %parallel_loop3A_499 = arith.index_cast %parallel_loop3A_318 : i32 to index
        %parallel_loop3A_500 = arith.constant 240 : index
        %parallel_loop3A_501 = tpu.vector_load %arg7[%parallel_loop3A_499, %parallel_loop3A_500] {strides = array<i32>} : memref<64x512xf32, #tpu.memory_space<vmem>>, vector<1x16xf32>,
        %parallel_loop3A_502 = vector.shape_cast %parallel_loop3A_501 : vector<1x16xf32> to vector<16xf32>
        %parallel_loop3A_503 = arith.constant 22.6274166 : f32
        %parallel_loop3A_504 = vector.broadcast %parallel_loop3A_503 : f32 to vector<16xf32>
        %parallel_loop3A_505 = arith.mulf %parallel_loop3A_502, %parallel_loop3A_504 : vector<16xf32>
        %parallel_loop3A_506 = arith.index_cast %parallel_loop3A_318 : i32 to index
        %parallel_loop3A_507 = arith.constant 240 : index
        %parallel_loop3A_508 = tpu.vector_load %arg7[%parallel_loop3A_506, %parallel_loop3A_507] {strides = array<i32>} : memref<64x512xf32, #tpu.memory_space<vmem>>, vector<1x16xf32>,
        %parallel_loop3A_509 = vector.shape_cast %parallel_loop3A_508 : vector<1x16xf32> to vector<16xf32>
        %parallel_loop3A_510 = vector.shape_cast %parallel_loop3A_505 : vector<16xf32> to vector<1x16xf32>
        tpu.vector_store %arg7[%parallel_loop3A_506, %parallel_loop3A_507], %parallel_loop3A_510 {strides = array<i32>} : memref<64x512xf32, #tpu.memory_space<vmem>>, vector<1x16xf32>,
        %parallel_loop3A_511 = arith.index_cast %parallel_loop3A_318 : i32 to index
        %parallel_loop3A_512 = arith.constant 256 : index
        %parallel_loop3A_513 = tpu.vector_load %arg7[%parallel_loop3A_511, %parallel_loop3A_512] {strides = array<i32>} : memref<64x512xf32, #tpu.memory_space<vmem>>, vector<1x16xf32>,
        %parallel_loop3A_514 = vector.shape_cast %parallel_loop3A_513 : vector<1x16xf32> to vector<16xf32>
        %parallel_loop3A_515 = arith.constant 22.6274166 : f32
        %parallel_loop3A_516 = vector.broadcast %parallel_loop3A_515 : f32 to vector<16xf32>
        %parallel_loop3A_517 = arith.mulf %parallel_loop3A_514, %parallel_loop3A_516 : vector<16xf32>
        %parallel_loop3A_518 = arith.index_cast %parallel_loop3A_318 : i32 to index
        %parallel_loop3A_519 = arith.constant 256 : index
        %parallel_loop3A_520 = tpu.vector_load %arg7[%parallel_loop3A_518, %parallel_loop3A_519] {strides = array<i32>} : memref<64x512xf32, #tpu.memory_space<vmem>>, vector<1x16xf32>,
        %parallel_loop3A_521 = vector.shape_cast %parallel_loop3A_520 : vector<1x16xf32> to vector<16xf32>
        %parallel_loop3A_522 = vector.shape_cast %parallel_loop3A_517 : vector<16xf32> to vector<1x16xf32>
        tpu.vector_store %arg7[%parallel_loop3A_518, %parallel_loop3A_519], %parallel_loop3A_522 {strides = array<i32>} : memref<64x512xf32, #tpu.memory_space<vmem>>, vector<1x16xf32>,
        %parallel_loop3A_523 = arith.index_cast %parallel_loop3A_318 : i32 to index
        %parallel_loop3A_524 = arith.constant 272 : index
        %parallel_loop3A_525 = tpu.vector_load %arg7[%parallel_loop3A_523, %parallel_loop3A_524] {strides = array<i32>} : memref<64x512xf32, #tpu.memory_space<vmem>>, vector<1x16xf32>,
        %parallel_loop3A_526 = vector.shape_cast %parallel_loop3A_525 : vector<1x16xf32> to vector<16xf32>
        %parallel_loop3A_527 = arith.constant 22.6274166 : f32
        %parallel_loop3A_528 = vector.broadcast %parallel_loop3A_527 : f32 to vector<16xf32>
        %parallel_loop3A_529 = arith.mulf %parallel_loop3A_526, %parallel_loop3A_528 : vector<16xf32>
        %parallel_loop3A_530 = arith.index_cast %parallel_loop3A_318 : i32 to index
        %parallel_loop3A_531 = arith.constant 272 : index
        %parallel_loop3A_532 = tpu.vector_load %arg7[%parallel_loop3A_530, %parallel_loop3A_531] {strides = array<i32>} : memref<64x512xf32, #tpu.memory_space<vmem>>, vector<1x16xf32>,
        %parallel_loop3A_533 = vector.shape_cast %parallel_loop3A_532 : vector<1x16xf32> to vector<16xf32>
        %parallel_loop3A_534 = vector.shape_cast %parallel_loop3A_529 : vector<16xf32> to vector<1x16xf32>
        tpu.vector_store %arg7[%parallel_loop3A_530, %parallel_loop3A_531], %parallel_loop3A_534 {strides = array<i32>} : memref<64x512xf32, #tpu.memory_space<vmem>>, vector<1x16xf32>,
        %parallel_loop3A_535 = arith.index_cast %parallel_loop3A_318 : i32 to index
        %parallel_loop3A_536 = arith.constant 288 : index
        %parallel_loop3A_537 = tpu.vector_load %arg7[%parallel_loop3A_535, %parallel_loop3A_536] {strides = array<i32>} : memref<64x512xf32, #tpu.memory_space<vmem>>, vector<1x16xf32>,
        %parallel_loop3A_538 = vector.shape_cast %parallel_loop3A_537 : vector<1x16xf32> to vector<16xf32>
        %parallel_loop3A_539 = arith.constant 22.6274166 : f32
        %parallel_loop3A_540 = vector.broadcast %parallel_loop3A_539 : f32 to vector<16xf32>
        %parallel_loop3A_541 = arith.mulf %parallel_loop3A_538, %parallel_loop3A_540 : vector<16xf32>
        %parallel_loop3A_542 = arith.index_cast %parallel_loop3A_318 : i32 to index
        %parallel_loop3A_543 = arith.constant 288 : index
        %parallel_loop3A_544 = tpu.vector_load %arg7[%parallel_loop3A_542, %parallel_loop3A_543] {strides = array<i32>} : memref<64x512xf32, #tpu.memory_space<vmem>>, vector<1x16xf32>,
        %parallel_loop3A_545 = vector.shape_cast %parallel_loop3A_544 : vector<1x16xf32> to vector<16xf32>
        %parallel_loop3A_546 = vector.shape_cast %parallel_loop3A_541 : vector<16xf32> to vector<1x16xf32>
        tpu.vector_store %arg7[%parallel_loop3A_542, %parallel_loop3A_543], %parallel_loop3A_546 {strides = array<i32>} : memref<64x512xf32, #tpu.memory_space<vmem>>, vector<1x16xf32>,
        %parallel_loop3A_547 = arith.index_cast %parallel_loop3A_318 : i32 to index
        %parallel_loop3A_548 = arith.constant 304 : index
        %parallel_loop3A_549 = tpu.vector_load %arg7[%parallel_loop3A_547, %parallel_loop3A_548] {strides = array<i32>} : memref<64x512xf32, #tpu.memory_space<vmem>>, vector<1x16xf32>,
        %parallel_loop3A_550 = vector.shape_cast %parallel_loop3A_549 : vector<1x16xf32> to vector<16xf32>
        %parallel_loop3A_551 = arith.constant 22.6274166 : f32
        %parallel_loop3A_552 = vector.broadcast %parallel_loop3A_551 : f32 to vector<16xf32>
        %parallel_loop3A_553 = arith.mulf %parallel_loop3A_550, %parallel_loop3A_552 : vector<16xf32>
        %parallel_loop3A_554 = arith.index_cast %parallel_loop3A_318 : i32 to index
        %parallel_loop3A_555 = arith.constant 304 : index
        %parallel_loop3A_556 = tpu.vector_load %arg7[%parallel_loop3A_554, %parallel_loop3A_555] {strides = array<i32>} : memref<64x512xf32, #tpu.memory_space<vmem>>, vector<1x16xf32>,
        %parallel_loop3A_557 = vector.shape_cast %parallel_loop3A_556 : vector<1x16xf32> to vector<16xf32>
        %parallel_loop3A_558 = vector.shape_cast %parallel_loop3A_553 : vector<16xf32> to vector<1x16xf32>
        tpu.vector_store %arg7[%parallel_loop3A_554, %parallel_loop3A_555], %parallel_loop3A_558 {strides = array<i32>} : memref<64x512xf32, #tpu.memory_space<vmem>>, vector<1x16xf32>,
        %parallel_loop3A_559 = arith.index_cast %parallel_loop3A_318 : i32 to index
        %parallel_loop3A_560 = arith.constant 320 : index
        %parallel_loop3A_561 = tpu.vector_load %arg7[%parallel_loop3A_559, %parallel_loop3A_560] {strides = array<i32>} : memref<64x512xf32, #tpu.memory_space<vmem>>, vector<1x16xf32>,
        %parallel_loop3A_562 = vector.shape_cast %parallel_loop3A_561 : vector<1x16xf32> to vector<16xf32>
        %parallel_loop3A_563 = arith.constant 22.6274166 : f32
        %parallel_loop3A_564 = vector.broadcast %parallel_loop3A_563 : f32 to vector<16xf32>
        %parallel_loop3A_565 = arith.mulf %parallel_loop3A_562, %parallel_loop3A_564 : vector<16xf32>
        %parallel_loop3A_566 = arith.index_cast %parallel_loop3A_318 : i32 to index
        %parallel_loop3A_567 = arith.constant 320 : index
        %parallel_loop3A_568 = tpu.vector_load %arg7[%parallel_loop3A_566, %parallel_loop3A_567] {strides = array<i32>} : memref<64x512xf32, #tpu.memory_space<vmem>>, vector<1x16xf32>,
        %parallel_loop3A_569 = vector.shape_cast %parallel_loop3A_568 : vector<1x16xf32> to vector<16xf32>
        %parallel_loop3A_570 = vector.shape_cast %parallel_loop3A_565 : vector<16xf32> to vector<1x16xf32>
        tpu.vector_store %arg7[%parallel_loop3A_566, %parallel_loop3A_567], %parallel_loop3A_570 {strides = array<i32>} : memref<64x512xf32, #tpu.memory_space<vmem>>, vector<1x16xf32>,
        %parallel_loop3A_571 = arith.index_cast %parallel_loop3A_318 : i32 to index
        %parallel_loop3A_572 = arith.constant 336 : index
        %parallel_loop3A_573 = tpu.vector_load %arg7[%parallel_loop3A_571, %parallel_loop3A_572] {strides = array<i32>} : memref<64x512xf32, #tpu.memory_space<vmem>>, vector<1x16xf32>,
        %parallel_loop3A_574 = vector.shape_cast %parallel_loop3A_573 : vector<1x16xf32> to vector<16xf32>
        %parallel_loop3A_575 = arith.constant 22.6274166 : f32
        %parallel_loop3A_576 = vector.broadcast %parallel_loop3A_575 : f32 to vector<16xf32>
        %parallel_loop3A_577 = arith.mulf %parallel_loop3A_574, %parallel_loop3A_576 : vector<16xf32>
        %parallel_loop3A_578 = arith.index_cast %parallel_loop3A_318 : i32 to index
        %parallel_loop3A_579 = arith.constant 336 : index
        %parallel_loop3A_580 = tpu.vector_load %arg7[%parallel_loop3A_578, %parallel_loop3A_579] {strides = array<i32>} : memref<64x512xf32, #tpu.memory_space<vmem>>, vector<1x16xf32>,
        %parallel_loop3A_581 = vector.shape_cast %parallel_loop3A_580 : vector<1x16xf32> to vector<16xf32>
        %parallel_loop3A_582 = vector.shape_cast %parallel_loop3A_577 : vector<16xf32> to vector<1x16xf32>
        tpu.vector_store %arg7[%parallel_loop3A_578, %parallel_loop3A_579], %parallel_loop3A_582 {strides = array<i32>} : memref<64x512xf32, #tpu.memory_space<vmem>>, vector<1x16xf32>,
        %parallel_loop3A_583 = arith.index_cast %parallel_loop3A_318 : i32 to index
        %parallel_loop3A_584 = arith.constant 352 : index
        %parallel_loop3A_585 = tpu.vector_load %arg7[%parallel_loop3A_583, %parallel_loop3A_584] {strides = array<i32>} : memref<64x512xf32, #tpu.memory_space<vmem>>, vector<1x16xf32>,
        %parallel_loop3A_586 = vector.shape_cast %parallel_loop3A_585 : vector<1x16xf32> to vector<16xf32>
        %parallel_loop3A_587 = arith.constant 22.6274166 : f32
        %parallel_loop3A_588 = vector.broadcast %parallel_loop3A_587 : f32 to vector<16xf32>
        %parallel_loop3A_589 = arith.mulf %parallel_loop3A_586, %parallel_loop3A_588 : vector<16xf32>
        %parallel_loop3A_590 = arith.index_cast %parallel_loop3A_318 : i32 to index
        %parallel_loop3A_591 = arith.constant 352 : index
        %parallel_loop3A_592 = tpu.vector_load %arg7[%parallel_loop3A_590, %parallel_loop3A_591] {strides = array<i32>} : memref<64x512xf32, #tpu.memory_space<vmem>>, vector<1x16xf32>,
        %parallel_loop3A_593 = vector.shape_cast %parallel_loop3A_592 : vector<1x16xf32> to vector<16xf32>
        %parallel_loop3A_594 = vector.shape_cast %parallel_loop3A_589 : vector<16xf32> to vector<1x16xf32>
        tpu.vector_store %arg7[%parallel_loop3A_590, %parallel_loop3A_591], %parallel_loop3A_594 {strides = array<i32>} : memref<64x512xf32, #tpu.memory_space<vmem>>, vector<1x16xf32>,
        %parallel_loop3A_595 = arith.index_cast %parallel_loop3A_318 : i32 to index
        %parallel_loop3A_596 = arith.constant 368 : index
        %parallel_loop3A_597 = tpu.vector_load %arg7[%parallel_loop3A_595, %parallel_loop3A_596] {strides = array<i32>} : memref<64x512xf32, #tpu.memory_space<vmem>>, vector<1x16xf32>,
        %parallel_loop3A_598 = vector.shape_cast %parallel_loop3A_597 : vector<1x16xf32> to vector<16xf32>
        %parallel_loop3A_599 = arith.constant 22.6274166 : f32
        %parallel_loop3A_600 = vector.broadcast %parallel_loop3A_599 : f32 to vector<16xf32>
        %parallel_loop3A_601 = arith.mulf %parallel_loop3A_598, %parallel_loop3A_600 : vector<16xf32>
        %parallel_loop3A_602 = arith.index_cast %parallel_loop3A_318 : i32 to index
        %parallel_loop3A_603 = arith.constant 368 : index
        %parallel_loop3A_604 = tpu.vector_load %arg7[%parallel_loop3A_602, %parallel_loop3A_603] {strides = array<i32>} : memref<64x512xf32, #tpu.memory_space<vmem>>, vector<1x16xf32>,
        %parallel_loop3A_605 = vector.shape_cast %parallel_loop3A_604 : vector<1x16xf32> to vector<16xf32>
        %parallel_loop3A_606 = vector.shape_cast %parallel_loop3A_601 : vector<16xf32> to vector<1x16xf32>
        tpu.vector_store %arg7[%parallel_loop3A_602, %parallel_loop3A_603], %parallel_loop3A_606 {strides = array<i32>} : memref<64x512xf32, #tpu.memory_space<vmem>>, vector<1x16xf32>,
        %parallel_loop3A_607 = arith.index_cast %parallel_loop3A_318 : i32 to index
        %parallel_loop3A_608 = arith.constant 384 : index
        %parallel_loop3A_609 = tpu.vector_load %arg7[%parallel_loop3A_607, %parallel_loop3A_608] {strides = array<i32>} : memref<64x512xf32, #tpu.memory_space<vmem>>, vector<1x16xf32>,
        %parallel_loop3A_610 = vector.shape_cast %parallel_loop3A_609 : vector<1x16xf32> to vector<16xf32>
        %parallel_loop3A_611 = arith.constant 22.6274166 : f32
        %parallel_loop3A_612 = vector.broadcast %parallel_loop3A_611 : f32 to vector<16xf32>
        %parallel_loop3A_613 = arith.mulf %parallel_loop3A_610, %parallel_loop3A_612 : vector<16xf32>
        %parallel_loop3A_614 = arith.index_cast %parallel_loop3A_318 : i32 to index
        %parallel_loop3A_615 = arith.constant 384 : index
        %parallel_loop3A_616 = tpu.vector_load %arg7[%parallel_loop3A_614, %parallel_loop3A_615] {strides = array<i32>} : memref<64x512xf32, #tpu.memory_space<vmem>>, vector<1x16xf32>,
        %parallel_loop3A_617 = vector.shape_cast %parallel_loop3A_616 : vector<1x16xf32> to vector<16xf32>
        %parallel_loop3A_618 = vector.shape_cast %parallel_loop3A_613 : vector<16xf32> to vector<1x16xf32>
        tpu.vector_store %arg7[%parallel_loop3A_614, %parallel_loop3A_615], %parallel_loop3A_618 {strides = array<i32>} : memref<64x512xf32, #tpu.memory_space<vmem>>, vector<1x16xf32>,
        %parallel_loop3A_619 = arith.index_cast %parallel_loop3A_318 : i32 to index
        %parallel_loop3A_620 = arith.constant 400 : index
        %parallel_loop3A_621 = tpu.vector_load %arg7[%parallel_loop3A_619, %parallel_loop3A_620] {strides = array<i32>} : memref<64x512xf32, #tpu.memory_space<vmem>>, vector<1x16xf32>,
        %parallel_loop3A_622 = vector.shape_cast %parallel_loop3A_621 : vector<1x16xf32> to vector<16xf32>
        %parallel_loop3A_623 = arith.constant 22.6274166 : f32
        %parallel_loop3A_624 = vector.broadcast %parallel_loop3A_623 : f32 to vector<16xf32>
        %parallel_loop3A_625 = arith.mulf %parallel_loop3A_622, %parallel_loop3A_624 : vector<16xf32>
        %parallel_loop3A_626 = arith.index_cast %parallel_loop3A_318 : i32 to index
        %parallel_loop3A_627 = arith.constant 400 : index
        %parallel_loop3A_628 = tpu.vector_load %arg7[%parallel_loop3A_626, %parallel_loop3A_627] {strides = array<i32>} : memref<64x512xf32, #tpu.memory_space<vmem>>, vector<1x16xf32>,
        %parallel_loop3A_629 = vector.shape_cast %parallel_loop3A_628 : vector<1x16xf32> to vector<16xf32>
        %parallel_loop3A_630 = vector.shape_cast %parallel_loop3A_625 : vector<16xf32> to vector<1x16xf32>
        tpu.vector_store %arg7[%parallel_loop3A_626, %parallel_loop3A_627], %parallel_loop3A_630 {strides = array<i32>} : memref<64x512xf32, #tpu.memory_space<vmem>>, vector<1x16xf32>,
        %parallel_loop3A_631 = arith.index_cast %parallel_loop3A_318 : i32 to index
        %parallel_loop3A_632 = arith.constant 416 : index
        %parallel_loop3A_633 = tpu.vector_load %arg7[%parallel_loop3A_631, %parallel_loop3A_632] {strides = array<i32>} : memref<64x512xf32, #tpu.memory_space<vmem>>, vector<1x16xf32>,
        %parallel_loop3A_634 = vector.shape_cast %parallel_loop3A_633 : vector<1x16xf32> to vector<16xf32>
        %parallel_loop3A_635 = arith.constant 22.6274166 : f32
        %parallel_loop3A_636 = vector.broadcast %parallel_loop3A_635 : f32 to vector<16xf32>
        %parallel_loop3A_637 = arith.mulf %parallel_loop3A_634, %parallel_loop3A_636 : vector<16xf32>
        %parallel_loop3A_638 = arith.index_cast %parallel_loop3A_318 : i32 to index
        %parallel_loop3A_639 = arith.constant 416 : index
        %parallel_loop3A_640 = tpu.vector_load %arg7[%parallel_loop3A_638, %parallel_loop3A_639] {strides = array<i32>} : memref<64x512xf32, #tpu.memory_space<vmem>>, vector<1x16xf32>,
        %parallel_loop3A_641 = vector.shape_cast %parallel_loop3A_640 : vector<1x16xf32> to vector<16xf32>
        %parallel_loop3A_642 = vector.shape_cast %parallel_loop3A_637 : vector<16xf32> to vector<1x16xf32>
        tpu.vector_store %arg7[%parallel_loop3A_638, %parallel_loop3A_639], %parallel_loop3A_642 {strides = array<i32>} : memref<64x512xf32, #tpu.memory_space<vmem>>, vector<1x16xf32>,
        %parallel_loop3A_643 = arith.index_cast %parallel_loop3A_318 : i32 to index
        %parallel_loop3A_644 = arith.constant 432 : index
        %parallel_loop3A_645 = tpu.vector_load %arg7[%parallel_loop3A_643, %parallel_loop3A_644] {strides = array<i32>} : memref<64x512xf32, #tpu.memory_space<vmem>>, vector<1x16xf32>,
        %parallel_loop3A_646 = vector.shape_cast %parallel_loop3A_645 : vector<1x16xf32> to vector<16xf32>
        %parallel_loop3A_647 = arith.constant 22.6274166 : f32
        %parallel_loop3A_648 = vector.broadcast %parallel_loop3A_647 : f32 to vector<16xf32>
        %parallel_loop3A_649 = arith.mulf %parallel_loop3A_646, %parallel_loop3A_648 : vector<16xf32>
        %parallel_loop3A_650 = arith.index_cast %parallel_loop3A_318 : i32 to index
        %parallel_loop3A_651 = arith.constant 432 : index
        %parallel_loop3A_652 = tpu.vector_load %arg7[%parallel_loop3A_650, %parallel_loop3A_651] {strides = array<i32>} : memref<64x512xf32, #tpu.memory_space<vmem>>, vector<1x16xf32>,
        %parallel_loop3A_653 = vector.shape_cast %parallel_loop3A_652 : vector<1x16xf32> to vector<16xf32>
        %parallel_loop3A_654 = vector.shape_cast %parallel_loop3A_649 : vector<16xf32> to vector<1x16xf32>
        tpu.vector_store %arg7[%parallel_loop3A_650, %parallel_loop3A_651], %parallel_loop3A_654 {strides = array<i32>} : memref<64x512xf32, #tpu.memory_space<vmem>>, vector<1x16xf32>,
        %parallel_loop3A_655 = arith.index_cast %parallel_loop3A_318 : i32 to index
        %parallel_loop3A_656 = arith.constant 448 : index
        %parallel_loop3A_657 = tpu.vector_load %arg7[%parallel_loop3A_655, %parallel_loop3A_656] {strides = array<i32>} : memref<64x512xf32, #tpu.memory_space<vmem>>, vector<1x16xf32>,
        %parallel_loop3A_658 = vector.shape_cast %parallel_loop3A_657 : vector<1x16xf32> to vector<16xf32>
        %parallel_loop3A_659 = arith.constant 22.6274166 : f32
        %parallel_loop3A_660 = vector.broadcast %parallel_loop3A_659 : f32 to vector<16xf32>
        %parallel_loop3A_661 = arith.mulf %parallel_loop3A_658, %parallel_loop3A_660 : vector<16xf32>
        %parallel_loop3A_662 = arith.index_cast %parallel_loop3A_318 : i32 to index
        %parallel_loop3A_663 = arith.constant 448 : index
        %parallel_loop3A_664 = tpu.vector_load %arg7[%parallel_loop3A_662, %parallel_loop3A_663] {strides = array<i32>} : memref<64x512xf32, #tpu.memory_space<vmem>>, vector<1x16xf32>,
        %parallel_loop3A_665 = vector.shape_cast %parallel_loop3A_664 : vector<1x16xf32> to vector<16xf32>
        %parallel_loop3A_666 = vector.shape_cast %parallel_loop3A_661 : vector<16xf32> to vector<1x16xf32>
        tpu.vector_store %arg7[%parallel_loop3A_662, %parallel_loop3A_663], %parallel_loop3A_666 {strides = array<i32>} : memref<64x512xf32, #tpu.memory_space<vmem>>, vector<1x16xf32>,
        %parallel_loop3A_667 = arith.index_cast %parallel_loop3A_318 : i32 to index
        %parallel_loop3A_668 = arith.constant 464 : index
        %parallel_loop3A_669 = tpu.vector_load %arg7[%parallel_loop3A_667, %parallel_loop3A_668] {strides = array<i32>} : memref<64x512xf32, #tpu.memory_space<vmem>>, vector<1x16xf32>,
        %parallel_loop3A_670 = vector.shape_cast %parallel_loop3A_669 : vector<1x16xf32> to vector<16xf32>
        %parallel_loop3A_671 = arith.constant 22.6274166 : f32
        %parallel_loop3A_672 = vector.broadcast %parallel_loop3A_671 : f32 to vector<16xf32>
        %parallel_loop3A_673 = arith.mulf %parallel_loop3A_670, %parallel_loop3A_672 : vector<16xf32>
        %parallel_loop3A_674 = arith.index_cast %parallel_loop3A_318 : i32 to index
        %parallel_loop3A_675 = arith.constant 464 : index
        %parallel_loop3A_676 = tpu.vector_load %arg7[%parallel_loop3A_674, %parallel_loop3A_675] {strides = array<i32>} : memref<64x512xf32, #tpu.memory_space<vmem>>, vector<1x16xf32>,
        %parallel_loop3A_677 = vector.shape_cast %parallel_loop3A_676 : vector<1x16xf32> to vector<16xf32>
        %parallel_loop3A_678 = vector.shape_cast %parallel_loop3A_673 : vector<16xf32> to vector<1x16xf32>
        tpu.vector_store %arg7[%parallel_loop3A_674, %parallel_loop3A_675], %parallel_loop3A_678 {strides = array<i32>} : memref<64x512xf32, #tpu.memory_space<vmem>>, vector<1x16xf32>,
        %parallel_loop3A_679 = arith.index_cast %parallel_loop3A_318 : i32 to index
        %parallel_loop3A_680 = arith.constant 480 : index
        %parallel_loop3A_681 = tpu.vector_load %arg7[%parallel_loop3A_679, %parallel_loop3A_680] {strides = array<i32>} : memref<64x512xf32, #tpu.memory_space<vmem>>, vector<1x16xf32>,
        %parallel_loop3A_682 = vector.shape_cast %parallel_loop3A_681 : vector<1x16xf32> to vector<16xf32>
        %parallel_loop3A_683 = arith.constant 22.6274166 : f32
        %parallel_loop3A_684 = vector.broadcast %parallel_loop3A_683 : f32 to vector<16xf32>
        %parallel_loop3A_685 = arith.mulf %parallel_loop3A_682, %parallel_loop3A_684 : vector<16xf32>
        %parallel_loop3A_686 = arith.index_cast %parallel_loop3A_318 : i32 to index
        %parallel_loop3A_687 = arith.constant 480 : index
        %parallel_loop3A_688 = tpu.vector_load %arg7[%parallel_loop3A_686, %parallel_loop3A_687] {strides = array<i32>} : memref<64x512xf32, #tpu.memory_space<vmem>>, vector<1x16xf32>,
        %parallel_loop3A_689 = vector.shape_cast %parallel_loop3A_688 : vector<1x16xf32> to vector<16xf32>
        %parallel_loop3A_690 = vector.shape_cast %parallel_loop3A_685 : vector<16xf32> to vector<1x16xf32>
        tpu.vector_store %arg7[%parallel_loop3A_686, %parallel_loop3A_687], %parallel_loop3A_690 {strides = array<i32>} : memref<64x512xf32, #tpu.memory_space<vmem>>, vector<1x16xf32>,
        %parallel_loop3A_691 = arith.index_cast %parallel_loop3A_318 : i32 to index
        %parallel_loop3A_692 = arith.constant 496 : index
        %parallel_loop3A_693 = tpu.vector_load %arg7[%parallel_loop3A_691, %parallel_loop3A_692] {strides = array<i32>} : memref<64x512xf32, #tpu.memory_space<vmem>>, vector<1x16xf32>,
        %parallel_loop3A_694 = vector.shape_cast %parallel_loop3A_693 : vector<1x16xf32> to vector<16xf32>
        %parallel_loop3A_695 = arith.constant 22.6274166 : f32
        %parallel_loop3A_696 = vector.broadcast %parallel_loop3A_695 : f32 to vector<16xf32>
        %parallel_loop3A_697 = arith.mulf %parallel_loop3A_694, %parallel_loop3A_696 : vector<16xf32>
        %parallel_loop3A_698 = arith.index_cast %parallel_loop3A_318 : i32 to index
        %parallel_loop3A_699 = arith.constant 496 : index
        %parallel_loop3A_700 = tpu.vector_load %arg7[%parallel_loop3A_698, %parallel_loop3A_699] {strides = array<i32>} : memref<64x512xf32, #tpu.memory_space<vmem>>, vector<1x16xf32>,
        %parallel_loop3A_701 = vector.shape_cast %parallel_loop3A_700 : vector<1x16xf32> to vector<16xf32>
        %parallel_loop3A_702 = vector.shape_cast %parallel_loop3A_697 : vector<16xf32> to vector<1x16xf32>
        tpu.vector_store %arg7[%parallel_loop3A_698, %parallel_loop3A_699], %parallel_loop3A_702 {strides = array<i32>} : memref<64x512xf32, #tpu.memory_space<vmem>>, vector<1x16xf32>,
      } {sc.loop_unroll_factor = 1 : i64, sc.parallel_access}
      %jit3A_208 = arith.constant 2 : i32
      %div3A_209 = arith.divsi %add3A_198, %jit3A_208 : i32
      %sign3A_210 = arith.constant 0 : i32
      %sign3A_211 = arith.cmpi sgt, %add3A_198, %sign3A_210 : i32
      %sign3A_212 = arith.extui %sign3A_211 : i1 to i32
      %sign3A_213 = arith.constant 0 : i32
      %sign3A_214 = arith.cmpi slt, %add3A_198, %sign3A_213 : i32
      %sign3A_215 = arith.extui %sign3A_214 : i1 to i32
      %sign3A_216 = arith.subi %sign3A_212, %sign3A_215 : i32
      %sign3A_217 = arith.constant 0 : i32
      %sign3A_218 = arith.cmpi sgt, %jit3A_208, %sign3A_217 : i32
      %sign3A_219 = arith.extui %sign3A_218 : i1 to i32
      %sign3A_220 = arith.constant 0 : i32
      %sign3A_221 = arith.cmpi slt, %jit3A_208, %sign3A_220 : i32
      %sign3A_222 = arith.extui %sign3A_221 : i1 to i32
      %sign3A_223 = arith.subi %sign3A_219, %sign3A_222 : i32
      %ne3A_224 = arith.cmpi ne, %sign3A_216, %sign3A_223 : i32
      %rem3A_225 = arith.remsi %add3A_198, %jit3A_208 : i32
      %ne3A_226 = arith.constant 0 : i32
      %ne3A_227 = arith.cmpi ne, %rem3A_225, %ne3A_226 : i32
      %and3A_228 = arith.andi %ne3A_224, %ne3A_227 : i1
      %sub3A_229 = arith.constant 1 : i32
      %sub3A_230 = arith.subi %div3A_209, %sub3A_229 : i32
      %select_n3A_231 = arith.select %and3A_228, %sub3A_230, %div3A_209 : i32
      %jit3A_232 = arith.constant 2 : i32
      %eq3A_233 = arith.constant 0 : i32
      %eq3A_234 = arith.cmpi eq, %jit3A_232, %eq3A_233 : i32
      %jit3A_235 = arith.constant 1 : i32
      %select_n3A_236 = arith.select %eq3A_234, %jit3A_235, %jit3A_232 : i32
      %rem3A_237 = arith.remsi %add3A_198, %select_n3A_236 : i32
      %ne3A_238 = arith.constant 0 : i32
      %ne3A_239 = arith.cmpi ne, %rem3A_237, %ne3A_238 : i32
      %lt3A_240 = arith.constant 0 : i32
      %lt3A_241 = arith.cmpi slt, %rem3A_237, %lt3A_240 : i32
      %lt3A_242 = arith.constant 0 : i32
      %lt3A_243 = arith.cmpi slt, %select_n3A_236, %lt3A_242 : i32
      %ne3A_244 = arith.xori %lt3A_241, %lt3A_243 : i1
      %and3A_245 = arith.andi %ne3A_244, %ne3A_239 : i1
      %add3A_246 = arith.addi %rem3A_237, %select_n3A_236 : i32
      %select_n3A_247 = arith.select %and3A_245, %add3A_246, %rem3A_237 : i32
      %mul3A_248 = arith.constant 128 : i32
      %mul3A_249 = arith.muli %add3A, %mul3A_248 : i32
      %mul3A_250 = arith.constant 64 : i32
      %mul3A_251 = arith.muli %select_n3A_247, %mul3A_250 : i32
      %add3A_252 = arith.addi %mul3A_249, %mul3A_251 : i32
      %dma_start3A_253 = arith.constant 0 : i32
      %dma_start3A_254 = tpu.memref_slice %arg4[%select_n3A_231, %add3A_252, %dma_start3A_253] : memref<50x4096x512xf32, #tpu.memory_space<hbm>> -> memref<1x64x512xf32, #tpu.memory_space<hbm>>
      %dma_start3A_255 = tpu.memref_squeeze %dma_start3A_254 : memref<1x64x512xf32, #tpu.memory_space<hbm>> -> memref<64x512xf32, #tpu.memory_space<hbm>>
      %dma_start3A_256 = arith.constant 0 : i32
      %dma_start3A_257 = tpu.memref_slice %arg4[%select_n3A_231, %add3A_252, %dma_start3A_256] : memref<50x4096x512xf32, #tpu.memory_space<hbm>> -> memref<1x64x512xf32, #tpu.memory_space<hbm>>
      %dma_start3A_258 = tpu.memref_squeeze %dma_start3A_257 : memref<1x64x512xf32, #tpu.memory_space<hbm>> -> memref<64x512xf32, #tpu.memory_space<hbm>>
      tpu.enqueue_dma source(%arg7 : memref<64x512xf32, #tpu.memory_space<vmem>>) target(%dma_start3A_258 : memref<64x512xf32, #tpu.memory_space<hbm>>) target_semaphore(%arg11 : memref<!tpu.dma_semaphore, #tpu.memory_space<semaphore_mem>>)
      %jit3A_259 = arith.constant 2 : i32
      %div3A_260 = arith.divsi %add3A_198, %jit3A_259 : i32
      %sign3A_261 = arith.constant 0 : i32
      %sign3A_262 = arith.cmpi sgt, %add3A_198, %sign3A_261 : i32
      %sign3A_263 = arith.extui %sign3A_262 : i1 to i32
      %sign3A_264 = arith.constant 0 : i32
      %sign3A_265 = arith.cmpi slt, %add3A_198, %sign3A_264 : i32
      %sign3A_266 = arith.extui %sign3A_265 : i1 to i32
      %sign3A_267 = arith.subi %sign3A_263, %sign3A_266 : i32
      %sign3A_268 = arith.constant 0 : i32
      %sign3A_269 = arith.cmpi sgt, %jit3A_259, %sign3A_268 : i32
      %sign3A_270 = arith.extui %sign3A_269 : i1 to i32
      %sign3A_271 = arith.constant 0 : i32
      %sign3A_272 = arith.cmpi slt, %jit3A_259, %sign3A_271 : i32
      %sign3A_273 = arith.extui %sign3A_272 : i1 to i32
      %sign3A_274 = arith.subi %sign3A_270, %sign3A_273 : i32
      %ne3A_275 = arith.cmpi ne, %sign3A_267, %sign3A_274 : i32
      %rem3A_276 = arith.remsi %add3A_198, %jit3A_259 : i32
      %ne3A_277 = arith.constant 0 : i32
      %ne3A_278 = arith.cmpi ne, %rem3A_276, %ne3A_277 : i32
      %and3A_279 = arith.andi %ne3A_275, %ne3A_278 : i1
      %sub3A_280 = arith.constant 1 : i32
      %sub3A_281 = arith.subi %div3A_260, %sub3A_280 : i32
      %select_n3A_282 = arith.select %and3A_279, %sub3A_281, %div3A_260 : i32
      %jit3A_283 = arith.constant 2 : i32
      %eq3A_284 = arith.constant 0 : i32
      %eq3A_285 = arith.cmpi eq, %jit3A_283, %eq3A_284 : i32
      %jit3A_286 = arith.constant 1 : i32
      %select_n3A_287 = arith.select %eq3A_285, %jit3A_286, %jit3A_283 : i32
      %rem3A_288 = arith.remsi %add3A_198, %select_n3A_287 : i32
      %ne3A_289 = arith.constant 0 : i32
      %ne3A_290 = arith.cmpi ne, %rem3A_288, %ne3A_289 : i32
      %lt3A_291 = arith.constant 0 : i32
      %lt3A_292 = arith.cmpi slt, %rem3A_288, %lt3A_291 : i32
      %lt3A_293 = arith.constant 0 : i32
      %lt3A_294 = arith.cmpi slt, %select_n3A_287, %lt3A_293 : i32
      %ne3A_295 = arith.xori %lt3A_292, %lt3A_294 : i1
      %and3A_296 = arith.andi %ne3A_295, %ne3A_290 : i1
      %add3A_297 = arith.addi %rem3A_288, %select_n3A_287 : i32
      %select_n3A_298 = arith.select %and3A_296, %add3A_297, %rem3A_288 : i32
      %mul3A_299 = arith.constant 128 : i32
      %mul3A_300 = arith.muli %add3A, %mul3A_299 : i32
      %mul3A_301 = arith.constant 64 : i32
      %mul3A_302 = arith.muli %select_n3A_298, %mul3A_301 : i32
      %add3A_303 = arith.addi %mul3A_300, %mul3A_302 : i32
      %dma_wait3A_304 = arith.constant 0 : i32
      %dma_wait3A_305 = tpu.memref_slice %arg4[%select_n3A_282, %add3A_303, %dma_wait3A_304] : memref<50x4096x512xf32, #tpu.memory_space<hbm>> -> memref<1x64x512xf32, #tpu.memory_space<hbm>>
      %dma_wait3A_306 = tpu.memref_squeeze %dma_wait3A_305 : memref<1x64x512xf32, #tpu.memory_space<hbm>> -> memref<64x512xf32, #tpu.memory_space<hbm>>
      %dma_wait3A_307 = arith.constant 0 : i32
      %dma_wait3A_308 = tpu.memref_slice %arg4[%select_n3A_282, %add3A_303, %dma_wait3A_307] : memref<50x4096x512xf32, #tpu.memory_space<hbm>> -> memref<1x64x512xf32, #tpu.memory_space<hbm>>
      %dma_wait3A_309 = tpu.memref_squeeze %dma_wait3A_308 : memref<1x64x512xf32, #tpu.memory_space<hbm>> -> memref<64x512xf32, #tpu.memory_space<hbm>>
      tpu.wait_dma2 semaphore(%arg11 : memref<!tpu.dma_semaphore, #tpu.memory_space<semaphore_mem>>) src(%arg7 : memref<64x512xf32, #tpu.memory_space<vmem>>) dst(%dma_wait3A_309 : memref<64x512xf32, #tpu.memory_space<hbm>>)
      %add3A_310 = arith.constant 2 : i32
      %add3A_311 = arith.addi %add3A_198, %add3A_310 : i32
      %dma_start3A_312 = arith.constant 0 : i32
      %dma_start3A_313 = tpu.memref_slice %arg5[%add3A_311, %dma_start3A_312] : memref<100x64xi32, #tpu.memory_space<vmem>> -> memref<1x64xi32, #tpu.memory_space<vmem>>
      %dma_start3A_314 = tpu.memref_squeeze %dma_start3A_313 : memref<1x64xi32, #tpu.memory_space<vmem>> -> memref<64xi32, #tpu.memory_space<vmem>>
      %dma_start3A_315 = arith.constant 0 : i32
      %dma_start3A_316 = arith.constant 0 : i32
      %dma_start3A_317 = tpu.memref_slice %arg2[%dma_start3A_315, %dma_start3A_316] : memref<100000x512xf32, #tpu.memory_space<hbm>> -> memref<100000x512xf32, #tpu.memory_space<hbm>>
      tpu.enqueue_indirect_dma source(%dma_start3A_317 : memref<100000x512xf32, #tpu.memory_space<hbm>>) target(%arg7 : memref<64x512xf32, #tpu.memory_space<vmem>>) offsets(%dma_start3A_314 : memref<64xi32, #tpu.memory_space<vmem>>) semaphore(%arg9 : memref<!tpu.dma_semaphore, #tpu.memory_space<semaphore_mem>>)
    }
    %scan3A_18 = arith.constant 49 : i32
    %dma_wait3A = arith.constant 98 : i32
    %dma_wait3A_19 = arith.constant 0 : i32
    %dma_wait3A_20 = tpu.memref_slice %arg5[%dma_wait3A, %dma_wait3A_19] : memref<100x64xi32, #tpu.memory_space<vmem>> -> memref<1x64xi32, #tpu.memory_space<vmem>>
    %dma_wait3A_21 = tpu.memref_squeeze %dma_wait3A_20 : memref<1x64xi32, #tpu.memory_space<vmem>> -> memref<64xi32, #tpu.memory_space<vmem>>
    %dma_wait3A_22 = arith.constant 0 : i32
    %dma_wait3A_23 = arith.constant 0 : i32
    %dma_wait3A_24 = tpu.memref_slice %arg2[%dma_wait3A_22, %dma_wait3A_23] : memref<100000x512xf32, #tpu.memory_space<hbm>> -> memref<100000x512xf32, #tpu.memory_space<hbm>>
    tpu.wait_indirect_dma semaphore(%arg8 : memref<!tpu.dma_semaphore, #tpu.memory_space<semaphore_mem>>) src(%dma_wait3A_24 : memref<100000x512xf32, #tpu.memory_space<hbm>>) dst(%arg6 : memref<64x512xf32, #tpu.memory_space<vmem>>)
    %parallel_loop3A = arith.constant 0 : i32
    %parallel_loop3A_25 = arith.constant 64 : i32
    %parallel_loop3A_26 = arith.constant 1 : i32
    scf.for %parallel_loop3A_81 = %parallel_loop3A to %parallel_loop3A_25 step %parallel_loop3A_26  : i32 {
      %parallel_loop3A_82 = arith.index_cast %parallel_loop3A_81 : i32 to index
      %parallel_loop3A_83 = arith.constant 0 : index
      %parallel_loop3A_84 = tpu.vector_load %arg6[%parallel_loop3A_82, %parallel_loop3A_83] {strides = array<i32>} : memref<64x512xf32, #tpu.memory_space<vmem>>, vector<1x16xf32>,
      %parallel_loop3A_85 = vector.shape_cast %parallel_loop3A_84 : vector<1x16xf32> to vector<16xf32>
      %parallel_loop3A_86 = arith.constant 22.6274166 : f32
      %parallel_loop3A_87 = vector.broadcast %parallel_loop3A_86 : f32 to vector<16xf32>
      %parallel_loop3A_88 = arith.mulf %parallel_loop3A_85, %parallel_loop3A_87 : vector<16xf32>
      %parallel_loop3A_89 = arith.index_cast %parallel_loop3A_81 : i32 to index
      %parallel_loop3A_90 = arith.constant 0 : index
      %parallel_loop3A_91 = tpu.vector_load %arg6[%parallel_loop3A_89, %parallel_loop3A_90] {strides = array<i32>} : memref<64x512xf32, #tpu.memory_space<vmem>>, vector<1x16xf32>,
      %parallel_loop3A_92 = vector.shape_cast %parallel_loop3A_91 : vector<1x16xf32> to vector<16xf32>
      %parallel_loop3A_93 = vector.shape_cast %parallel_loop3A_88 : vector<16xf32> to vector<1x16xf32>
      tpu.vector_store %arg6[%parallel_loop3A_89, %parallel_loop3A_90], %parallel_loop3A_93 {strides = array<i32>} : memref<64x512xf32, #tpu.memory_space<vmem>>, vector<1x16xf32>,
      %parallel_loop3A_94 = arith.index_cast %parallel_loop3A_81 : i32 to index
      %parallel_loop3A_95 = arith.constant 16 : index
      %parallel_loop3A_96 = tpu.vector_load %arg6[%parallel_loop3A_94, %parallel_loop3A_95] {strides = array<i32>} : memref<64x512xf32, #tpu.memory_space<vmem>>, vector<1x16xf32>,
      %parallel_loop3A_97 = vector.shape_cast %parallel_loop3A_96 : vector<1x16xf32> to vector<16xf32>
      %parallel_loop3A_98 = arith.constant 22.6274166 : f32
      %parallel_loop3A_99 = vector.broadcast %parallel_loop3A_98 : f32 to vector<16xf32>
      %parallel_loop3A_100 = arith.mulf %parallel_loop3A_97, %parallel_loop3A_99 : vector<16xf32>
      %parallel_loop3A_101 = arith.index_cast %parallel_loop3A_81 : i32 to index
      %parallel_loop3A_102 = arith.constant 16 : index
      %parallel_loop3A_103 = tpu.vector_load %arg6[%parallel_loop3A_101, %parallel_loop3A_102] {strides = array<i32>} : memref<64x512xf32, #tpu.memory_space<vmem>>, vector<1x16xf32>,
      %parallel_loop3A_104 = vector.shape_cast %parallel_loop3A_103 : vector<1x16xf32> to vector<16xf32>
      %parallel_loop3A_105 = vector.shape_cast %parallel_loop3A_100 : vector<16xf32> to vector<1x16xf32>
      tpu.vector_store %arg6[%parallel_loop3A_101, %parallel_loop3A_102], %parallel_loop3A_105 {strides = array<i32>} : memref<64x512xf32, #tpu.memory_space<vmem>>, vector<1x16xf32>,
      %parallel_loop3A_106 = arith.index_cast %parallel_loop3A_81 : i32 to index
      %parallel_loop3A_107 = arith.constant 32 : index
      %parallel_loop3A_108 = tpu.vector_load %arg6[%parallel_loop3A_106, %parallel_loop3A_107] {strides = array<i32>} : memref<64x512xf32, #tpu.memory_space<vmem>>, vector<1x16xf32>,
      %parallel_loop3A_109 = vector.shape_cast %parallel_loop3A_108 : vector<1x16xf32> to vector<16xf32>
      %parallel_loop3A_110 = arith.constant 22.6274166 : f32
      %parallel_loop3A_111 = vector.broadcast %parallel_loop3A_110 : f32 to vector<16xf32>
      %parallel_loop3A_112 = arith.mulf %parallel_loop3A_109, %parallel_loop3A_111 : vector<16xf32>
      %parallel_loop3A_113 = arith.index_cast %parallel_loop3A_81 : i32 to index
      %parallel_loop3A_114 = arith.constant 32 : index
      %parallel_loop3A_115 = tpu.vector_load %arg6[%parallel_loop3A_113, %parallel_loop3A_114] {strides = array<i32>} : memref<64x512xf32, #tpu.memory_space<vmem>>, vector<1x16xf32>,
      %parallel_loop3A_116 = vector.shape_cast %parallel_loop3A_115 : vector<1x16xf32> to vector<16xf32>
      %parallel_loop3A_117 = vector.shape_cast %parallel_loop3A_112 : vector<16xf32> to vector<1x16xf32>
      tpu.vector_store %arg6[%parallel_loop3A_113, %parallel_loop3A_114], %parallel_loop3A_117 {strides = array<i32>} : memref<64x512xf32, #tpu.memory_space<vmem>>, vector<1x16xf32>,
      %parallel_loop3A_118 = arith.index_cast %parallel_loop3A_81 : i32 to index
      %parallel_loop3A_119 = arith.constant 48 : index
      %parallel_loop3A_120 = tpu.vector_load %arg6[%parallel_loop3A_118, %parallel_loop3A_119] {strides = array<i32>} : memref<64x512xf32, #tpu.memory_space<vmem>>, vector<1x16xf32>,
      %parallel_loop3A_121 = vector.shape_cast %parallel_loop3A_120 : vector<1x16xf32> to vector<16xf32>
      %parallel_loop3A_122 = arith.constant 22.6274166 : f32
      %parallel_loop3A_123 = vector.broadcast %parallel_loop3A_122 : f32 to vector<16xf32>
      %parallel_loop3A_124 = arith.mulf %parallel_loop3A_121, %parallel_loop3A_123 : vector<16xf32>
      %parallel_loop3A_125 = arith.index_cast %parallel_loop3A_81 : i32 to index
      %parallel_loop3A_126 = arith.constant 48 : index
      %parallel_loop3A_127 = tpu.vector_load %arg6[%parallel_loop3A_125, %parallel_loop3A_126] {strides = array<i32>} : memref<64x512xf32, #tpu.memory_space<vmem>>, vector<1x16xf32>,
      %parallel_loop3A_128 = vector.shape_cast %parallel_loop3A_127 : vector<1x16xf32> to vector<16xf32>
      %parallel_loop3A_129 = vector.shape_cast %parallel_loop3A_124 : vector<16xf32> to vector<1x16xf32>
      tpu.vector_store %arg6[%parallel_loop3A_125, %parallel_loop3A_126], %parallel_loop3A_129 {strides = array<i32>} : memref<64x512xf32, #tpu.memory_space<vmem>>, vector<1x16xf32>,
      %parallel_loop3A_130 = arith.index_cast %parallel_loop3A_81 : i32 to index
      %parallel_loop3A_131 = arith.constant 64 : index
      %parallel_loop3A_132 = tpu.vector_load %arg6[%parallel_loop3A_130, %parallel_loop3A_131] {strides = array<i32>} : memref<64x512xf32, #tpu.memory_space<vmem>>, vector<1x16xf32>,
      %parallel_loop3A_133 = vector.shape_cast %parallel_loop3A_132 : vector<1x16xf32> to vector<16xf32>
      %parallel_loop3A_134 = arith.constant 22.6274166 : f32
      %parallel_loop3A_135 = vector.broadcast %parallel_loop3A_134 : f32 to vector<16xf32>
      %parallel_loop3A_136 = arith.mulf %parallel_loop3A_133, %parallel_loop3A_135 : vector<16xf32>
      %parallel_loop3A_137 = arith.index_cast %parallel_loop3A_81 : i32 to index
      %parallel_loop3A_138 = arith.constant 64 : index
      %parallel_loop3A_139 = tpu.vector_load %arg6[%parallel_loop3A_137, %parallel_loop3A_138] {strides = array<i32>} : memref<64x512xf32, #tpu.memory_space<vmem>>, vector<1x16xf32>,
      %parallel_loop3A_140 = vector.shape_cast %parallel_loop3A_139 : vector<1x16xf32> to vector<16xf32>
      %parallel_loop3A_141 = vector.shape_cast %parallel_loop3A_136 : vector<16xf32> to vector<1x16xf32>
      tpu.vector_store %arg6[%parallel_loop3A_137, %parallel_loop3A_138], %parallel_loop3A_141 {strides = array<i32>} : memref<64x512xf32, #tpu.memory_space<vmem>>, vector<1x16xf32>,
      %parallel_loop3A_142 = arith.index_cast %parallel_loop3A_81 : i32 to index
      %parallel_loop3A_143 = arith.constant 80 : index
      %parallel_loop3A_144 = tpu.vector_load %arg6[%parallel_loop3A_142, %parallel_loop3A_143] {strides = array<i32>} : memref<64x512xf32, #tpu.memory_space<vmem>>, vector<1x16xf32>,
      %parallel_loop3A_145 = vector.shape_cast %parallel_loop3A_144 : vector<1x16xf32> to vector<16xf32>
      %parallel_loop3A_146 = arith.constant 22.6274166 : f32
      %parallel_loop3A_147 = vector.broadcast %parallel_loop3A_146 : f32 to vector<16xf32>
      %parallel_loop3A_148 = arith.mulf %parallel_loop3A_145, %parallel_loop3A_147 : vector<16xf32>
      %parallel_loop3A_149 = arith.index_cast %parallel_loop3A_81 : i32 to index
      %parallel_loop3A_150 = arith.constant 80 : index
      %parallel_loop3A_151 = tpu.vector_load %arg6[%parallel_loop3A_149, %parallel_loop3A_150] {strides = array<i32>} : memref<64x512xf32, #tpu.memory_space<vmem>>, vector<1x16xf32>,
      %parallel_loop3A_152 = vector.shape_cast %parallel_loop3A_151 : vector<1x16xf32> to vector<16xf32>
      %parallel_loop3A_153 = vector.shape_cast %parallel_loop3A_148 : vector<16xf32> to vector<1x16xf32>
      tpu.vector_store %arg6[%parallel_loop3A_149, %parallel_loop3A_150], %parallel_loop3A_153 {strides = array<i32>} : memref<64x512xf32, #tpu.memory_space<vmem>>, vector<1x16xf32>,
      %parallel_loop3A_154 = arith.index_cast %parallel_loop3A_81 : i32 to index
      %parallel_loop3A_155 = arith.constant 96 : index
      %parallel_loop3A_156 = tpu.vector_load %arg6[%parallel_loop3A_154, %parallel_loop3A_155] {strides = array<i32>} : memref<64x512xf32, #tpu.memory_space<vmem>>, vector<1x16xf32>,
      %parallel_loop3A_157 = vector.shape_cast %parallel_loop3A_156 : vector<1x16xf32> to vector<16xf32>
      %parallel_loop3A_158 = arith.constant 22.6274166 : f32
      %parallel_loop3A_159 = vector.broadcast %parallel_loop3A_158 : f32 to vector<16xf32>
      %parallel_loop3A_160 = arith.mulf %parallel_loop3A_157, %parallel_loop3A_159 : vector<16xf32>
      %parallel_loop3A_161 = arith.index_cast %parallel_loop3A_81 : i32 to index
      %parallel_loop3A_162 = arith.constant 96 : index
      %parallel_loop3A_163 = tpu.vector_load %arg6[%parallel_loop3A_161, %parallel_loop3A_162] {strides = array<i32>} : memref<64x512xf32, #tpu.memory_space<vmem>>, vector<1x16xf32>,
      %parallel_loop3A_164 = vector.shape_cast %parallel_loop3A_163 : vector<1x16xf32> to vector<16xf32>
      %parallel_loop3A_165 = vector.shape_cast %parallel_loop3A_160 : vector<16xf32> to vector<1x16xf32>
      tpu.vector_store %arg6[%parallel_loop3A_161, %parallel_loop3A_162], %parallel_loop3A_165 {strides = array<i32>} : memref<64x512xf32, #tpu.memory_space<vmem>>, vector<1x16xf32>,
      %parallel_loop3A_166 = arith.index_cast %parallel_loop3A_81 : i32 to index
      %parallel_loop3A_167 = arith.constant 112 : index
      %parallel_loop3A_168 = tpu.vector_load %arg6[%parallel_loop3A_166, %parallel_loop3A_167] {strides = array<i32>} : memref<64x512xf32, #tpu.memory_space<vmem>>, vector<1x16xf32>,
      %parallel_loop3A_169 = vector.shape_cast %parallel_loop3A_168 : vector<1x16xf32> to vector<16xf32>
      %parallel_loop3A_170 = arith.constant 22.6274166 : f32
      %parallel_loop3A_171 = vector.broadcast %parallel_loop3A_170 : f32 to vector<16xf32>
      %parallel_loop3A_172 = arith.mulf %parallel_loop3A_169, %parallel_loop3A_171 : vector<16xf32>
      %parallel_loop3A_173 = arith.index_cast %parallel_loop3A_81 : i32 to index
      %parallel_loop3A_174 = arith.constant 112 : index
      %parallel_loop3A_175 = tpu.vector_load %arg6[%parallel_loop3A_173, %parallel_loop3A_174] {strides = array<i32>} : memref<64x512xf32, #tpu.memory_space<vmem>>, vector<1x16xf32>,
      %parallel_loop3A_176 = vector.shape_cast %parallel_loop3A_175 : vector<1x16xf32> to vector<16xf32>
      %parallel_loop3A_177 = vector.shape_cast %parallel_loop3A_172 : vector<16xf32> to vector<1x16xf32>
      tpu.vector_store %arg6[%parallel_loop3A_173, %parallel_loop3A_174], %parallel_loop3A_177 {strides = array<i32>} : memref<64x512xf32, #tpu.memory_space<vmem>>, vector<1x16xf32>,
      %parallel_loop3A_178 = arith.index_cast %parallel_loop3A_81 : i32 to index
      %parallel_loop3A_179 = arith.constant 128 : index
      %parallel_loop3A_180 = tpu.vector_load %arg6[%parallel_loop3A_178, %parallel_loop3A_179] {strides = array<i32>} : memref<64x512xf32, #tpu.memory_space<vmem>>, vector<1x16xf32>,
      %parallel_loop3A_181 = vector.shape_cast %parallel_loop3A_180 : vector<1x16xf32> to vector<16xf32>
      %parallel_loop3A_182 = arith.constant 22.6274166 : f32
      %parallel_loop3A_183 = vector.broadcast %parallel_loop3A_182 : f32 to vector<16xf32>
      %parallel_loop3A_184 = arith.mulf %parallel_loop3A_181, %parallel_loop3A_183 : vector<16xf32>
      %parallel_loop3A_185 = arith.index_cast %parallel_loop3A_81 : i32 to index
      %parallel_loop3A_186 = arith.constant 128 : index
      %parallel_loop3A_187 = tpu.vector_load %arg6[%parallel_loop3A_185, %parallel_loop3A_186] {strides = array<i32>} : memref<64x512xf32, #tpu.memory_space<vmem>>, vector<1x16xf32>,
      %parallel_loop3A_188 = vector.shape_cast %parallel_loop3A_187 : vector<1x16xf32> to vector<16xf32>
      %parallel_loop3A_189 = vector.shape_cast %parallel_loop3A_184 : vector<16xf32> to vector<1x16xf32>
      tpu.vector_store %arg6[%parallel_loop3A_185, %parallel_loop3A_186], %parallel_loop3A_189 {strides = array<i32>} : memref<64x512xf32, #tpu.memory_space<vmem>>, vector<1x16xf32>,
      %parallel_loop3A_190 = arith.index_cast %parallel_loop3A_81 : i32 to index
      %parallel_loop3A_191 = arith.constant 144 : index
      %parallel_loop3A_192 = tpu.vector_load %arg6[%parallel_loop3A_190, %parallel_loop3A_191] {strides = array<i32>} : memref<64x512xf32, #tpu.memory_space<vmem>>, vector<1x16xf32>,
      %parallel_loop3A_193 = vector.shape_cast %parallel_loop3A_192 : vector<1x16xf32> to vector<16xf32>
      %parallel_loop3A_194 = arith.constant 22.6274166 : f32
      %parallel_loop3A_195 = vector.broadcast %parallel_loop3A_194 : f32 to vector<16xf32>
      %parallel_loop3A_196 = arith.mulf %parallel_loop3A_193, %parallel_loop3A_195 : vector<16xf32>
      %parallel_loop3A_197 = arith.index_cast %parallel_loop3A_81 : i32 to index
      %parallel_loop3A_198 = arith.constant 144 : index
      %parallel_loop3A_199 = tpu.vector_load %arg6[%parallel_loop3A_197, %parallel_loop3A_198] {strides = array<i32>} : memref<64x512xf32, #tpu.memory_space<vmem>>, vector<1x16xf32>,
      %parallel_loop3A_200 = vector.shape_cast %parallel_loop3A_199 : vector<1x16xf32> to vector<16xf32>
      %parallel_loop3A_201 = vector.shape_cast %parallel_loop3A_196 : vector<16xf32> to vector<1x16xf32>
      tpu.vector_store %arg6[%parallel_loop3A_197, %parallel_loop3A_198], %parallel_loop3A_201 {strides = array<i32>} : memref<64x512xf32, #tpu.memory_space<vmem>>, vector<1x16xf32>,
      %parallel_loop3A_202 = arith.index_cast %parallel_loop3A_81 : i32 to index
      %parallel_loop3A_203 = arith.constant 160 : index
      %parallel_loop3A_204 = tpu.vector_load %arg6[%parallel_loop3A_202, %parallel_loop3A_203] {strides = array<i32>} : memref<64x512xf32, #tpu.memory_space<vmem>>, vector<1x16xf32>,
      %parallel_loop3A_205 = vector.shape_cast %parallel_loop3A_204 : vector<1x16xf32> to vector<16xf32>
      %parallel_loop3A_206 = arith.constant 22.6274166 : f32
      %parallel_loop3A_207 = vector.broadcast %parallel_loop3A_206 : f32 to vector<16xf32>
      %parallel_loop3A_208 = arith.mulf %parallel_loop3A_205, %parallel_loop3A_207 : vector<16xf32>
      %parallel_loop3A_209 = arith.index_cast %parallel_loop3A_81 : i32 to index
      %parallel_loop3A_210 = arith.constant 160 : index
      %parallel_loop3A_211 = tpu.vector_load %arg6[%parallel_loop3A_209, %parallel_loop3A_210] {strides = array<i32>} : memref<64x512xf32, #tpu.memory_space<vmem>>, vector<1x16xf32>,
      %parallel_loop3A_212 = vector.shape_cast %parallel_loop3A_211 : vector<1x16xf32> to vector<16xf32>
      %parallel_loop3A_213 = vector.shape_cast %parallel_loop3A_208 : vector<16xf32> to vector<1x16xf32>
      tpu.vector_store %arg6[%parallel_loop3A_209, %parallel_loop3A_210], %parallel_loop3A_213 {strides = array<i32>} : memref<64x512xf32, #tpu.memory_space<vmem>>, vector<1x16xf32>,
      %parallel_loop3A_214 = arith.index_cast %parallel_loop3A_81 : i32 to index
      %parallel_loop3A_215 = arith.constant 176 : index
      %parallel_loop3A_216 = tpu.vector_load %arg6[%parallel_loop3A_214, %parallel_loop3A_215] {strides = array<i32>} : memref<64x512xf32, #tpu.memory_space<vmem>>, vector<1x16xf32>,
      %parallel_loop3A_217 = vector.shape_cast %parallel_loop3A_216 : vector<1x16xf32> to vector<16xf32>
      %parallel_loop3A_218 = arith.constant 22.6274166 : f32
      %parallel_loop3A_219 = vector.broadcast %parallel_loop3A_218 : f32 to vector<16xf32>
      %parallel_loop3A_220 = arith.mulf %parallel_loop3A_217, %parallel_loop3A_219 : vector<16xf32>
      %parallel_loop3A_221 = arith.index_cast %parallel_loop3A_81 : i32 to index
      %parallel_loop3A_222 = arith.constant 176 : index
      %parallel_loop3A_223 = tpu.vector_load %arg6[%parallel_loop3A_221, %parallel_loop3A_222] {strides = array<i32>} : memref<64x512xf32, #tpu.memory_space<vmem>>, vector<1x16xf32>,
      %parallel_loop3A_224 = vector.shape_cast %parallel_loop3A_223 : vector<1x16xf32> to vector<16xf32>
      %parallel_loop3A_225 = vector.shape_cast %parallel_loop3A_220 : vector<16xf32> to vector<1x16xf32>
      tpu.vector_store %arg6[%parallel_loop3A_221, %parallel_loop3A_222], %parallel_loop3A_225 {strides = array<i32>} : memref<64x512xf32, #tpu.memory_space<vmem>>, vector<1x16xf32>,
      %parallel_loop3A_226 = arith.index_cast %parallel_loop3A_81 : i32 to index
      %parallel_loop3A_227 = arith.constant 192 : index
      %parallel_loop3A_228 = tpu.vector_load %arg6[%parallel_loop3A_226, %parallel_loop3A_227] {strides = array<i32>} : memref<64x512xf32, #tpu.memory_space<vmem>>, vector<1x16xf32>,
      %parallel_loop3A_229 = vector.shape_cast %parallel_loop3A_228 : vector<1x16xf32> to vector<16xf32>
      %parallel_loop3A_230 = arith.constant 22.6274166 : f32
      %parallel_loop3A_231 = vector.broadcast %parallel_loop3A_230 : f32 to vector<16xf32>
      %parallel_loop3A_232 = arith.mulf %parallel_loop3A_229, %parallel_loop3A_231 : vector<16xf32>
      %parallel_loop3A_233 = arith.index_cast %parallel_loop3A_81 : i32 to index
      %parallel_loop3A_234 = arith.constant 192 : index
      %parallel_loop3A_235 = tpu.vector_load %arg6[%parallel_loop3A_233, %parallel_loop3A_234] {strides = array<i32>} : memref<64x512xf32, #tpu.memory_space<vmem>>, vector<1x16xf32>,
      %parallel_loop3A_236 = vector.shape_cast %parallel_loop3A_235 : vector<1x16xf32> to vector<16xf32>
      %parallel_loop3A_237 = vector.shape_cast %parallel_loop3A_232 : vector<16xf32> to vector<1x16xf32>
      tpu.vector_store %arg6[%parallel_loop3A_233, %parallel_loop3A_234], %parallel_loop3A_237 {strides = array<i32>} : memref<64x512xf32, #tpu.memory_space<vmem>>, vector<1x16xf32>,
      %parallel_loop3A_238 = arith.index_cast %parallel_loop3A_81 : i32 to index
      %parallel_loop3A_239 = arith.constant 208 : index
      %parallel_loop3A_240 = tpu.vector_load %arg6[%parallel_loop3A_238, %parallel_loop3A_239] {strides = array<i32>} : memref<64x512xf32, #tpu.memory_space<vmem>>, vector<1x16xf32>,
      %parallel_loop3A_241 = vector.shape_cast %parallel_loop3A_240 : vector<1x16xf32> to vector<16xf32>
      %parallel_loop3A_242 = arith.constant 22.6274166 : f32
      %parallel_loop3A_243 = vector.broadcast %parallel_loop3A_242 : f32 to vector<16xf32>
      %parallel_loop3A_244 = arith.mulf %parallel_loop3A_241, %parallel_loop3A_243 : vector<16xf32>
      %parallel_loop3A_245 = arith.index_cast %parallel_loop3A_81 : i32 to index
      %parallel_loop3A_246 = arith.constant 208 : index
      %parallel_loop3A_247 = tpu.vector_load %arg6[%parallel_loop3A_245, %parallel_loop3A_246] {strides = array<i32>} : memref<64x512xf32, #tpu.memory_space<vmem>>, vector<1x16xf32>,
      %parallel_loop3A_248 = vector.shape_cast %parallel_loop3A_247 : vector<1x16xf32> to vector<16xf32>
      %parallel_loop3A_249 = vector.shape_cast %parallel_loop3A_244 : vector<16xf32> to vector<1x16xf32>
      tpu.vector_store %arg6[%parallel_loop3A_245, %parallel_loop3A_246], %parallel_loop3A_249 {strides = array<i32>} : memref<64x512xf32, #tpu.memory_space<vmem>>, vector<1x16xf32>,
      %parallel_loop3A_250 = arith.index_cast %parallel_loop3A_81 : i32 to index
      %parallel_loop3A_251 = arith.constant 224 : index
      %parallel_loop3A_252 = tpu.vector_load %arg6[%parallel_loop3A_250, %parallel_loop3A_251] {strides = array<i32>} : memref<64x512xf32, #tpu.memory_space<vmem>>, vector<1x16xf32>,
      %parallel_loop3A_253 = vector.shape_cast %parallel_loop3A_252 : vector<1x16xf32> to vector<16xf32>
      %parallel_loop3A_254 = arith.constant 22.6274166 : f32
      %parallel_loop3A_255 = vector.broadcast %parallel_loop3A_254 : f32 to vector<16xf32>
      %parallel_loop3A_256 = arith.mulf %parallel_loop3A_253, %parallel_loop3A_255 : vector<16xf32>
      %parallel_loop3A_257 = arith.index_cast %parallel_loop3A_81 : i32 to index
      %parallel_loop3A_258 = arith.constant 224 : index
      %parallel_loop3A_259 = tpu.vector_load %arg6[%parallel_loop3A_257, %parallel_loop3A_258] {strides = array<i32>} : memref<64x512xf32, #tpu.memory_space<vmem>>, vector<1x16xf32>,
      %parallel_loop3A_260 = vector.shape_cast %parallel_loop3A_259 : vector<1x16xf32> to vector<16xf32>
      %parallel_loop3A_261 = vector.shape_cast %parallel_loop3A_256 : vector<16xf32> to vector<1x16xf32>
      tpu.vector_store %arg6[%parallel_loop3A_257, %parallel_loop3A_258], %parallel_loop3A_261 {strides = array<i32>} : memref<64x512xf32, #tpu.memory_space<vmem>>, vector<1x16xf32>,
      %parallel_loop3A_262 = arith.index_cast %parallel_loop3A_81 : i32 to index
      %parallel_loop3A_263 = arith.constant 240 : index
      %parallel_loop3A_264 = tpu.vector_load %arg6[%parallel_loop3A_262, %parallel_loop3A_263] {strides = array<i32>} : memref<64x512xf32, #tpu.memory_space<vmem>>, vector<1x16xf32>,
      %parallel_loop3A_265 = vector.shape_cast %parallel_loop3A_264 : vector<1x16xf32> to vector<16xf32>
      %parallel_loop3A_266 = arith.constant 22.6274166 : f32
      %parallel_loop3A_267 = vector.broadcast %parallel_loop3A_266 : f32 to vector<16xf32>
      %parallel_loop3A_268 = arith.mulf %parallel_loop3A_265, %parallel_loop3A_267 : vector<16xf32>
      %parallel_loop3A_269 = arith.index_cast %parallel_loop3A_81 : i32 to index
      %parallel_loop3A_270 = arith.constant 240 : index
      %parallel_loop3A_271 = tpu.vector_load %arg6[%parallel_loop3A_269, %parallel_loop3A_270] {strides = array<i32>} : memref<64x512xf32, #tpu.memory_space<vmem>>, vector<1x16xf32>,
      %parallel_loop3A_272 = vector.shape_cast %parallel_loop3A_271 : vector<1x16xf32> to vector<16xf32>
      %parallel_loop3A_273 = vector.shape_cast %parallel_loop3A_268 : vector<16xf32> to vector<1x16xf32>
      tpu.vector_store %arg6[%parallel_loop3A_269, %parallel_loop3A_270], %parallel_loop3A_273 {strides = array<i32>} : memref<64x512xf32, #tpu.memory_space<vmem>>, vector<1x16xf32>,
      %parallel_loop3A_274 = arith.index_cast %parallel_loop3A_81 : i32 to index
      %parallel_loop3A_275 = arith.constant 256 : index
      %parallel_loop3A_276 = tpu.vector_load %arg6[%parallel_loop3A_274, %parallel_loop3A_275] {strides = array<i32>} : memref<64x512xf32, #tpu.memory_space<vmem>>, vector<1x16xf32>,
      %parallel_loop3A_277 = vector.shape_cast %parallel_loop3A_276 : vector<1x16xf32> to vector<16xf32>
      %parallel_loop3A_278 = arith.constant 22.6274166 : f32
      %parallel_loop3A_279 = vector.broadcast %parallel_loop3A_278 : f32 to vector<16xf32>
      %parallel_loop3A_280 = arith.mulf %parallel_loop3A_277, %parallel_loop3A_279 : vector<16xf32>
      %parallel_loop3A_281 = arith.index_cast %parallel_loop3A_81 : i32 to index
      %parallel_loop3A_282 = arith.constant 256 : index
      %parallel_loop3A_283 = tpu.vector_load %arg6[%parallel_loop3A_281, %parallel_loop3A_282] {strides = array<i32>} : memref<64x512xf32, #tpu.memory_space<vmem>>, vector<1x16xf32>,
      %parallel_loop3A_284 = vector.shape_cast %parallel_loop3A_283 : vector<1x16xf32> to vector<16xf32>
      %parallel_loop3A_285 = vector.shape_cast %parallel_loop3A_280 : vector<16xf32> to vector<1x16xf32>
      tpu.vector_store %arg6[%parallel_loop3A_281, %parallel_loop3A_282], %parallel_loop3A_285 {strides = array<i32>} : memref<64x512xf32, #tpu.memory_space<vmem>>, vector<1x16xf32>,
      %parallel_loop3A_286 = arith.index_cast %parallel_loop3A_81 : i32 to index
      %parallel_loop3A_287 = arith.constant 272 : index
      %parallel_loop3A_288 = tpu.vector_load %arg6[%parallel_loop3A_286, %parallel_loop3A_287] {strides = array<i32>} : memref<64x512xf32, #tpu.memory_space<vmem>>, vector<1x16xf32>,
      %parallel_loop3A_289 = vector.shape_cast %parallel_loop3A_288 : vector<1x16xf32> to vector<16xf32>
      %parallel_loop3A_290 = arith.constant 22.6274166 : f32
      %parallel_loop3A_291 = vector.broadcast %parallel_loop3A_290 : f32 to vector<16xf32>
      %parallel_loop3A_292 = arith.mulf %parallel_loop3A_289, %parallel_loop3A_291 : vector<16xf32>
      %parallel_loop3A_293 = arith.index_cast %parallel_loop3A_81 : i32 to index
      %parallel_loop3A_294 = arith.constant 272 : index
      %parallel_loop3A_295 = tpu.vector_load %arg6[%parallel_loop3A_293, %parallel_loop3A_294] {strides = array<i32>} : memref<64x512xf32, #tpu.memory_space<vmem>>, vector<1x16xf32>,
      %parallel_loop3A_296 = vector.shape_cast %parallel_loop3A_295 : vector<1x16xf32> to vector<16xf32>
      %parallel_loop3A_297 = vector.shape_cast %parallel_loop3A_292 : vector<16xf32> to vector<1x16xf32>
      tpu.vector_store %arg6[%parallel_loop3A_293, %parallel_loop3A_294], %parallel_loop3A_297 {strides = array<i32>} : memref<64x512xf32, #tpu.memory_space<vmem>>, vector<1x16xf32>,
      %parallel_loop3A_298 = arith.index_cast %parallel_loop3A_81 : i32 to index
      %parallel_loop3A_299 = arith.constant 288 : index
      %parallel_loop3A_300 = tpu.vector_load %arg6[%parallel_loop3A_298, %parallel_loop3A_299] {strides = array<i32>} : memref<64x512xf32, #tpu.memory_space<vmem>>, vector<1x16xf32>,
      %parallel_loop3A_301 = vector.shape_cast %parallel_loop3A_300 : vector<1x16xf32> to vector<16xf32>
      %parallel_loop3A_302 = arith.constant 22.6274166 : f32
      %parallel_loop3A_303 = vector.broadcast %parallel_loop3A_302 : f32 to vector<16xf32>
      %parallel_loop3A_304 = arith.mulf %parallel_loop3A_301, %parallel_loop3A_303 : vector<16xf32>
      %parallel_loop3A_305 = arith.index_cast %parallel_loop3A_81 : i32 to index
      %parallel_loop3A_306 = arith.constant 288 : index
      %parallel_loop3A_307 = tpu.vector_load %arg6[%parallel_loop3A_305, %parallel_loop3A_306] {strides = array<i32>} : memref<64x512xf32, #tpu.memory_space<vmem>>, vector<1x16xf32>,
      %parallel_loop3A_308 = vector.shape_cast %parallel_loop3A_307 : vector<1x16xf32> to vector<16xf32>
      %parallel_loop3A_309 = vector.shape_cast %parallel_loop3A_304 : vector<16xf32> to vector<1x16xf32>
      tpu.vector_store %arg6[%parallel_loop3A_305, %parallel_loop3A_306], %parallel_loop3A_309 {strides = array<i32>} : memref<64x512xf32, #tpu.memory_space<vmem>>, vector<1x16xf32>,
      %parallel_loop3A_310 = arith.index_cast %parallel_loop3A_81 : i32 to index
      %parallel_loop3A_311 = arith.constant 304 : index
      %parallel_loop3A_312 = tpu.vector_load %arg6[%parallel_loop3A_310, %parallel_loop3A_311] {strides = array<i32>} : memref<64x512xf32, #tpu.memory_space<vmem>>, vector<1x16xf32>,
      %parallel_loop3A_313 = vector.shape_cast %parallel_loop3A_312 : vector<1x16xf32> to vector<16xf32>
      %parallel_loop3A_314 = arith.constant 22.6274166 : f32
      %parallel_loop3A_315 = vector.broadcast %parallel_loop3A_314 : f32 to vector<16xf32>
      %parallel_loop3A_316 = arith.mulf %parallel_loop3A_313, %parallel_loop3A_315 : vector<16xf32>
      %parallel_loop3A_317 = arith.index_cast %parallel_loop3A_81 : i32 to index
      %parallel_loop3A_318 = arith.constant 304 : index
      %parallel_loop3A_319 = tpu.vector_load %arg6[%parallel_loop3A_317, %parallel_loop3A_318] {strides = array<i32>} : memref<64x512xf32, #tpu.memory_space<vmem>>, vector<1x16xf32>,
      %parallel_loop3A_320 = vector.shape_cast %parallel_loop3A_319 : vector<1x16xf32> to vector<16xf32>
      %parallel_loop3A_321 = vector.shape_cast %parallel_loop3A_316 : vector<16xf32> to vector<1x16xf32>
      tpu.vector_store %arg6[%parallel_loop3A_317, %parallel_loop3A_318], %parallel_loop3A_321 {strides = array<i32>} : memref<64x512xf32, #tpu.memory_space<vmem>>, vector<1x16xf32>,
      %parallel_loop3A_322 = arith.index_cast %parallel_loop3A_81 : i32 to index
      %parallel_loop3A_323 = arith.constant 320 : index
      %parallel_loop3A_324 = tpu.vector_load %arg6[%parallel_loop3A_322, %parallel_loop3A_323] {strides = array<i32>} : memref<64x512xf32, #tpu.memory_space<vmem>>, vector<1x16xf32>,
      %parallel_loop3A_325 = vector.shape_cast %parallel_loop3A_324 : vector<1x16xf32> to vector<16xf32>
      %parallel_loop3A_326 = arith.constant 22.6274166 : f32
      %parallel_loop3A_327 = vector.broadcast %parallel_loop3A_326 : f32 to vector<16xf32>
      %parallel_loop3A_328 = arith.mulf %parallel_loop3A_325, %parallel_loop3A_327 : vector<16xf32>
      %parallel_loop3A_329 = arith.index_cast %parallel_loop3A_81 : i32 to index
      %parallel_loop3A_330 = arith.constant 320 : index
      %parallel_loop3A_331 = tpu.vector_load %arg6[%parallel_loop3A_329, %parallel_loop3A_330] {strides = array<i32>} : memref<64x512xf32, #tpu.memory_space<vmem>>, vector<1x16xf32>,
      %parallel_loop3A_332 = vector.shape_cast %parallel_loop3A_331 : vector<1x16xf32> to vector<16xf32>
      %parallel_loop3A_333 = vector.shape_cast %parallel_loop3A_328 : vector<16xf32> to vector<1x16xf32>
      tpu.vector_store %arg6[%parallel_loop3A_329, %parallel_loop3A_330], %parallel_loop3A_333 {strides = array<i32>} : memref<64x512xf32, #tpu.memory_space<vmem>>, vector<1x16xf32>,
      %parallel_loop3A_334 = arith.index_cast %parallel_loop3A_81 : i32 to index
      %parallel_loop3A_335 = arith.constant 336 : index
      %parallel_loop3A_336 = tpu.vector_load %arg6[%parallel_loop3A_334, %parallel_loop3A_335] {strides = array<i32>} : memref<64x512xf32, #tpu.memory_space<vmem>>, vector<1x16xf32>,
      %parallel_loop3A_337 = vector.shape_cast %parallel_loop3A_336 : vector<1x16xf32> to vector<16xf32>
      %parallel_loop3A_338 = arith.constant 22.6274166 : f32
      %parallel_loop3A_339 = vector.broadcast %parallel_loop3A_338 : f32 to vector<16xf32>
      %parallel_loop3A_340 = arith.mulf %parallel_loop3A_337, %parallel_loop3A_339 : vector<16xf32>
      %parallel_loop3A_341 = arith.index_cast %parallel_loop3A_81 : i32 to index
      %parallel_loop3A_342 = arith.constant 336 : index
      %parallel_loop3A_343 = tpu.vector_load %arg6[%parallel_loop3A_341, %parallel_loop3A_342] {strides = array<i32>} : memref<64x512xf32, #tpu.memory_space<vmem>>, vector<1x16xf32>,
      %parallel_loop3A_344 = vector.shape_cast %parallel_loop3A_343 : vector<1x16xf32> to vector<16xf32>
      %parallel_loop3A_345 = vector.shape_cast %parallel_loop3A_340 : vector<16xf32> to vector<1x16xf32>
      tpu.vector_store %arg6[%parallel_loop3A_341, %parallel_loop3A_342], %parallel_loop3A_345 {strides = array<i32>} : memref<64x512xf32, #tpu.memory_space<vmem>>, vector<1x16xf32>,
      %parallel_loop3A_346 = arith.index_cast %parallel_loop3A_81 : i32 to index
      %parallel_loop3A_347 = arith.constant 352 : index
      %parallel_loop3A_348 = tpu.vector_load %arg6[%parallel_loop3A_346, %parallel_loop3A_347] {strides = array<i32>} : memref<64x512xf32, #tpu.memory_space<vmem>>, vector<1x16xf32>,
      %parallel_loop3A_349 = vector.shape_cast %parallel_loop3A_348 : vector<1x16xf32> to vector<16xf32>
      %parallel_loop3A_350 = arith.constant 22.6274166 : f32
      %parallel_loop3A_351 = vector.broadcast %parallel_loop3A_350 : f32 to vector<16xf32>
      %parallel_loop3A_352 = arith.mulf %parallel_loop3A_349, %parallel_loop3A_351 : vector<16xf32>
      %parallel_loop3A_353 = arith.index_cast %parallel_loop3A_81 : i32 to index
      %parallel_loop3A_354 = arith.constant 352 : index
      %parallel_loop3A_355 = tpu.vector_load %arg6[%parallel_loop3A_353, %parallel_loop3A_354] {strides = array<i32>} : memref<64x512xf32, #tpu.memory_space<vmem>>, vector<1x16xf32>,
      %parallel_loop3A_356 = vector.shape_cast %parallel_loop3A_355 : vector<1x16xf32> to vector<16xf32>
      %parallel_loop3A_357 = vector.shape_cast %parallel_loop3A_352 : vector<16xf32> to vector<1x16xf32>
      tpu.vector_store %arg6[%parallel_loop3A_353, %parallel_loop3A_354], %parallel_loop3A_357 {strides = array<i32>} : memref<64x512xf32, #tpu.memory_space<vmem>>, vector<1x16xf32>,
      %parallel_loop3A_358 = arith.index_cast %parallel_loop3A_81 : i32 to index
      %parallel_loop3A_359 = arith.constant 368 : index
      %parallel_loop3A_360 = tpu.vector_load %arg6[%parallel_loop3A_358, %parallel_loop3A_359] {strides = array<i32>} : memref<64x512xf32, #tpu.memory_space<vmem>>, vector<1x16xf32>,
      %parallel_loop3A_361 = vector.shape_cast %parallel_loop3A_360 : vector<1x16xf32> to vector<16xf32>
      %parallel_loop3A_362 = arith.constant 22.6274166 : f32
      %parallel_loop3A_363 = vector.broadcast %parallel_loop3A_362 : f32 to vector<16xf32>
      %parallel_loop3A_364 = arith.mulf %parallel_loop3A_361, %parallel_loop3A_363 : vector<16xf32>
      %parallel_loop3A_365 = arith.index_cast %parallel_loop3A_81 : i32 to index
      %parallel_loop3A_366 = arith.constant 368 : index
      %parallel_loop3A_367 = tpu.vector_load %arg6[%parallel_loop3A_365, %parallel_loop3A_366] {strides = array<i32>} : memref<64x512xf32, #tpu.memory_space<vmem>>, vector<1x16xf32>,
      %parallel_loop3A_368 = vector.shape_cast %parallel_loop3A_367 : vector<1x16xf32> to vector<16xf32>
      %parallel_loop3A_369 = vector.shape_cast %parallel_loop3A_364 : vector<16xf32> to vector<1x16xf32>
      tpu.vector_store %arg6[%parallel_loop3A_365, %parallel_loop3A_366], %parallel_loop3A_369 {strides = array<i32>} : memref<64x512xf32, #tpu.memory_space<vmem>>, vector<1x16xf32>,
      %parallel_loop3A_370 = arith.index_cast %parallel_loop3A_81 : i32 to index
      %parallel_loop3A_371 = arith.constant 384 : index
      %parallel_loop3A_372 = tpu.vector_load %arg6[%parallel_loop3A_370, %parallel_loop3A_371] {strides = array<i32>} : memref<64x512xf32, #tpu.memory_space<vmem>>, vector<1x16xf32>,
      %parallel_loop3A_373 = vector.shape_cast %parallel_loop3A_372 : vector<1x16xf32> to vector<16xf32>
      %parallel_loop3A_374 = arith.constant 22.6274166 : f32
      %parallel_loop3A_375 = vector.broadcast %parallel_loop3A_374 : f32 to vector<16xf32>
      %parallel_loop3A_376 = arith.mulf %parallel_loop3A_373, %parallel_loop3A_375 : vector<16xf32>
      %parallel_loop3A_377 = arith.index_cast %parallel_loop3A_81 : i32 to index
      %parallel_loop3A_378 = arith.constant 384 : index
      %parallel_loop3A_379 = tpu.vector_load %arg6[%parallel_loop3A_377, %parallel_loop3A_378] {strides = array<i32>} : memref<64x512xf32, #tpu.memory_space<vmem>>, vector<1x16xf32>,
      %parallel_loop3A_380 = vector.shape_cast %parallel_loop3A_379 : vector<1x16xf32> to vector<16xf32>
      %parallel_loop3A_381 = vector.shape_cast %parallel_loop3A_376 : vector<16xf32> to vector<1x16xf32>
      tpu.vector_store %arg6[%parallel_loop3A_377, %parallel_loop3A_378], %parallel_loop3A_381 {strides = array<i32>} : memref<64x512xf32, #tpu.memory_space<vmem>>, vector<1x16xf32>,
      %parallel_loop3A_382 = arith.index_cast %parallel_loop3A_81 : i32 to index
      %parallel_loop3A_383 = arith.constant 400 : index
      %parallel_loop3A_384 = tpu.vector_load %arg6[%parallel_loop3A_382, %parallel_loop3A_383] {strides = array<i32>} : memref<64x512xf32, #tpu.memory_space<vmem>>, vector<1x16xf32>,
      %parallel_loop3A_385 = vector.shape_cast %parallel_loop3A_384 : vector<1x16xf32> to vector<16xf32>
      %parallel_loop3A_386 = arith.constant 22.6274166 : f32
      %parallel_loop3A_387 = vector.broadcast %parallel_loop3A_386 : f32 to vector<16xf32>
      %parallel_loop3A_388 = arith.mulf %parallel_loop3A_385, %parallel_loop3A_387 : vector<16xf32>
      %parallel_loop3A_389 = arith.index_cast %parallel_loop3A_81 : i32 to index
      %parallel_loop3A_390 = arith.constant 400 : index
      %parallel_loop3A_391 = tpu.vector_load %arg6[%parallel_loop3A_389, %parallel_loop3A_390] {strides = array<i32>} : memref<64x512xf32, #tpu.memory_space<vmem>>, vector<1x16xf32>,
      %parallel_loop3A_392 = vector.shape_cast %parallel_loop3A_391 : vector<1x16xf32> to vector<16xf32>
      %parallel_loop3A_393 = vector.shape_cast %parallel_loop3A_388 : vector<16xf32> to vector<1x16xf32>
      tpu.vector_store %arg6[%parallel_loop3A_389, %parallel_loop3A_390], %parallel_loop3A_393 {strides = array<i32>} : memref<64x512xf32, #tpu.memory_space<vmem>>, vector<1x16xf32>,
      %parallel_loop3A_394 = arith.index_cast %parallel_loop3A_81 : i32 to index
      %parallel_loop3A_395 = arith.constant 416 : index
      %parallel_loop3A_396 = tpu.vector_load %arg6[%parallel_loop3A_394, %parallel_loop3A_395] {strides = array<i32>} : memref<64x512xf32, #tpu.memory_space<vmem>>, vector<1x16xf32>,
      %parallel_loop3A_397 = vector.shape_cast %parallel_loop3A_396 : vector<1x16xf32> to vector<16xf32>
      %parallel_loop3A_398 = arith.constant 22.6274166 : f32
      %parallel_loop3A_399 = vector.broadcast %parallel_loop3A_398 : f32 to vector<16xf32>
      %parallel_loop3A_400 = arith.mulf %parallel_loop3A_397, %parallel_loop3A_399 : vector<16xf32>
      %parallel_loop3A_401 = arith.index_cast %parallel_loop3A_81 : i32 to index
      %parallel_loop3A_402 = arith.constant 416 : index
      %parallel_loop3A_403 = tpu.vector_load %arg6[%parallel_loop3A_401, %parallel_loop3A_402] {strides = array<i32>} : memref<64x512xf32, #tpu.memory_space<vmem>>, vector<1x16xf32>,
      %parallel_loop3A_404 = vector.shape_cast %parallel_loop3A_403 : vector<1x16xf32> to vector<16xf32>
      %parallel_loop3A_405 = vector.shape_cast %parallel_loop3A_400 : vector<16xf32> to vector<1x16xf32>
      tpu.vector_store %arg6[%parallel_loop3A_401, %parallel_loop3A_402], %parallel_loop3A_405 {strides = array<i32>} : memref<64x512xf32, #tpu.memory_space<vmem>>, vector<1x16xf32>,
      %parallel_loop3A_406 = arith.index_cast %parallel_loop3A_81 : i32 to index
      %parallel_loop3A_407 = arith.constant 432 : index
      %parallel_loop3A_408 = tpu.vector_load %arg6[%parallel_loop3A_406, %parallel_loop3A_407] {strides = array<i32>} : memref<64x512xf32, #tpu.memory_space<vmem>>, vector<1x16xf32>,
      %parallel_loop3A_409 = vector.shape_cast %parallel_loop3A_408 : vector<1x16xf32> to vector<16xf32>
      %parallel_loop3A_410 = arith.constant 22.6274166 : f32
      %parallel_loop3A_411 = vector.broadcast %parallel_loop3A_410 : f32 to vector<16xf32>
      %parallel_loop3A_412 = arith.mulf %parallel_loop3A_409, %parallel_loop3A_411 : vector<16xf32>
      %parallel_loop3A_413 = arith.index_cast %parallel_loop3A_81 : i32 to index
      %parallel_loop3A_414 = arith.constant 432 : index
      %parallel_loop3A_415 = tpu.vector_load %arg6[%parallel_loop3A_413, %parallel_loop3A_414] {strides = array<i32>} : memref<64x512xf32, #tpu.memory_space<vmem>>, vector<1x16xf32>,
      %parallel_loop3A_416 = vector.shape_cast %parallel_loop3A_415 : vector<1x16xf32> to vector<16xf32>
      %parallel_loop3A_417 = vector.shape_cast %parallel_loop3A_412 : vector<16xf32> to vector<1x16xf32>
      tpu.vector_store %arg6[%parallel_loop3A_413, %parallel_loop3A_414], %parallel_loop3A_417 {strides = array<i32>} : memref<64x512xf32, #tpu.memory_space<vmem>>, vector<1x16xf32>,
      %parallel_loop3A_418 = arith.index_cast %parallel_loop3A_81 : i32 to index
      %parallel_loop3A_419 = arith.constant 448 : index
      %parallel_loop3A_420 = tpu.vector_load %arg6[%parallel_loop3A_418, %parallel_loop3A_419] {strides = array<i32>} : memref<64x512xf32, #tpu.memory_space<vmem>>, vector<1x16xf32>,
      %parallel_loop3A_421 = vector.shape_cast %parallel_loop3A_420 : vector<1x16xf32> to vector<16xf32>
      %parallel_loop3A_422 = arith.constant 22.6274166 : f32
      %parallel_loop3A_423 = vector.broadcast %parallel_loop3A_422 : f32 to vector<16xf32>
      %parallel_loop3A_424 = arith.mulf %parallel_loop3A_421, %parallel_loop3A_423 : vector<16xf32>
      %parallel_loop3A_425 = arith.index_cast %parallel_loop3A_81 : i32 to index
      %parallel_loop3A_426 = arith.constant 448 : index
      %parallel_loop3A_427 = tpu.vector_load %arg6[%parallel_loop3A_425, %parallel_loop3A_426] {strides = array<i32>} : memref<64x512xf32, #tpu.memory_space<vmem>>, vector<1x16xf32>,
      %parallel_loop3A_428 = vector.shape_cast %parallel_loop3A_427 : vector<1x16xf32> to vector<16xf32>
      %parallel_loop3A_429 = vector.shape_cast %parallel_loop3A_424 : vector<16xf32> to vector<1x16xf32>
      tpu.vector_store %arg6[%parallel_loop3A_425, %parallel_loop3A_426], %parallel_loop3A_429 {strides = array<i32>} : memref<64x512xf32, #tpu.memory_space<vmem>>, vector<1x16xf32>,
      %parallel_loop3A_430 = arith.index_cast %parallel_loop3A_81 : i32 to index
      %parallel_loop3A_431 = arith.constant 464 : index
      %parallel_loop3A_432 = tpu.vector_load %arg6[%parallel_loop3A_430, %parallel_loop3A_431] {strides = array<i32>} : memref<64x512xf32, #tpu.memory_space<vmem>>, vector<1x16xf32>,
      %parallel_loop3A_433 = vector.shape_cast %parallel_loop3A_432 : vector<1x16xf32> to vector<16xf32>
      %parallel_loop3A_434 = arith.constant 22.6274166 : f32
      %parallel_loop3A_435 = vector.broadcast %parallel_loop3A_434 : f32 to vector<16xf32>
      %parallel_loop3A_436 = arith.mulf %parallel_loop3A_433, %parallel_loop3A_435 : vector<16xf32>
      %parallel_loop3A_437 = arith.index_cast %parallel_loop3A_81 : i32 to index
      %parallel_loop3A_438 = arith.constant 464 : index
      %parallel_loop3A_439 = tpu.vector_load %arg6[%parallel_loop3A_437, %parallel_loop3A_438] {strides = array<i32>} : memref<64x512xf32, #tpu.memory_space<vmem>>, vector<1x16xf32>,
      %parallel_loop3A_440 = vector.shape_cast %parallel_loop3A_439 : vector<1x16xf32> to vector<16xf32>
      %parallel_loop3A_441 = vector.shape_cast %parallel_loop3A_436 : vector<16xf32> to vector<1x16xf32>
      tpu.vector_store %arg6[%parallel_loop3A_437, %parallel_loop3A_438], %parallel_loop3A_441 {strides = array<i32>} : memref<64x512xf32, #tpu.memory_space<vmem>>, vector<1x16xf32>,
      %parallel_loop3A_442 = arith.index_cast %parallel_loop3A_81 : i32 to index
      %parallel_loop3A_443 = arith.constant 480 : index
      %parallel_loop3A_444 = tpu.vector_load %arg6[%parallel_loop3A_442, %parallel_loop3A_443] {strides = array<i32>} : memref<64x512xf32, #tpu.memory_space<vmem>>, vector<1x16xf32>,
      %parallel_loop3A_445 = vector.shape_cast %parallel_loop3A_444 : vector<1x16xf32> to vector<16xf32>
      %parallel_loop3A_446 = arith.constant 22.6274166 : f32
      %parallel_loop3A_447 = vector.broadcast %parallel_loop3A_446 : f32 to vector<16xf32>
      %parallel_loop3A_448 = arith.mulf %parallel_loop3A_445, %parallel_loop3A_447 : vector<16xf32>
      %parallel_loop3A_449 = arith.index_cast %parallel_loop3A_81 : i32 to index
      %parallel_loop3A_450 = arith.constant 480 : index
      %parallel_loop3A_451 = tpu.vector_load %arg6[%parallel_loop3A_449, %parallel_loop3A_450] {strides = array<i32>} : memref<64x512xf32, #tpu.memory_space<vmem>>, vector<1x16xf32>,
      %parallel_loop3A_452 = vector.shape_cast %parallel_loop3A_451 : vector<1x16xf32> to vector<16xf32>
      %parallel_loop3A_453 = vector.shape_cast %parallel_loop3A_448 : vector<16xf32> to vector<1x16xf32>
      tpu.vector_store %arg6[%parallel_loop3A_449, %parallel_loop3A_450], %parallel_loop3A_453 {strides = array<i32>} : memref<64x512xf32, #tpu.memory_space<vmem>>, vector<1x16xf32>,
      %parallel_loop3A_454 = arith.index_cast %parallel_loop3A_81 : i32 to index
      %parallel_loop3A_455 = arith.constant 496 : index
      %parallel_loop3A_456 = tpu.vector_load %arg6[%parallel_loop3A_454, %parallel_loop3A_455] {strides = array<i32>} : memref<64x512xf32, #tpu.memory_space<vmem>>, vector<1x16xf32>,
      %parallel_loop3A_457 = vector.shape_cast %parallel_loop3A_456 : vector<1x16xf32> to vector<16xf32>
      %parallel_loop3A_458 = arith.constant 22.6274166 : f32
      %parallel_loop3A_459 = vector.broadcast %parallel_loop3A_458 : f32 to vector<16xf32>
      %parallel_loop3A_460 = arith.mulf %parallel_loop3A_457, %parallel_loop3A_459 : vector<16xf32>
      %parallel_loop3A_461 = arith.index_cast %parallel_loop3A_81 : i32 to index
      %parallel_loop3A_462 = arith.constant 496 : index
      %parallel_loop3A_463 = tpu.vector_load %arg6[%parallel_loop3A_461, %parallel_loop3A_462] {strides = array<i32>} : memref<64x512xf32, #tpu.memory_space<vmem>>, vector<1x16xf32>,
      %parallel_loop3A_464 = vector.shape_cast %parallel_loop3A_463 : vector<1x16xf32> to vector<16xf32>
      %parallel_loop3A_465 = vector.shape_cast %parallel_loop3A_460 : vector<16xf32> to vector<1x16xf32>
      tpu.vector_store %arg6[%parallel_loop3A_461, %parallel_loop3A_462], %parallel_loop3A_465 {strides = array<i32>} : memref<64x512xf32, #tpu.memory_space<vmem>>, vector<1x16xf32>,
    } {sc.loop_unroll_factor = 1 : i64, sc.parallel_access}
    %mul3A_27 = arith.constant 128 : i32
    %mul3A_28 = arith.muli %add3A, %mul3A_27 : i32
    %add3A_29 = arith.constant 0 : i32
    %add3A_30 = arith.addi %mul3A_28, %add3A_29 : i32
    %dma_start3A_31 = arith.constant 49 : i32
    %dma_start3A_32 = arith.constant 0 : i32
    %dma_start3A_33 = tpu.memref_slice %arg4[%dma_start3A_31, %add3A_30, %dma_start3A_32] : memref<50x4096x512xf32, #tpu.memory_space<hbm>> -> memref<1x64x512xf32, #tpu.memory_space<hbm>>
    %dma_start3A_34 = tpu.memref_squeeze %dma_start3A_33 : memref<1x64x512xf32, #tpu.memory_space<hbm>> -> memref<64x512xf32, #tpu.memory_space<hbm>>
    %dma_start3A_35 = arith.constant 0 : i32
    %dma_start3A_36 = tpu.memref_slice %arg4[%dma_start3A_31, %add3A_30, %dma_start3A_35] : memref<50x4096x512xf32, #tpu.memory_space<hbm>> -> memref<1x64x512xf32, #tpu.memory_space<hbm>>
    %dma_start3A_37 = tpu.memref_squeeze %dma_start3A_36 : memref<1x64x512xf32, #tpu.memory_space<hbm>> -> memref<64x512xf32, #tpu.memory_space<hbm>>
    tpu.enqueue_dma source(%arg6 : memref<64x512xf32, #tpu.memory_space<vmem>>) target(%dma_start3A_37 : memref<64x512xf32, #tpu.memory_space<hbm>>) target_semaphore(%arg10 : memref<!tpu.dma_semaphore, #tpu.memory_space<semaphore_mem>>)
    %dma_wait3A_38 = arith.constant 99 : i32
    %dma_wait3A_39 = arith.constant 0 : i32
    %dma_wait3A_40 = tpu.memref_slice %arg5[%dma_wait3A_38, %dma_wait3A_39] : memref<100x64xi32, #tpu.memory_space<vmem>> -> memref<1x64xi32, #tpu.memory_space<vmem>>
    %dma_wait3A_41 = tpu.memref_squeeze %dma_wait3A_40 : memref<1x64xi32, #tpu.memory_space<vmem>> -> memref<64xi32, #tpu.memory_space<vmem>>
    %dma_wait3A_42 = arith.constant 0 : i32
    %dma_wait3A_43 = arith.constant 0 : i32
    %dma_wait3A_44 = tpu.memref_slice %arg2[%dma_wait3A_42, %dma_wait3A_43] : memref<100000x512xf32, #tpu.memory_space<hbm>> -> memref<100000x512xf32, #tpu.memory_space<hbm>>
    tpu.wait_indirect_dma semaphore(%arg9 : memref<!tpu.dma_semaphore, #tpu.memory_space<semaphore_mem>>) src(%dma_wait3A_44 : memref<100000x512xf32, #tpu.memory_space<hbm>>) dst(%arg7 : memref<64x512xf32, #tpu.memory_space<vmem>>)
    %parallel_loop3A_45 = arith.constant 0 : i32
    %parallel_loop3A_46 = arith.constant 64 : i32
    %parallel_loop3A_47 = arith.constant 1 : i32
    scf.for %parallel_loop3A_81 = %parallel_loop3A_45 to %parallel_loop3A_46 step %parallel_loop3A_47  : i32 {
      %parallel_loop3A_82 = arith.index_cast %parallel_loop3A_81 : i32 to index
      %parallel_loop3A_83 = arith.constant 0 : index
      %parallel_loop3A_84 = tpu.vector_load %arg7[%parallel_loop3A_82, %parallel_loop3A_83] {strides = array<i32>} : memref<64x512xf32, #tpu.memory_space<vmem>>, vector<1x16xf32>,
      %parallel_loop3A_85 = vector.shape_cast %parallel_loop3A_84 : vector<1x16xf32> to vector<16xf32>
      %parallel_loop3A_86 = arith.constant 22.6274166 : f32
      %parallel_loop3A_87 = vector.broadcast %parallel_loop3A_86 : f32 to vector<16xf32>
      %parallel_loop3A_88 = arith.mulf %parallel_loop3A_85, %parallel_loop3A_87 : vector<16xf32>
      %parallel_loop3A_89 = arith.index_cast %parallel_loop3A_81 : i32 to index
      %parallel_loop3A_90 = arith.constant 0 : index
      %parallel_loop3A_91 = tpu.vector_load %arg7[%parallel_loop3A_89, %parallel_loop3A_90] {strides = array<i32>} : memref<64x512xf32, #tpu.memory_space<vmem>>, vector<1x16xf32>,
      %parallel_loop3A_92 = vector.shape_cast %parallel_loop3A_91 : vector<1x16xf32> to vector<16xf32>
      %parallel_loop3A_93 = vector.shape_cast %parallel_loop3A_88 : vector<16xf32> to vector<1x16xf32>
      tpu.vector_store %arg7[%parallel_loop3A_89, %parallel_loop3A_90], %parallel_loop3A_93 {strides = array<i32>} : memref<64x512xf32, #tpu.memory_space<vmem>>, vector<1x16xf32>,
      %parallel_loop3A_94 = arith.index_cast %parallel_loop3A_81 : i32 to index
      %parallel_loop3A_95 = arith.constant 16 : index
      %parallel_loop3A_96 = tpu.vector_load %arg7[%parallel_loop3A_94, %parallel_loop3A_95] {strides = array<i32>} : memref<64x512xf32, #tpu.memory_space<vmem>>, vector<1x16xf32>,
      %parallel_loop3A_97 = vector.shape_cast %parallel_loop3A_96 : vector<1x16xf32> to vector<16xf32>
      %parallel_loop3A_98 = arith.constant 22.6274166 : f32
      %parallel_loop3A_99 = vector.broadcast %parallel_loop3A_98 : f32 to vector<16xf32>
      %parallel_loop3A_100 = arith.mulf %parallel_loop3A_97, %parallel_loop3A_99 : vector<16xf32>
      %parallel_loop3A_101 = arith.index_cast %parallel_loop3A_81 : i32 to index
      %parallel_loop3A_102 = arith.constant 16 : index
      %parallel_loop3A_103 = tpu.vector_load %arg7[%parallel_loop3A_101, %parallel_loop3A_102] {strides = array<i32>} : memref<64x512xf32, #tpu.memory_space<vmem>>, vector<1x16xf32>,
      %parallel_loop3A_104 = vector.shape_cast %parallel_loop3A_103 : vector<1x16xf32> to vector<16xf32>
      %parallel_loop3A_105 = vector.shape_cast %parallel_loop3A_100 : vector<16xf32> to vector<1x16xf32>
      tpu.vector_store %arg7[%parallel_loop3A_101, %parallel_loop3A_102], %parallel_loop3A_105 {strides = array<i32>} : memref<64x512xf32, #tpu.memory_space<vmem>>, vector<1x16xf32>,
      %parallel_loop3A_106 = arith.index_cast %parallel_loop3A_81 : i32 to index
      %parallel_loop3A_107 = arith.constant 32 : index
      %parallel_loop3A_108 = tpu.vector_load %arg7[%parallel_loop3A_106, %parallel_loop3A_107] {strides = array<i32>} : memref<64x512xf32, #tpu.memory_space<vmem>>, vector<1x16xf32>,
      %parallel_loop3A_109 = vector.shape_cast %parallel_loop3A_108 : vector<1x16xf32> to vector<16xf32>
      %parallel_loop3A_110 = arith.constant 22.6274166 : f32
      %parallel_loop3A_111 = vector.broadcast %parallel_loop3A_110 : f32 to vector<16xf32>
      %parallel_loop3A_112 = arith.mulf %parallel_loop3A_109, %parallel_loop3A_111 : vector<16xf32>
      %parallel_loop3A_113 = arith.index_cast %parallel_loop3A_81 : i32 to index
      %parallel_loop3A_114 = arith.constant 32 : index
      %parallel_loop3A_115 = tpu.vector_load %arg7[%parallel_loop3A_113, %parallel_loop3A_114] {strides = array<i32>} : memref<64x512xf32, #tpu.memory_space<vmem>>, vector<1x16xf32>,
      %parallel_loop3A_116 = vector.shape_cast %parallel_loop3A_115 : vector<1x16xf32> to vector<16xf32>
      %parallel_loop3A_117 = vector.shape_cast %parallel_loop3A_112 : vector<16xf32> to vector<1x16xf32>
      tpu.vector_store %arg7[%parallel_loop3A_113, %parallel_loop3A_114], %parallel_loop3A_117 {strides = array<i32>} : memref<64x512xf32, #tpu.memory_space<vmem>>, vector<1x16xf32>,
      %parallel_loop3A_118 = arith.index_cast %parallel_loop3A_81 : i32 to index
      %parallel_loop3A_119 = arith.constant 48 : index
      %parallel_loop3A_120 = tpu.vector_load %arg7[%parallel_loop3A_118, %parallel_loop3A_119] {strides = array<i32>} : memref<64x512xf32, #tpu.memory_space<vmem>>, vector<1x16xf32>,
      %parallel_loop3A_121 = vector.shape_cast %parallel_loop3A_120 : vector<1x16xf32> to vector<16xf32>
      %parallel_loop3A_122 = arith.constant 22.6274166 : f32
      %parallel_loop3A_123 = vector.broadcast %parallel_loop3A_122 : f32 to vector<16xf32>
      %parallel_loop3A_124 = arith.mulf %parallel_loop3A_121, %parallel_loop3A_123 : vector<16xf32>
      %parallel_loop3A_125 = arith.index_cast %parallel_loop3A_81 : i32 to index
      %parallel_loop3A_126 = arith.constant 48 : index
      %parallel_loop3A_127 = tpu.vector_load %arg7[%parallel_loop3A_125, %parallel_loop3A_126] {strides = array<i32>} : memref<64x512xf32, #tpu.memory_space<vmem>>, vector<1x16xf32>,
      %parallel_loop3A_128 = vector.shape_cast %parallel_loop3A_127 : vector<1x16xf32> to vector<16xf32>
      %parallel_loop3A_129 = vector.shape_cast %parallel_loop3A_124 : vector<16xf32> to vector<1x16xf32>
      tpu.vector_store %arg7[%parallel_loop3A_125, %parallel_loop3A_126], %parallel_loop3A_129 {strides = array<i32>} : memref<64x512xf32, #tpu.memory_space<vmem>>, vector<1x16xf32>,
      %parallel_loop3A_130 = arith.index_cast %parallel_loop3A_81 : i32 to index
      %parallel_loop3A_131 = arith.constant 64 : index
      %parallel_loop3A_132 = tpu.vector_load %arg7[%parallel_loop3A_130, %parallel_loop3A_131] {strides = array<i32>} : memref<64x512xf32, #tpu.memory_space<vmem>>, vector<1x16xf32>,
      %parallel_loop3A_133 = vector.shape_cast %parallel_loop3A_132 : vector<1x16xf32> to vector<16xf32>
      %parallel_loop3A_134 = arith.constant 22.6274166 : f32
      %parallel_loop3A_135 = vector.broadcast %parallel_loop3A_134 : f32 to vector<16xf32>
      %parallel_loop3A_136 = arith.mulf %parallel_loop3A_133, %parallel_loop3A_135 : vector<16xf32>
      %parallel_loop3A_137 = arith.index_cast %parallel_loop3A_81 : i32 to index
      %parallel_loop3A_138 = arith.constant 64 : index
      %parallel_loop3A_139 = tpu.vector_load %arg7[%parallel_loop3A_137, %parallel_loop3A_138] {strides = array<i32>} : memref<64x512xf32, #tpu.memory_space<vmem>>, vector<1x16xf32>,
      %parallel_loop3A_140 = vector.shape_cast %parallel_loop3A_139 : vector<1x16xf32> to vector<16xf32>
      %parallel_loop3A_141 = vector.shape_cast %parallel_loop3A_136 : vector<16xf32> to vector<1x16xf32>
      tpu.vector_store %arg7[%parallel_loop3A_137, %parallel_loop3A_138], %parallel_loop3A_141 {strides = array<i32>} : memref<64x512xf32, #tpu.memory_space<vmem>>, vector<1x16xf32>,
      %parallel_loop3A_142 = arith.index_cast %parallel_loop3A_81 : i32 to index
      %parallel_loop3A_143 = arith.constant 80 : index
      %parallel_loop3A_144 = tpu.vector_load %arg7[%parallel_loop3A_142, %parallel_loop3A_143] {strides = array<i32>} : memref<64x512xf32, #tpu.memory_space<vmem>>, vector<1x16xf32>,
      %parallel_loop3A_145 = vector.shape_cast %parallel_loop3A_144 : vector<1x16xf32> to vector<16xf32>
      %parallel_loop3A_146 = arith.constant 22.6274166 : f32
      %parallel_loop3A_147 = vector.broadcast %parallel_loop3A_146 : f32 to vector<16xf32>
      %parallel_loop3A_148 = arith.mulf %parallel_loop3A_145, %parallel_loop3A_147 : vector<16xf32>
      %parallel_loop3A_149 = arith.index_cast %parallel_loop3A_81 : i32 to index
      %parallel_loop3A_150 = arith.constant 80 : index
      %parallel_loop3A_151 = tpu.vector_load %arg7[%parallel_loop3A_149, %parallel_loop3A_150] {strides = array<i32>} : memref<64x512xf32, #tpu.memory_space<vmem>>, vector<1x16xf32>,
      %parallel_loop3A_152 = vector.shape_cast %parallel_loop3A_151 : vector<1x16xf32> to vector<16xf32>
      %parallel_loop3A_153 = vector.shape_cast %parallel_loop3A_148 : vector<16xf32> to vector<1x16xf32>
      tpu.vector_store %arg7[%parallel_loop3A_149, %parallel_loop3A_150], %parallel_loop3A_153 {strides = array<i32>} : memref<64x512xf32, #tpu.memory_space<vmem>>, vector<1x16xf32>,
      %parallel_loop3A_154 = arith.index_cast %parallel_loop3A_81 : i32 to index
      %parallel_loop3A_155 = arith.constant 96 : index
      %parallel_loop3A_156 = tpu.vector_load %arg7[%parallel_loop3A_154, %parallel_loop3A_155] {strides = array<i32>} : memref<64x512xf32, #tpu.memory_space<vmem>>, vector<1x16xf32>,
      %parallel_loop3A_157 = vector.shape_cast %parallel_loop3A_156 : vector<1x16xf32> to vector<16xf32>
      %parallel_loop3A_158 = arith.constant 22.6274166 : f32
      %parallel_loop3A_159 = vector.broadcast %parallel_loop3A_158 : f32 to vector<16xf32>
      %parallel_loop3A_160 = arith.mulf %parallel_loop3A_157, %parallel_loop3A_159 : vector<16xf32>
      %parallel_loop3A_161 = arith.index_cast %parallel_loop3A_81 : i32 to index
      %parallel_loop3A_162 = arith.constant 96 : index
      %parallel_loop3A_163 = tpu.vector_load %arg7[%parallel_loop3A_161, %parallel_loop3A_162] {strides = array<i32>} : memref<64x512xf32, #tpu.memory_space<vmem>>, vector<1x16xf32>,
      %parallel_loop3A_164 = vector.shape_cast %parallel_loop3A_163 : vector<1x16xf32> to vector<16xf32>
      %parallel_loop3A_165 = vector.shape_cast %parallel_loop3A_160 : vector<16xf32> to vector<1x16xf32>
      tpu.vector_store %arg7[%parallel_loop3A_161, %parallel_loop3A_162], %parallel_loop3A_165 {strides = array<i32>} : memref<64x512xf32, #tpu.memory_space<vmem>>, vector<1x16xf32>,
      %parallel_loop3A_166 = arith.index_cast %parallel_loop3A_81 : i32 to index
      %parallel_loop3A_167 = arith.constant 112 : index
      %parallel_loop3A_168 = tpu.vector_load %arg7[%parallel_loop3A_166, %parallel_loop3A_167] {strides = array<i32>} : memref<64x512xf32, #tpu.memory_space<vmem>>, vector<1x16xf32>,
      %parallel_loop3A_169 = vector.shape_cast %parallel_loop3A_168 : vector<1x16xf32> to vector<16xf32>
      %parallel_loop3A_170 = arith.constant 22.6274166 : f32
      %parallel_loop3A_171 = vector.broadcast %parallel_loop3A_170 : f32 to vector<16xf32>
      %parallel_loop3A_172 = arith.mulf %parallel_loop3A_169, %parallel_loop3A_171 : vector<16xf32>
      %parallel_loop3A_173 = arith.index_cast %parallel_loop3A_81 : i32 to index
      %parallel_loop3A_174 = arith.constant 112 : index
      %parallel_loop3A_175 = tpu.vector_load %arg7[%parallel_loop3A_173, %parallel_loop3A_174] {strides = array<i32>} : memref<64x512xf32, #tpu.memory_space<vmem>>, vector<1x16xf32>,
      %parallel_loop3A_176 = vector.shape_cast %parallel_loop3A_175 : vector<1x16xf32> to vector<16xf32>
      %parallel_loop3A_177 = vector.shape_cast %parallel_loop3A_172 : vector<16xf32> to vector<1x16xf32>
      tpu.vector_store %arg7[%parallel_loop3A_173, %parallel_loop3A_174], %parallel_loop3A_177 {strides = array<i32>} : memref<64x512xf32, #tpu.memory_space<vmem>>, vector<1x16xf32>,
      %parallel_loop3A_178 = arith.index_cast %parallel_loop3A_81 : i32 to index
      %parallel_loop3A_179 = arith.constant 128 : index
      %parallel_loop3A_180 = tpu.vector_load %arg7[%parallel_loop3A_178, %parallel_loop3A_179] {strides = array<i32>} : memref<64x512xf32, #tpu.memory_space<vmem>>, vector<1x16xf32>,
      %parallel_loop3A_181 = vector.shape_cast %parallel_loop3A_180 : vector<1x16xf32> to vector<16xf32>
      %parallel_loop3A_182 = arith.constant 22.6274166 : f32
      %parallel_loop3A_183 = vector.broadcast %parallel_loop3A_182 : f32 to vector<16xf32>
      %parallel_loop3A_184 = arith.mulf %parallel_loop3A_181, %parallel_loop3A_183 : vector<16xf32>
      %parallel_loop3A_185 = arith.index_cast %parallel_loop3A_81 : i32 to index
      %parallel_loop3A_186 = arith.constant 128 : index
      %parallel_loop3A_187 = tpu.vector_load %arg7[%parallel_loop3A_185, %parallel_loop3A_186] {strides = array<i32>} : memref<64x512xf32, #tpu.memory_space<vmem>>, vector<1x16xf32>,
      %parallel_loop3A_188 = vector.shape_cast %parallel_loop3A_187 : vector<1x16xf32> to vector<16xf32>
      %parallel_loop3A_189 = vector.shape_cast %parallel_loop3A_184 : vector<16xf32> to vector<1x16xf32>
      tpu.vector_store %arg7[%parallel_loop3A_185, %parallel_loop3A_186], %parallel_loop3A_189 {strides = array<i32>} : memref<64x512xf32, #tpu.memory_space<vmem>>, vector<1x16xf32>,
      %parallel_loop3A_190 = arith.index_cast %parallel_loop3A_81 : i32 to index
      %parallel_loop3A_191 = arith.constant 144 : index
      %parallel_loop3A_192 = tpu.vector_load %arg7[%parallel_loop3A_190, %parallel_loop3A_191] {strides = array<i32>} : memref<64x512xf32, #tpu.memory_space<vmem>>, vector<1x16xf32>,
      %parallel_loop3A_193 = vector.shape_cast %parallel_loop3A_192 : vector<1x16xf32> to vector<16xf32>
      %parallel_loop3A_194 = arith.constant 22.6274166 : f32
      %parallel_loop3A_195 = vector.broadcast %parallel_loop3A_194 : f32 to vector<16xf32>
      %parallel_loop3A_196 = arith.mulf %parallel_loop3A_193, %parallel_loop3A_195 : vector<16xf32>
      %parallel_loop3A_197 = arith.index_cast %parallel_loop3A_81 : i32 to index
      %parallel_loop3A_198 = arith.constant 144 : index
      %parallel_loop3A_199 = tpu.vector_load %arg7[%parallel_loop3A_197, %parallel_loop3A_198] {strides = array<i32>} : memref<64x512xf32, #tpu.memory_space<vmem>>, vector<1x16xf32>,
      %parallel_loop3A_200 = vector.shape_cast %parallel_loop3A_199 : vector<1x16xf32> to vector<16xf32>
      %parallel_loop3A_201 = vector.shape_cast %parallel_loop3A_196 : vector<16xf32> to vector<1x16xf32>
      tpu.vector_store %arg7[%parallel_loop3A_197, %parallel_loop3A_198], %parallel_loop3A_201 {strides = array<i32>} : memref<64x512xf32, #tpu.memory_space<vmem>>, vector<1x16xf32>,
      %parallel_loop3A_202 = arith.index_cast %parallel_loop3A_81 : i32 to index
      %parallel_loop3A_203 = arith.constant 160 : index
      %parallel_loop3A_204 = tpu.vector_load %arg7[%parallel_loop3A_202, %parallel_loop3A_203] {strides = array<i32>} : memref<64x512xf32, #tpu.memory_space<vmem>>, vector<1x16xf32>,
      %parallel_loop3A_205 = vector.shape_cast %parallel_loop3A_204 : vector<1x16xf32> to vector<16xf32>
      %parallel_loop3A_206 = arith.constant 22.6274166 : f32
      %parallel_loop3A_207 = vector.broadcast %parallel_loop3A_206 : f32 to vector<16xf32>
      %parallel_loop3A_208 = arith.mulf %parallel_loop3A_205, %parallel_loop3A_207 : vector<16xf32>
      %parallel_loop3A_209 = arith.index_cast %parallel_loop3A_81 : i32 to index
      %parallel_loop3A_210 = arith.constant 160 : index
      %parallel_loop3A_211 = tpu.vector_load %arg7[%parallel_loop3A_209, %parallel_loop3A_210] {strides = array<i32>} : memref<64x512xf32, #tpu.memory_space<vmem>>, vector<1x16xf32>,
      %parallel_loop3A_212 = vector.shape_cast %parallel_loop3A_211 : vector<1x16xf32> to vector<16xf32>
      %parallel_loop3A_213 = vector.shape_cast %parallel_loop3A_208 : vector<16xf32> to vector<1x16xf32>
      tpu.vector_store %arg7[%parallel_loop3A_209, %parallel_loop3A_210], %parallel_loop3A_213 {strides = array<i32>} : memref<64x512xf32, #tpu.memory_space<vmem>>, vector<1x16xf32>,
      %parallel_loop3A_214 = arith.index_cast %parallel_loop3A_81 : i32 to index
      %parallel_loop3A_215 = arith.constant 176 : index
      %parallel_loop3A_216 = tpu.vector_load %arg7[%parallel_loop3A_214, %parallel_loop3A_215] {strides = array<i32>} : memref<64x512xf32, #tpu.memory_space<vmem>>, vector<1x16xf32>,
      %parallel_loop3A_217 = vector.shape_cast %parallel_loop3A_216 : vector<1x16xf32> to vector<16xf32>
      %parallel_loop3A_218 = arith.constant 22.6274166 : f32
      %parallel_loop3A_219 = vector.broadcast %parallel_loop3A_218 : f32 to vector<16xf32>
      %parallel_loop3A_220 = arith.mulf %parallel_loop3A_217, %parallel_loop3A_219 : vector<16xf32>
      %parallel_loop3A_221 = arith.index_cast %parallel_loop3A_81 : i32 to index
      %parallel_loop3A_222 = arith.constant 176 : index
      %parallel_loop3A_223 = tpu.vector_load %arg7[%parallel_loop3A_221, %parallel_loop3A_222] {strides = array<i32>} : memref<64x512xf32, #tpu.memory_space<vmem>>, vector<1x16xf32>,
      %parallel_loop3A_224 = vector.shape_cast %parallel_loop3A_223 : vector<1x16xf32> to vector<16xf32>
      %parallel_loop3A_225 = vector.shape_cast %parallel_loop3A_220 : vector<16xf32> to vector<1x16xf32>
      tpu.vector_store %arg7[%parallel_loop3A_221, %parallel_loop3A_222], %parallel_loop3A_225 {strides = array<i32>} : memref<64x512xf32, #tpu.memory_space<vmem>>, vector<1x16xf32>,
      %parallel_loop3A_226 = arith.index_cast %parallel_loop3A_81 : i32 to index
      %parallel_loop3A_227 = arith.constant 192 : index
      %parallel_loop3A_228 = tpu.vector_load %arg7[%parallel_loop3A_226, %parallel_loop3A_227] {strides = array<i32>} : memref<64x512xf32, #tpu.memory_space<vmem>>, vector<1x16xf32>,
      %parallel_loop3A_229 = vector.shape_cast %parallel_loop3A_228 : vector<1x16xf32> to vector<16xf32>
      %parallel_loop3A_230 = arith.constant 22.6274166 : f32
      %parallel_loop3A_231 = vector.broadcast %parallel_loop3A_230 : f32 to vector<16xf32>
      %parallel_loop3A_232 = arith.mulf %parallel_loop3A_229, %parallel_loop3A_231 : vector<16xf32>
      %parallel_loop3A_233 = arith.index_cast %parallel_loop3A_81 : i32 to index
      %parallel_loop3A_234 = arith.constant 192 : index
      %parallel_loop3A_235 = tpu.vector_load %arg7[%parallel_loop3A_233, %parallel_loop3A_234] {strides = array<i32>} : memref<64x512xf32, #tpu.memory_space<vmem>>, vector<1x16xf32>,
      %parallel_loop3A_236 = vector.shape_cast %parallel_loop3A_235 : vector<1x16xf32> to vector<16xf32>
      %parallel_loop3A_237 = vector.shape_cast %parallel_loop3A_232 : vector<16xf32> to vector<1x16xf32>
      tpu.vector_store %arg7[%parallel_loop3A_233, %parallel_loop3A_234], %parallel_loop3A_237 {strides = array<i32>} : memref<64x512xf32, #tpu.memory_space<vmem>>, vector<1x16xf32>,
      %parallel_loop3A_238 = arith.index_cast %parallel_loop3A_81 : i32 to index
      %parallel_loop3A_239 = arith.constant 208 : index
      %parallel_loop3A_240 = tpu.vector_load %arg7[%parallel_loop3A_238, %parallel_loop3A_239] {strides = array<i32>} : memref<64x512xf32, #tpu.memory_space<vmem>>, vector<1x16xf32>,
      %parallel_loop3A_241 = vector.shape_cast %parallel_loop3A_240 : vector<1x16xf32> to vector<16xf32>
      %parallel_loop3A_242 = arith.constant 22.6274166 : f32
      %parallel_loop3A_243 = vector.broadcast %parallel_loop3A_242 : f32 to vector<16xf32>
      %parallel_loop3A_244 = arith.mulf %parallel_loop3A_241, %parallel_loop3A_243 : vector<16xf32>
      %parallel_loop3A_245 = arith.index_cast %parallel_loop3A_81 : i32 to index
      %parallel_loop3A_246 = arith.constant 208 : index
      %parallel_loop3A_247 = tpu.vector_load %arg7[%parallel_loop3A_245, %parallel_loop3A_246] {strides = array<i32>} : memref<64x512xf32, #tpu.memory_space<vmem>>, vector<1x16xf32>,
      %parallel_loop3A_248 = vector.shape_cast %parallel_loop3A_247 : vector<1x16xf32> to vector<16xf32>
      %parallel_loop3A_249 = vector.shape_cast %parallel_loop3A_244 : vector<16xf32> to vector<1x16xf32>
      tpu.vector_store %arg7[%parallel_loop3A_245, %parallel_loop3A_246], %parallel_loop3A_249 {strides = array<i32>} : memref<64x512xf32, #tpu.memory_space<vmem>>, vector<1x16xf32>,
      %parallel_loop3A_250 = arith.index_cast %parallel_loop3A_81 : i32 to index
      %parallel_loop3A_251 = arith.constant 224 : index
      %parallel_loop3A_252 = tpu.vector_load %arg7[%parallel_loop3A_250, %parallel_loop3A_251] {strides = array<i32>} : memref<64x512xf32, #tpu.memory_space<vmem>>, vector<1x16xf32>,
      %parallel_loop3A_253 = vector.shape_cast %parallel_loop3A_252 : vector<1x16xf32> to vector<16xf32>
      %parallel_loop3A_254 = arith.constant 22.6274166 : f32
      %parallel_loop3A_255 = vector.broadcast %parallel_loop3A_254 : f32 to vector<16xf32>
      %parallel_loop3A_256 = arith.mulf %parallel_loop3A_253, %parallel_loop3A_255 : vector<16xf32>
      %parallel_loop3A_257 = arith.index_cast %parallel_loop3A_81 : i32 to index
      %parallel_loop3A_258 = arith.constant 224 : index
      %parallel_loop3A_259 = tpu.vector_load %arg7[%parallel_loop3A_257, %parallel_loop3A_258] {strides = array<i32>} : memref<64x512xf32, #tpu.memory_space<vmem>>, vector<1x16xf32>,
      %parallel_loop3A_260 = vector.shape_cast %parallel_loop3A_259 : vector<1x16xf32> to vector<16xf32>
      %parallel_loop3A_261 = vector.shape_cast %parallel_loop3A_256 : vector<16xf32> to vector<1x16xf32>
      tpu.vector_store %arg7[%parallel_loop3A_257, %parallel_loop3A_258], %parallel_loop3A_261 {strides = array<i32>} : memref<64x512xf32, #tpu.memory_space<vmem>>, vector<1x16xf32>,
      %parallel_loop3A_262 = arith.index_cast %parallel_loop3A_81 : i32 to index
      %parallel_loop3A_263 = arith.constant 240 : index
      %parallel_loop3A_264 = tpu.vector_load %arg7[%parallel_loop3A_262, %parallel_loop3A_263] {strides = array<i32>} : memref<64x512xf32, #tpu.memory_space<vmem>>, vector<1x16xf32>,
      %parallel_loop3A_265 = vector.shape_cast %parallel_loop3A_264 : vector<1x16xf32> to vector<16xf32>
      %parallel_loop3A_266 = arith.constant 22.6274166 : f32
      %parallel_loop3A_267 = vector.broadcast %parallel_loop3A_266 : f32 to vector<16xf32>
      %parallel_loop3A_268 = arith.mulf %parallel_loop3A_265, %parallel_loop3A_267 : vector<16xf32>
      %parallel_loop3A_269 = arith.index_cast %parallel_loop3A_81 : i32 to index
      %parallel_loop3A_270 = arith.constant 240 : index
      %parallel_loop3A_271 = tpu.vector_load %arg7[%parallel_loop3A_269, %parallel_loop3A_270] {strides = array<i32>} : memref<64x512xf32, #tpu.memory_space<vmem>>, vector<1x16xf32>,
      %parallel_loop3A_272 = vector.shape_cast %parallel_loop3A_271 : vector<1x16xf32> to vector<16xf32>
      %parallel_loop3A_273 = vector.shape_cast %parallel_loop3A_268 : vector<16xf32> to vector<1x16xf32>
      tpu.vector_store %arg7[%parallel_loop3A_269, %parallel_loop3A_270], %parallel_loop3A_273 {strides = array<i32>} : memref<64x512xf32, #tpu.memory_space<vmem>>, vector<1x16xf32>,
      %parallel_loop3A_274 = arith.index_cast %parallel_loop3A_81 : i32 to index
      %parallel_loop3A_275 = arith.constant 256 : index
      %parallel_loop3A_276 = tpu.vector_load %arg7[%parallel_loop3A_274, %parallel_loop3A_275] {strides = array<i32>} : memref<64x512xf32, #tpu.memory_space<vmem>>, vector<1x16xf32>,
      %parallel_loop3A_277 = vector.shape_cast %parallel_loop3A_276 : vector<1x16xf32> to vector<16xf32>
      %parallel_loop3A_278 = arith.constant 22.6274166 : f32
      %parallel_loop3A_279 = vector.broadcast %parallel_loop3A_278 : f32 to vector<16xf32>
      %parallel_loop3A_280 = arith.mulf %parallel_loop3A_277, %parallel_loop3A_279 : vector<16xf32>
      %parallel_loop3A_281 = arith.index_cast %parallel_loop3A_81 : i32 to index
      %parallel_loop3A_282 = arith.constant 256 : index
      %parallel_loop3A_283 = tpu.vector_load %arg7[%parallel_loop3A_281, %parallel_loop3A_282] {strides = array<i32>} : memref<64x512xf32, #tpu.memory_space<vmem>>, vector<1x16xf32>,
      %parallel_loop3A_284 = vector.shape_cast %parallel_loop3A_283 : vector<1x16xf32> to vector<16xf32>
      %parallel_loop3A_285 = vector.shape_cast %parallel_loop3A_280 : vector<16xf32> to vector<1x16xf32>
      tpu.vector_store %arg7[%parallel_loop3A_281, %parallel_loop3A_282], %parallel_loop3A_285 {strides = array<i32>} : memref<64x512xf32, #tpu.memory_space<vmem>>, vector<1x16xf32>,
      %parallel_loop3A_286 = arith.index_cast %parallel_loop3A_81 : i32 to index
      %parallel_loop3A_287 = arith.constant 272 : index
      %parallel_loop3A_288 = tpu.vector_load %arg7[%parallel_loop3A_286, %parallel_loop3A_287] {strides = array<i32>} : memref<64x512xf32, #tpu.memory_space<vmem>>, vector<1x16xf32>,
      %parallel_loop3A_289 = vector.shape_cast %parallel_loop3A_288 : vector<1x16xf32> to vector<16xf32>
      %parallel_loop3A_290 = arith.constant 22.6274166 : f32
      %parallel_loop3A_291 = vector.broadcast %parallel_loop3A_290 : f32 to vector<16xf32>
      %parallel_loop3A_292 = arith.mulf %parallel_loop3A_289, %parallel_loop3A_291 : vector<16xf32>
      %parallel_loop3A_293 = arith.index_cast %parallel_loop3A_81 : i32 to index
      %parallel_loop3A_294 = arith.constant 272 : index
      %parallel_loop3A_295 = tpu.vector_load %arg7[%parallel_loop3A_293, %parallel_loop3A_294] {strides = array<i32>} : memref<64x512xf32, #tpu.memory_space<vmem>>, vector<1x16xf32>,
      %parallel_loop3A_296 = vector.shape_cast %parallel_loop3A_295 : vector<1x16xf32> to vector<16xf32>
      %parallel_loop3A_297 = vector.shape_cast %parallel_loop3A_292 : vector<16xf32> to vector<1x16xf32>
      tpu.vector_store %arg7[%parallel_loop3A_293, %parallel_loop3A_294], %parallel_loop3A_297 {strides = array<i32>} : memref<64x512xf32, #tpu.memory_space<vmem>>, vector<1x16xf32>,
      %parallel_loop3A_298 = arith.index_cast %parallel_loop3A_81 : i32 to index
      %parallel_loop3A_299 = arith.constant 288 : index
      %parallel_loop3A_300 = tpu.vector_load %arg7[%parallel_loop3A_298, %parallel_loop3A_299] {strides = array<i32>} : memref<64x512xf32, #tpu.memory_space<vmem>>, vector<1x16xf32>,
      %parallel_loop3A_301 = vector.shape_cast %parallel_loop3A_300 : vector<1x16xf32> to vector<16xf32>
      %parallel_loop3A_302 = arith.constant 22.6274166 : f32
      %parallel_loop3A_303 = vector.broadcast %parallel_loop3A_302 : f32 to vector<16xf32>
      %parallel_loop3A_304 = arith.mulf %parallel_loop3A_301, %parallel_loop3A_303 : vector<16xf32>
      %parallel_loop3A_305 = arith.index_cast %parallel_loop3A_81 : i32 to index
      %parallel_loop3A_306 = arith.constant 288 : index
      %parallel_loop3A_307 = tpu.vector_load %arg7[%parallel_loop3A_305, %parallel_loop3A_306] {strides = array<i32>} : memref<64x512xf32, #tpu.memory_space<vmem>>, vector<1x16xf32>,
      %parallel_loop3A_308 = vector.shape_cast %parallel_loop3A_307 : vector<1x16xf32> to vector<16xf32>
      %parallel_loop3A_309 = vector.shape_cast %parallel_loop3A_304 : vector<16xf32> to vector<1x16xf32>
      tpu.vector_store %arg7[%parallel_loop3A_305, %parallel_loop3A_306], %parallel_loop3A_309 {strides = array<i32>} : memref<64x512xf32, #tpu.memory_space<vmem>>, vector<1x16xf32>,
      %parallel_loop3A_310 = arith.index_cast %parallel_loop3A_81 : i32 to index
      %parallel_loop3A_311 = arith.constant 304 : index
      %parallel_loop3A_312 = tpu.vector_load %arg7[%parallel_loop3A_310, %parallel_loop3A_311] {strides = array<i32>} : memref<64x512xf32, #tpu.memory_space<vmem>>, vector<1x16xf32>,
      %parallel_loop3A_313 = vector.shape_cast %parallel_loop3A_312 : vector<1x16xf32> to vector<16xf32>
      %parallel_loop3A_314 = arith.constant 22.6274166 : f32
      %parallel_loop3A_315 = vector.broadcast %parallel_loop3A_314 : f32 to vector<16xf32>
      %parallel_loop3A_316 = arith.mulf %parallel_loop3A_313, %parallel_loop3A_315 : vector<16xf32>
      %parallel_loop3A_317 = arith.index_cast %parallel_loop3A_81 : i32 to index
      %parallel_loop3A_318 = arith.constant 304 : index
      %parallel_loop3A_319 = tpu.vector_load %arg7[%parallel_loop3A_317, %parallel_loop3A_318] {strides = array<i32>} : memref<64x512xf32, #tpu.memory_space<vmem>>, vector<1x16xf32>,
      %parallel_loop3A_320 = vector.shape_cast %parallel_loop3A_319 : vector<1x16xf32> to vector<16xf32>
      %parallel_loop3A_321 = vector.shape_cast %parallel_loop3A_316 : vector<16xf32> to vector<1x16xf32>
      tpu.vector_store %arg7[%parallel_loop3A_317, %parallel_loop3A_318], %parallel_loop3A_321 {strides = array<i32>} : memref<64x512xf32, #tpu.memory_space<vmem>>, vector<1x16xf32>,
      %parallel_loop3A_322 = arith.index_cast %parallel_loop3A_81 : i32 to index
      %parallel_loop3A_323 = arith.constant 320 : index
      %parallel_loop3A_324 = tpu.vector_load %arg7[%parallel_loop3A_322, %parallel_loop3A_323] {strides = array<i32>} : memref<64x512xf32, #tpu.memory_space<vmem>>, vector<1x16xf32>,
      %parallel_loop3A_325 = vector.shape_cast %parallel_loop3A_324 : vector<1x16xf32> to vector<16xf32>
      %parallel_loop3A_326 = arith.constant 22.6274166 : f32
      %parallel_loop3A_327 = vector.broadcast %parallel_loop3A_326 : f32 to vector<16xf32>
      %parallel_loop3A_328 = arith.mulf %parallel_loop3A_325, %parallel_loop3A_327 : vector<16xf32>
      %parallel_loop3A_329 = arith.index_cast %parallel_loop3A_81 : i32 to index
      %parallel_loop3A_330 = arith.constant 320 : index
      %parallel_loop3A_331 = tpu.vector_load %arg7[%parallel_loop3A_329, %parallel_loop3A_330] {strides = array<i32>} : memref<64x512xf32, #tpu.memory_space<vmem>>, vector<1x16xf32>,
      %parallel_loop3A_332 = vector.shape_cast %parallel_loop3A_331 : vector<1x16xf32> to vector<16xf32>
      %parallel_loop3A_333 = vector.shape_cast %parallel_loop3A_328 : vector<16xf32> to vector<1x16xf32>
      tpu.vector_store %arg7[%parallel_loop3A_329, %parallel_loop3A_330], %parallel_loop3A_333 {strides = array<i32>} : memref<64x512xf32, #tpu.memory_space<vmem>>, vector<1x16xf32>,
      %parallel_loop3A_334 = arith.index_cast %parallel_loop3A_81 : i32 to index
      %parallel_loop3A_335 = arith.constant 336 : index
      %parallel_loop3A_336 = tpu.vector_load %arg7[%parallel_loop3A_334, %parallel_loop3A_335] {strides = array<i32>} : memref<64x512xf32, #tpu.memory_space<vmem>>, vector<1x16xf32>,
      %parallel_loop3A_337 = vector.shape_cast %parallel_loop3A_336 : vector<1x16xf32> to vector<16xf32>
      %parallel_loop3A_338 = arith.constant 22.6274166 : f32
      %parallel_loop3A_339 = vector.broadcast %parallel_loop3A_338 : f32 to vector<16xf32>
      %parallel_loop3A_340 = arith.mulf %parallel_loop3A_337, %parallel_loop3A_339 : vector<16xf32>
      %parallel_loop3A_341 = arith.index_cast %parallel_loop3A_81 : i32 to index
      %parallel_loop3A_342 = arith.constant 336 : index
      %parallel_loop3A_343 = tpu.vector_load %arg7[%parallel_loop3A_341, %parallel_loop3A_342] {strides = array<i32>} : memref<64x512xf32, #tpu.memory_space<vmem>>, vector<1x16xf32>,
      %parallel_loop3A_344 = vector.shape_cast %parallel_loop3A_343 : vector<1x16xf32> to vector<16xf32>
      %parallel_loop3A_345 = vector.shape_cast %parallel_loop3A_340 : vector<16xf32> to vector<1x16xf32>
      tpu.vector_store %arg7[%parallel_loop3A_341, %parallel_loop3A_342], %parallel_loop3A_345 {strides = array<i32>} : memref<64x512xf32, #tpu.memory_space<vmem>>, vector<1x16xf32>,
      %parallel_loop3A_346 = arith.index_cast %parallel_loop3A_81 : i32 to index
      %parallel_loop3A_347 = arith.constant 352 : index
      %parallel_loop3A_348 = tpu.vector_load %arg7[%parallel_loop3A_346, %parallel_loop3A_347] {strides = array<i32>} : memref<64x512xf32, #tpu.memory_space<vmem>>, vector<1x16xf32>,
      %parallel_loop3A_349 = vector.shape_cast %parallel_loop3A_348 : vector<1x16xf32> to vector<16xf32>
      %parallel_loop3A_350 = arith.constant 22.6274166 : f32
      %parallel_loop3A_351 = vector.broadcast %parallel_loop3A_350 : f32 to vector<16xf32>
      %parallel_loop3A_352 = arith.mulf %parallel_loop3A_349, %parallel_loop3A_351 : vector<16xf32>
      %parallel_loop3A_353 = arith.index_cast %parallel_loop3A_81 : i32 to index
      %parallel_loop3A_354 = arith.constant 352 : index
      %parallel_loop3A_355 = tpu.vector_load %arg7[%parallel_loop3A_353, %parallel_loop3A_354] {strides = array<i32>} : memref<64x512xf32, #tpu.memory_space<vmem>>, vector<1x16xf32>,
      %parallel_loop3A_356 = vector.shape_cast %parallel_loop3A_355 : vector<1x16xf32> to vector<16xf32>
      %parallel_loop3A_357 = vector.shape_cast %parallel_loop3A_352 : vector<16xf32> to vector<1x16xf32>
      tpu.vector_store %arg7[%parallel_loop3A_353, %parallel_loop3A_354], %parallel_loop3A_357 {strides = array<i32>} : memref<64x512xf32, #tpu.memory_space<vmem>>, vector<1x16xf32>,
      %parallel_loop3A_358 = arith.index_cast %parallel_loop3A_81 : i32 to index
      %parallel_loop3A_359 = arith.constant 368 : index
      %parallel_loop3A_360 = tpu.vector_load %arg7[%parallel_loop3A_358, %parallel_loop3A_359] {strides = array<i32>} : memref<64x512xf32, #tpu.memory_space<vmem>>, vector<1x16xf32>,
      %parallel_loop3A_361 = vector.shape_cast %parallel_loop3A_360 : vector<1x16xf32> to vector<16xf32>
      %parallel_loop3A_362 = arith.constant 22.6274166 : f32
      %parallel_loop3A_363 = vector.broadcast %parallel_loop3A_362 : f32 to vector<16xf32>
      %parallel_loop3A_364 = arith.mulf %parallel_loop3A_361, %parallel_loop3A_363 : vector<16xf32>
      %parallel_loop3A_365 = arith.index_cast %parallel_loop3A_81 : i32 to index
      %parallel_loop3A_366 = arith.constant 368 : index
      %parallel_loop3A_367 = tpu.vector_load %arg7[%parallel_loop3A_365, %parallel_loop3A_366] {strides = array<i32>} : memref<64x512xf32, #tpu.memory_space<vmem>>, vector<1x16xf32>,
      %parallel_loop3A_368 = vector.shape_cast %parallel_loop3A_367 : vector<1x16xf32> to vector<16xf32>
      %parallel_loop3A_369 = vector.shape_cast %parallel_loop3A_364 : vector<16xf32> to vector<1x16xf32>
      tpu.vector_store %arg7[%parallel_loop3A_365, %parallel_loop3A_366], %parallel_loop3A_369 {strides = array<i32>} : memref<64x512xf32, #tpu.memory_space<vmem>>, vector<1x16xf32>,
      %parallel_loop3A_370 = arith.index_cast %parallel_loop3A_81 : i32 to index
      %parallel_loop3A_371 = arith.constant 384 : index
      %parallel_loop3A_372 = tpu.vector_load %arg7[%parallel_loop3A_370, %parallel_loop3A_371] {strides = array<i32>} : memref<64x512xf32, #tpu.memory_space<vmem>>, vector<1x16xf32>,
      %parallel_loop3A_373 = vector.shape_cast %parallel_loop3A_372 : vector<1x16xf32> to vector<16xf32>
      %parallel_loop3A_374 = arith.constant 22.6274166 : f32
      %parallel_loop3A_375 = vector.broadcast %parallel_loop3A_374 : f32 to vector<16xf32>
      %parallel_loop3A_376 = arith.mulf %parallel_loop3A_373, %parallel_loop3A_375 : vector<16xf32>
      %parallel_loop3A_377 = arith.index_cast %parallel_loop3A_81 : i32 to index
      %parallel_loop3A_378 = arith.constant 384 : index
      %parallel_loop3A_379 = tpu.vector_load %arg7[%parallel_loop3A_377, %parallel_loop3A_378] {strides = array<i32>} : memref<64x512xf32, #tpu.memory_space<vmem>>, vector<1x16xf32>,
      %parallel_loop3A_380 = vector.shape_cast %parallel_loop3A_379 : vector<1x16xf32> to vector<16xf32>
      %parallel_loop3A_381 = vector.shape_cast %parallel_loop3A_376 : vector<16xf32> to vector<1x16xf32>
      tpu.vector_store %arg7[%parallel_loop3A_377, %parallel_loop3A_378], %parallel_loop3A_381 {strides = array<i32>} : memref<64x512xf32, #tpu.memory_space<vmem>>, vector<1x16xf32>,
      %parallel_loop3A_382 = arith.index_cast %parallel_loop3A_81 : i32 to index
      %parallel_loop3A_383 = arith.constant 400 : index
      %parallel_loop3A_384 = tpu.vector_load %arg7[%parallel_loop3A_382, %parallel_loop3A_383] {strides = array<i32>} : memref<64x512xf32, #tpu.memory_space<vmem>>, vector<1x16xf32>,
      %parallel_loop3A_385 = vector.shape_cast %parallel_loop3A_384 : vector<1x16xf32> to vector<16xf32>
      %parallel_loop3A_386 = arith.constant 22.6274166 : f32
      %parallel_loop3A_387 = vector.broadcast %parallel_loop3A_386 : f32 to vector<16xf32>
      %parallel_loop3A_388 = arith.mulf %parallel_loop3A_385, %parallel_loop3A_387 : vector<16xf32>
      %parallel_loop3A_389 = arith.index_cast %parallel_loop3A_81 : i32 to index
      %parallel_loop3A_390 = arith.constant 400 : index
      %parallel_loop3A_391 = tpu.vector_load %arg7[%parallel_loop3A_389, %parallel_loop3A_390] {strides = array<i32>} : memref<64x512xf32, #tpu.memory_space<vmem>>, vector<1x16xf32>,
      %parallel_loop3A_392 = vector.shape_cast %parallel_loop3A_391 : vector<1x16xf32> to vector<16xf32>
      %parallel_loop3A_393 = vector.shape_cast %parallel_loop3A_388 : vector<16xf32> to vector<1x16xf32>
      tpu.vector_store %arg7[%parallel_loop3A_389, %parallel_loop3A_390], %parallel_loop3A_393 {strides = array<i32>} : memref<64x512xf32, #tpu.memory_space<vmem>>, vector<1x16xf32>,
      %parallel_loop3A_394 = arith.index_cast %parallel_loop3A_81 : i32 to index
      %parallel_loop3A_395 = arith.constant 416 : index
      %parallel_loop3A_396 = tpu.vector_load %arg7[%parallel_loop3A_394, %parallel_loop3A_395] {strides = array<i32>} : memref<64x512xf32, #tpu.memory_space<vmem>>, vector<1x16xf32>,
      %parallel_loop3A_397 = vector.shape_cast %parallel_loop3A_396 : vector<1x16xf32> to vector<16xf32>
      %parallel_loop3A_398 = arith.constant 22.6274166 : f32
      %parallel_loop3A_399 = vector.broadcast %parallel_loop3A_398 : f32 to vector<16xf32>
      %parallel_loop3A_400 = arith.mulf %parallel_loop3A_397, %parallel_loop3A_399 : vector<16xf32>
      %parallel_loop3A_401 = arith.index_cast %parallel_loop3A_81 : i32 to index
      %parallel_loop3A_402 = arith.constant 416 : index
      %parallel_loop3A_403 = tpu.vector_load %arg7[%parallel_loop3A_401, %parallel_loop3A_402] {strides = array<i32>} : memref<64x512xf32, #tpu.memory_space<vmem>>, vector<1x16xf32>,
      %parallel_loop3A_404 = vector.shape_cast %parallel_loop3A_403 : vector<1x16xf32> to vector<16xf32>
      %parallel_loop3A_405 = vector.shape_cast %parallel_loop3A_400 : vector<16xf32> to vector<1x16xf32>
      tpu.vector_store %arg7[%parallel_loop3A_401, %parallel_loop3A_402], %parallel_loop3A_405 {strides = array<i32>} : memref<64x512xf32, #tpu.memory_space<vmem>>, vector<1x16xf32>,
      %parallel_loop3A_406 = arith.index_cast %parallel_loop3A_81 : i32 to index
      %parallel_loop3A_407 = arith.constant 432 : index
      %parallel_loop3A_408 = tpu.vector_load %arg7[%parallel_loop3A_406, %parallel_loop3A_407] {strides = array<i32>} : memref<64x512xf32, #tpu.memory_space<vmem>>, vector<1x16xf32>,
      %parallel_loop3A_409 = vector.shape_cast %parallel_loop3A_408 : vector<1x16xf32> to vector<16xf32>
      %parallel_loop3A_410 = arith.constant 22.6274166 : f32
      %parallel_loop3A_411 = vector.broadcast %parallel_loop3A_410 : f32 to vector<16xf32>
      %parallel_loop3A_412 = arith.mulf %parallel_loop3A_409, %parallel_loop3A_411 : vector<16xf32>
      %parallel_loop3A_413 = arith.index_cast %parallel_loop3A_81 : i32 to index
      %parallel_loop3A_414 = arith.constant 432 : index
      %parallel_loop3A_415 = tpu.vector_load %arg7[%parallel_loop3A_413, %parallel_loop3A_414] {strides = array<i32>} : memref<64x512xf32, #tpu.memory_space<vmem>>, vector<1x16xf32>,
      %parallel_loop3A_416 = vector.shape_cast %parallel_loop3A_415 : vector<1x16xf32> to vector<16xf32>
      %parallel_loop3A_417 = vector.shape_cast %parallel_loop3A_412 : vector<16xf32> to vector<1x16xf32>
      tpu.vector_store %arg7[%parallel_loop3A_413, %parallel_loop3A_414], %parallel_loop3A_417 {strides = array<i32>} : memref<64x512xf32, #tpu.memory_space<vmem>>, vector<1x16xf32>,
      %parallel_loop3A_418 = arith.index_cast %parallel_loop3A_81 : i32 to index
      %parallel_loop3A_419 = arith.constant 448 : index
      %parallel_loop3A_420 = tpu.vector_load %arg7[%parallel_loop3A_418, %parallel_loop3A_419] {strides = array<i32>} : memref<64x512xf32, #tpu.memory_space<vmem>>, vector<1x16xf32>,
      %parallel_loop3A_421 = vector.shape_cast %parallel_loop3A_420 : vector<1x16xf32> to vector<16xf32>
      %parallel_loop3A_422 = arith.constant 22.6274166 : f32
      %parallel_loop3A_423 = vector.broadcast %parallel_loop3A_422 : f32 to vector<16xf32>
      %parallel_loop3A_424 = arith.mulf %parallel_loop3A_421, %parallel_loop3A_423 : vector<16xf32>
      %parallel_loop3A_425 = arith.index_cast %parallel_loop3A_81 : i32 to index
      %parallel_loop3A_426 = arith.constant 448 : index
      %parallel_loop3A_427 = tpu.vector_load %arg7[%parallel_loop3A_425, %parallel_loop3A_426] {strides = array<i32>} : memref<64x512xf32, #tpu.memory_space<vmem>>, vector<1x16xf32>,
      %parallel_loop3A_428 = vector.shape_cast %parallel_loop3A_427 : vector<1x16xf32> to vector<16xf32>
      %parallel_loop3A_429 = vector.shape_cast %parallel_loop3A_424 : vector<16xf32> to vector<1x16xf32>
      tpu.vector_store %arg7[%parallel_loop3A_425, %parallel_loop3A_426], %parallel_loop3A_429 {strides = array<i32>} : memref<64x512xf32, #tpu.memory_space<vmem>>, vector<1x16xf32>,
      %parallel_loop3A_430 = arith.index_cast %parallel_loop3A_81 : i32 to index
      %parallel_loop3A_431 = arith.constant 464 : index
      %parallel_loop3A_432 = tpu.vector_load %arg7[%parallel_loop3A_430, %parallel_loop3A_431] {strides = array<i32>} : memref<64x512xf32, #tpu.memory_space<vmem>>, vector<1x16xf32>,
      %parallel_loop3A_433 = vector.shape_cast %parallel_loop3A_432 : vector<1x16xf32> to vector<16xf32>
      %parallel_loop3A_434 = arith.constant 22.6274166 : f32
      %parallel_loop3A_435 = vector.broadcast %parallel_loop3A_434 : f32 to vector<16xf32>
      %parallel_loop3A_436 = arith.mulf %parallel_loop3A_433, %parallel_loop3A_435 : vector<16xf32>
      %parallel_loop3A_437 = arith.index_cast %parallel_loop3A_81 : i32 to index
      %parallel_loop3A_438 = arith.constant 464 : index
      %parallel_loop3A_439 = tpu.vector_load %arg7[%parallel_loop3A_437, %parallel_loop3A_438] {strides = array<i32>} : memref<64x512xf32, #tpu.memory_space<vmem>>, vector<1x16xf32>,
      %parallel_loop3A_440 = vector.shape_cast %parallel_loop3A_439 : vector<1x16xf32> to vector<16xf32>
      %parallel_loop3A_441 = vector.shape_cast %parallel_loop3A_436 : vector<16xf32> to vector<1x16xf32>
      tpu.vector_store %arg7[%parallel_loop3A_437, %parallel_loop3A_438], %parallel_loop3A_441 {strides = array<i32>} : memref<64x512xf32, #tpu.memory_space<vmem>>, vector<1x16xf32>,
      %parallel_loop3A_442 = arith.index_cast %parallel_loop3A_81 : i32 to index
      %parallel_loop3A_443 = arith.constant 480 : index
      %parallel_loop3A_444 = tpu.vector_load %arg7[%parallel_loop3A_442, %parallel_loop3A_443] {strides = array<i32>} : memref<64x512xf32, #tpu.memory_space<vmem>>, vector<1x16xf32>,
      %parallel_loop3A_445 = vector.shape_cast %parallel_loop3A_444 : vector<1x16xf32> to vector<16xf32>
      %parallel_loop3A_446 = arith.constant 22.6274166 : f32
      %parallel_loop3A_447 = vector.broadcast %parallel_loop3A_446 : f32 to vector<16xf32>
      %parallel_loop3A_448 = arith.mulf %parallel_loop3A_445, %parallel_loop3A_447 : vector<16xf32>
      %parallel_loop3A_449 = arith.index_cast %parallel_loop3A_81 : i32 to index
      %parallel_loop3A_450 = arith.constant 480 : index
      %parallel_loop3A_451 = tpu.vector_load %arg7[%parallel_loop3A_449, %parallel_loop3A_450] {strides = array<i32>} : memref<64x512xf32, #tpu.memory_space<vmem>>, vector<1x16xf32>,
      %parallel_loop3A_452 = vector.shape_cast %parallel_loop3A_451 : vector<1x16xf32> to vector<16xf32>
      %parallel_loop3A_453 = vector.shape_cast %parallel_loop3A_448 : vector<16xf32> to vector<1x16xf32>
      tpu.vector_store %arg7[%parallel_loop3A_449, %parallel_loop3A_450], %parallel_loop3A_453 {strides = array<i32>} : memref<64x512xf32, #tpu.memory_space<vmem>>, vector<1x16xf32>,
      %parallel_loop3A_454 = arith.index_cast %parallel_loop3A_81 : i32 to index
      %parallel_loop3A_455 = arith.constant 496 : index
      %parallel_loop3A_456 = tpu.vector_load %arg7[%parallel_loop3A_454, %parallel_loop3A_455] {strides = array<i32>} : memref<64x512xf32, #tpu.memory_space<vmem>>, vector<1x16xf32>,
      %parallel_loop3A_457 = vector.shape_cast %parallel_loop3A_456 : vector<1x16xf32> to vector<16xf32>
      %parallel_loop3A_458 = arith.constant 22.6274166 : f32
      %parallel_loop3A_459 = vector.broadcast %parallel_loop3A_458 : f32 to vector<16xf32>
      %parallel_loop3A_460 = arith.mulf %parallel_loop3A_457, %parallel_loop3A_459 : vector<16xf32>
      %parallel_loop3A_461 = arith.index_cast %parallel_loop3A_81 : i32 to index
      %parallel_loop3A_462 = arith.constant 496 : index
      %parallel_loop3A_463 = tpu.vector_load %arg7[%parallel_loop3A_461, %parallel_loop3A_462] {strides = array<i32>} : memref<64x512xf32, #tpu.memory_space<vmem>>, vector<1x16xf32>,
      %parallel_loop3A_464 = vector.shape_cast %parallel_loop3A_463 : vector<1x16xf32> to vector<16xf32>
      %parallel_loop3A_465 = vector.shape_cast %parallel_loop3A_460 : vector<16xf32> to vector<1x16xf32>
      tpu.vector_store %arg7[%parallel_loop3A_461, %parallel_loop3A_462], %parallel_loop3A_465 {strides = array<i32>} : memref<64x512xf32, #tpu.memory_space<vmem>>, vector<1x16xf32>,
    } {sc.loop_unroll_factor = 1 : i64, sc.parallel_access}
    %mul3A_48 = arith.constant 128 : i32
    %mul3A_49 = arith.muli %add3A, %mul3A_48 : i32
    %add3A_50 = arith.constant 64 : i32
    %add3A_51 = arith.addi %mul3A_49, %add3A_50 : i32
    %dma_start3A_52 = arith.constant 49 : i32
    %dma_start3A_53 = arith.constant 0 : i32
    %dma_start3A_54 = tpu.memref_slice %arg4[%dma_start3A_52, %add3A_51, %dma_start3A_53] : memref<50x4096x512xf32, #tpu.memory_space<hbm>> -> memref<1x64x512xf32, #tpu.memory_space<hbm>>
    %dma_start3A_55 = tpu.memref_squeeze %dma_start3A_54 : memref<1x64x512xf32, #tpu.memory_space<hbm>> -> memref<64x512xf32, #tpu.memory_space<hbm>>
    %dma_start3A_56 = arith.constant 0 : i32
    %dma_start3A_57 = tpu.memref_slice %arg4[%dma_start3A_52, %add3A_51, %dma_start3A_56] : memref<50x4096x512xf32, #tpu.memory_space<hbm>> -> memref<1x64x512xf32, #tpu.memory_space<hbm>>
    %dma_start3A_58 = tpu.memref_squeeze %dma_start3A_57 : memref<1x64x512xf32, #tpu.memory_space<hbm>> -> memref<64x512xf32, #tpu.memory_space<hbm>>
    tpu.enqueue_dma source(%arg7 : memref<64x512xf32, #tpu.memory_space<vmem>>) target(%dma_start3A_58 : memref<64x512xf32, #tpu.memory_space<hbm>>) target_semaphore(%arg11 : memref<!tpu.dma_semaphore, #tpu.memory_space<semaphore_mem>>)
    %mul3A_59 = arith.constant 128 : i32
    %mul3A_60 = arith.muli %add3A, %mul3A_59 : i32
    %add3A_61 = arith.constant 0 : i32
    %add3A_62 = arith.addi %mul3A_60, %add3A_61 : i32
    %dma_wait3A_63 = arith.constant 49 : i32
    %dma_wait3A_64 = arith.constant 0 : i32
    %dma_wait3A_65 = tpu.memref_slice %arg4[%dma_wait3A_63, %add3A_62, %dma_wait3A_64] : memref<50x4096x512xf32, #tpu.memory_space<hbm>> -> memref<1x64x512xf32, #tpu.memory_space<hbm>>
    %dma_wait3A_66 = tpu.memref_squeeze %dma_wait3A_65 : memref<1x64x512xf32, #tpu.memory_space<hbm>> -> memref<64x512xf32, #tpu.memory_space<hbm>>
    %dma_wait3A_67 = arith.constant 0 : i32
    %dma_wait3A_68 = tpu.memref_slice %arg4[%dma_wait3A_63, %add3A_62, %dma_wait3A_67] : memref<50x4096x512xf32, #tpu.memory_space<hbm>> -> memref<1x64x512xf32, #tpu.memory_space<hbm>>
    %dma_wait3A_69 = tpu.memref_squeeze %dma_wait3A_68 : memref<1x64x512xf32, #tpu.memory_space<hbm>> -> memref<64x512xf32, #tpu.memory_space<hbm>>
    tpu.wait_dma2 semaphore(%arg10 : memref<!tpu.dma_semaphore, #tpu.memory_space<semaphore_mem>>) src(%arg6 : memref<64x512xf32, #tpu.memory_space<vmem>>) dst(%dma_wait3A_69 : memref<64x512xf32, #tpu.memory_space<hbm>>)
    %mul3A_70 = arith.constant 128 : i32
    %mul3A_71 = arith.muli %add3A, %mul3A_70 : i32
    %add3A_72 = arith.constant 64 : i32
    %add3A_73 = arith.addi %mul3A_71, %add3A_72 : i32
    %dma_wait3A_74 = arith.constant 49 : i32
    %dma_wait3A_75 = arith.constant 0 : i32
    %dma_wait3A_76 = tpu.memref_slice %arg4[%dma_wait3A_74, %add3A_73, %dma_wait3A_75] : memref<50x4096x512xf32, #tpu.memory_space<hbm>> -> memref<1x64x512xf32, #tpu.memory_space<hbm>>
    %dma_wait3A_77 = tpu.memref_squeeze %dma_wait3A_76 : memref<1x64x512xf32, #tpu.memory_space<hbm>> -> memref<64x512xf32, #tpu.memory_space<hbm>>
    %dma_wait3A_78 = arith.constant 0 : i32
    %dma_wait3A_79 = tpu.memref_slice %arg4[%dma_wait3A_74, %add3A_73, %dma_wait3A_78] : memref<50x4096x512xf32, #tpu.memory_space<hbm>> -> memref<1x64x512xf32, #tpu.memory_space<hbm>>
    %dma_wait3A_80 = tpu.memref_squeeze %dma_wait3A_79 : memref<1x64x512xf32, #tpu.memory_space<hbm>> -> memref<64x512xf32, #tpu.memory_space<hbm>>
    tpu.wait_dma2 semaphore(%arg11 : memref<!tpu.dma_semaphore, #tpu.memory_space<semaphore_mem>>) src(%arg7 : memref<64x512xf32, #tpu.memory_space<vmem>>) dst(%dma_wait3A_80 : memref<64x512xf32, #tpu.memory_space<hbm>>)
    return
  }
}

</mosaic_0001>

<sc_bundles>
// kernel: embedding_gather_scale_sc.3.cloned.1.call-start
scs
__scs_entry_jumppad:
0x0: {  	(pc) =	sbr.rel $0x88, $3  }
0x1: {  	(tag) =	ssettag $0x0;
	lr =	simm.s32 $0x1  }
0x2: {  	[smem:$0x3F9F] =	sst lr;
	_ =	strace $0xD0000000  }
0x3: {  	_ = 	snop  }
0x4: {  	_ = 	snop  }
0x5: {  	_ = 	snop  }
0x6: {  	_ = 	snop  }
0x7: {  	_ = 	snop  }
__scs_overlays_trampoline_lowered:
0x8: {  	[smem:$0x3FAE] =	sst s0  }
0x9: {  	[smem:$0x3FAF] =	sst s1  }
0xa: {  	[smem:$0x3FB0] =	sst s2  }
0xb: {  	[smem:$0x3FB1] =	sst s3  }
0xc: {  	[smem:$0x3FB2] =	sst s4  }
0xd: {  	[smem:$0x3FB3] =	sst s5  }
0xe: {  	[smem:$0x3FB4] =	sst s6  }
0xf: {  	[smem:$0x3FB5] =	sst s7  }
0x10: {  	[smem:$0x3FB6] =	sst s8  }
0x11: {  	[smem:$0x3FB7] =	sst s9;
	s0 =	simm.s32 @!p0 $0x0  }
0x12: {  	s1 =	sld [smem:$0x3F9D];
	s0 =	simm.s32 @p0 $0x1  }
0x13: {  	[smem:$0x3FB8] =	sst s0;
	s0 =	simm.s32 @!p1 $0x0  }
0x14: {  	s2 =	sld [smem:$0x3F9C];
	s0 =	simm.s32 @p1 $0x1  }
0x15: {  	[smem:$0x3FB9] =	sst s0;
	s0 =	simm.s32 @!p2 $0x0  }
0x16: {  	s3 =	sld [smem:$0x3FDB];
	s0 =	simm.s32 @p2 $0x1  }
0x17: {  	s4 =	simm.s32 $0x1BF5;
	[smem:$0x3FBB] =	sst s0  }
0x18: {  	s0 =	sld [smem:$0x3F9E];
	_ =	swait.ge [sflag:s4], $0x0  }
0x19: {  	s7 =	sld [smem:$0x3F9F]  }
0x1a: {  	s8 =	sadd.s32 $0xFFFFE003, lr  }
0x1b: {  	s9 =	sadd.s32 $0xFFFFFEF7, lr;
	s5 =	simm.s32 $0xFFFFFFFF;
	p2 =	slt.u32 s8, $0xFFFFF086  }
0x1c: {  	p1 =	slt.u32 s9, $0xF7A;
	s5 =	simm.s32 @!p2 $0x0  }
0x1d: {  	s5 =	simm.s32 @p1 $0x1;
	p0 =	seq.s32 s7, s2  }
0x1e: {  	s7 =	smul.u32 @!p0 $0xF7A, s2;
	p2 =	seq.s32 @!p0 s5, $0x0  }
0x1f: {  	s9 =	smul.u32 $0xF7A, s1;
	s8 =	simm.s32 @!p0 $0x1BF5;
	p2 =	por !p2, p0  }
0x20: {  	[sflag:s8] =	ssyncset.s32 @!p0 $0xFFFFF086;
	s6 =	sadd.s32 @!p0 s3, s7;
	s7 =	simm.s32 @!p0 $0x108  }
0x21: {  	s3 =	sadd.s32 s3, s9;
	s6 =	sadd.s32 @!p0 $0x88, s6;
	s7 =	simm.s32 @p2 $0x1082  }
0x22: {  	[simem:s7], [sflag:s8] =	dma.local @!p0 [hbm:s6], $0xF7A  }
0x23: {  	s9 =	sor.u32 $0xD0000000, s2;
	s6 =	simm.s32 $0x108;
	_ =	swait.ge @!p0 [sflag:s8], $0x0  }
0x24: {  	s3 =	sadd.s32 $0x88, s3;
	s6 =	simm.s32 @!p1 $0x1082;
	[sflag:s4] =	ssyncset.s32 $0xFFFFF086  }
0x25: {  	[simem:s6], [sflag:s4] =	dma.local [hbm:s3], $0xF7A  }
0x26: {  	[smem:$0x3F9F] =	sst s1;
	(tag) =	ssettag s2;
	_ =	strace s9  }
0x27: {  	s1 =	sld [smem:$0x3FAF]  }
0x28: {  	s2 =	sld [smem:$0x3FB0]  }
0x29: {  	s4 =	sld [smem:$0x3FB2]  }
0x2a: {  	p0 =	seq.s32 s5, $0x0;
	s5 =	sld [smem:$0x3FB3]  }
0x2b: {  	s6 =	sld [smem:$0x3FB4]  }
0x2c: {  	s7 =	sld [smem:$0x3FB5]  }
0x2d: {  	s3 =	simm.s32 $0x108;
	s8 =	sld [smem:$0x3FB6]  }
0x2e: {  	s3 =	simm.s32 @!p0 $0x1082;
	s9 =	sld [smem:$0x3FB7]  }
0x2f: {  	lr =	sadd.s32 s0, s3;
	s0 =	sld [smem:$0x3FAE]  }
0x30: {  	s3 =	sld [smem:$0x3FB1]  }
0x31: {  	[smem:$0x3FBA] =	sst s10  }
0x32: {  	s10 =	sld [smem:$0x3FB8];
	_ =	sdelay $0x3  }
0x33: {  	p0 =	seq.s32 s10, $0x1;
	s10 =	sld [smem:$0x3FBA];
	_ =	sdelay $0x3  }
0x34: {  	[smem:$0x3FBA] =	sst s10  }
0x35: {  	s10 =	sld [smem:$0x3FB9];
	_ =	sdelay $0x3  }
0x36: {  	p1 =	seq.s32 s10, $0x1;
	s10 =	sld [smem:$0x3FBA];
	_ =	sdelay $0x3  }
0x37: {  	[smem:$0x3FBA] =	sst s10  }
0x38: {  	s10 =	sld [smem:$0x3FBB]  }
0x39: {  	_ = 	snop;
	(pc) =	sbr.ind lr, $3  }
0x3a: {  	_ = 	snop  }
0x3b: {  	_ = 	snop  }
0x3c: {  	p2 =	seq.s32 s10, $0x1;
	s10 =	sld [smem:$0x3FBA]  }
0x3d: {  	_ =	shalt  }
0x3e: {  	_ =	shalt  }
0x3f: {  	_ =	shalt  }
0x40: {  	_ =	shalt  }
0x41: {  	_ =	shalt  }
0x42: {  	_ =	shalt  }
0x43: {  	_ =	shalt  }
0x44: {  	_ =	shalt  }
0x45: {  	_ =	shalt  }
0x46: {  	_ =	shalt  }
0x47: {  	_ =	shalt  }
0x48: {  	_ =	shalt  }
0x49: {  	_ =	shalt  }
0x4a: {  	_ =	shalt  }
0x4b: {  	_ =	shalt  }
0x4c: {  	_ =	shalt  }
0x4d: {  	_ =	shalt  }
0x4e: {  	_ =	shalt  }
0x4f: {  	_ =	shalt  }
0x50: {  	_ =	shalt  }
0x51: {  	_ =	shalt  }
0x52: {  	_ =	shalt  }
0x53: {  	_ =	shalt  }
0x54: {  	_ =	shalt  }
0x55: {  	_ =	shalt  }
0x56: {  	_ =	shalt  }
0x57: {  	_ =	shalt  }
0x58: {  	_ =	shalt  }
0x59: {  	_ =	shalt  }
0x5a: {  	_ =	shalt  }
0x5b: {  	_ =	shalt  }
0x5c: {  	_ =	shalt  }
0x5d: {  	_ =	shalt  }
0x5e: {  	_ =	shalt  }
0x5f: {  	_ =	shalt  }
0x60: {  	_ =	shalt  }
0x61: {  	_ =	shalt  }
0x62: {  	_ =	shalt  }
0x63: {  	_ =	shalt  }
0x64: {  	_ =	shalt  }
0x65: {  	_ =	shalt  }
0x66: {  	_ =	shalt  }
0x67: {  	_ =	shalt  }
0x68: {  	_ =	shalt  }
0x69: {  	_ =	shalt  }
0x6a: {  	_ =	shalt  }
0x6b: {  	_ =	shalt  }
0x6c: {  	_ =	shalt  }
0x6d: {  	_ =	shalt  }
0x6e: {  	_ =	shalt  }
0x6f: {  	_ =	shalt  }
0x70: {  	_ =	shalt  }
0x71: {  	_ =	shalt  }
0x72: {  	_ =	shalt  }
0x73: {  	_ =	shalt  }
0x74: {  	_ =	shalt  }
0x75: {  	_ =	shalt  }
0x76: {  	_ =	shalt  }
0x77: {  	_ =	shalt  }
0x78: {  	_ =	shalt  }
0x79: {  	_ =	shalt  }
0x7a: {  	_ =	shalt  }
0x7b: {  	_ =	shalt  }
0x7c: {  	_ =	shalt  }
0x7d: {  	_ =	shalt  }
0x7e: {  	_ =	shalt  }
0x7f: {  	_ =	shalt  }
0x80: {  	_ =	shalt  }
0x81: {  	_ =	shalt  }
0x82: {  	_ =	shalt  }
0x83: {  	_ =	shalt  }
0x84: {  	_ =	shalt  }
0x85: {  	_ =	shalt  }
0x86: {  	_ =	shalt  }
0x87: {  	_ =	shalt  }
.Lfunc_end0:
.L_simem_size_0:
called_computation_lowered:
.L_overlay_start_0:
0x88: {  	s2 =	sld [smem:$0x3FD9]  }
0x89: {  	s3 =	sld [smem:$0x3FFE];
	_ =	sdelay $0x1  }
0x8a: {  	s1 =	srdreg.scid  }
0x8b: {  	s0 =	sand.u32 $0x1, s1  }
0x8c: {  	s17 =	sshll.u32 s0, $0xA;
	s2 =	sadd.s32 s3, s2  }
0x8d: {  	s2 =	sadd.s32 s2, s17  }
0x8e: {  	[smem:$0x3FC6] =	sst s2  }
0x8f: {  	_ = 	snop  }
0x90: {  	s2 =	sld [smem:$0x3FC8]  }
0x91: {  	s18 =	sld [smem:$0x3FD0];
	(tm) =	ssettm $0x1  }
0x92: {  	s4 =	sld [smem:$0x3FFB];
	_ =	sdelay $0x3  }
0x93: {  	_ =	strace s4  }
0x94: {  	s4 =	sld [smem:$0x3FFC];
	_ =	sdelay $0x3  }
0x95: {  	_ =	strace s4  }
0x96: {  	s4 =	sld [smem:$0x3FFD];
	_ =	sdelay $0x3  }
0x97: {  	_ =	strace s4  }
0x98: {  	_ =	strace $0x8FFFFFFF  }
0x99: {  	s19 =	sld [smem:$0x3FDB];
	_ =	sdelay $0x1  }
0x9a: {  	s5 =	simm.s32 $_scs_section_size  }
0x9b: {  	s6 =	simm.s32 $_size__tile_overlayer_lowered;
	s7 =	simm.s32 $_tile_overlayer_lowered  }
0x9c: {  	s22 =	simm.s32 $0x1BFF;
	s21 =	sshll.u32 s7, $0x1;
	s4 =	sadd.s32 s5, s19  }
0x9d: {  	s8 =	simm.s32 $0x0;
	s20 =	sshll.u32 s6, $0x1;
	s6 =	sadd.s32 s21, s4  }
0x9e: {  	[timem:s8], [sflag:s22] =	dma.local [hbm:s6], s20  }
0x9f: {  	_ =	swait.ge [sflag:s22], s20  }
0xa0: {  	s5 =	ssub.s32 $0x0, s20;
	[sflag:s22] =	ssyncset.done $0x0  }
0xa1: {  	[sflag:s22] =	ssyncadd.s32 s5;
	_ =	sdelay $0x1  }
0xa2: {  	s23 =	simm.s32 $0x1B8B  }
0xa3: {  	_ =	swait.ge [sflag:s23], $0x1  }
0xa4: {  	[sflag:s23] =	ssyncset.done $0x0  }
0xa5: {  	s25 =	simm.s32 $0x1B8E;
	s24 =	sld [smem:$0x3FFE];
	[sflag:s23] =	ssyncadd.s32 $0xFFFFFFFF  }
0xa6: {  	s26 =	simm.s32 $execute0_lowered;
	[smem:$0x3FD2] =	sst s25  }
0xa7: {  	s6 =	sshll.u32 s26, $0x1;
	_ =	strace $0x80000046;
	[dreg:$0x1] =	wrdreg $0xFFFFFFFF  }
0xa8: {  	s28 =	simm.s32 $_size_execute0_lowered;
	s4 =	sadd.s32 s4, s6;
	[dreg:$0x0] =	wrdreg $0x0  }
0xa9: {  	s6 =	sshll.u32 s28, $0x1;
	[dreg:$0x2] =	wrdreg s4  }
0xaa: {  	[dreg:$0x3] =	wrdreg s6  }
0xab: {  	[dreg:$0x4] =	wrdreg $0xC0  }
0xac: {  	_ =	task [dreg:s8], $0x5FFFF  }
0xad: {  	[dreg:$0x1] =	wrdreg $0xFFFFFFFF  }
0xae: {  	[dreg:$0x0] =	wrdreg $0x60  }
0xaf: {  	[dreg:$0x2] =	wrdreg s2  }
0xb0: {  	[dreg:$0x3] =	wrdreg s24  }
0xb1: {  	[dreg:$0x4] =	wrdreg s18  }
0xb2: {  	[dreg:$0x5] =	wrdreg $0x9  }
0xb3: {  	_ =	task.clear_ibuf [dreg:s8], $0x6FFFF;
	_ =	strace $0x90000046  }
0xb4: {  	s29 =	simm.s32 $0x9;
	_ =	strace $0x80000048  }
0xb5: {  	_ =	swait.ge [sflag:s29], $0x1  }
0xb6: {  	[sflag:s29] =	ssyncadd.s32 $0xFFFFFFFF  }
0xb7: {  	_ =	strace $0x90000048  }
0xb8: {  	_ =	sfence  }
0xb9: {  	s30 =	sld [smem:$0x0];
	_ =	sdelay $0x2  }
0xba: {  	s31 =	sshll.u32 s1, $0xD;
	s1 =	sshrl.u32 s1, $0x2  }
0xbb: {  	s3 =	sand.u32 $0x4000, s31;
	s1 =	sadd.s32 s1, s30  }
0xbc: {  	s0 =	sor.u32 s3, s0;
	s1 =	sshll.u32 s1, $0x11  }
0xbd: {  	s0 =	sor.u32 s1, s0  }
0xbe: {  	s0 =	sadd.s32 $0x8F2B, s0  }
0xbf: {  	[sflag:s0] =	ssyncadd.remote.s32 $0x1  }
0xc0: {  	_ =	sfence.sel $0xFFFF  }
0xc1: {  	[dreg:$0x0] =	wrdreg $0xFFFFFFFF;
	(pc) =	sbr.abs _section_cstart, $3  }
0xc2: {  	[dreg:$0x1] =	wrdreg $0xFFFFFFFF  }
0xc3: {  	_ =	task.clear_ibuf [dreg:s8], $0x2FFFF;
	_ =	strace $0x9FFFFFFF  }
0xc4: {  	(tm) =	ssettm $0x7FFFFFFF  }
0xc5: {  	_ =	shalt  }
tec
execute0_lowered:
.L_overlay_start_1:
0x0: {  	(tag) =	ssettag $0x1  }
0x1: {  	s1 =	rddreg [dreg:$0x0]  }
0x2: {  	s0 =	rddreg [dreg:$0x1]  }
0x3: {  	s2 =	srdreg.scid;
	s3 =	stileid.u32  }
0x4: {  	s4 =	rddreg [dreg:$0x2];
	s12 =	simm.s32 $0x3400;
	s29 =	simm.s32 $0xB400  }
0x5: {  	s8 =	simm.s32 $0xE400;
	s9 =	simm.s32 $0xEC00;
	s10 =	simm.s32 $0xF400  }
0x6: {  	s11 =	simm.s32 $0xFC00;
	s13 =	simm.s32 $0x10400;
	s14 =	simm.s32 $0x10C00  }
0x7: {  	s15 =	simm.s32 $0x11400;
	s16 =	simm.s32 $0x11C00;
	s17 =	simm.s32 $0x12400  }
0x8: {  	s18 =	simm.s32 $0x12C00;
	s19 =	simm.s32 $0x1;
	s20 =	simm.s32 $0x3  }
0x9: {  	s21 =	simm.s32 $0x2;
	s2 =	sand.u32 $0x1, s2;
	s5 =	sshll.u32 s3, $0x1  }
0xa: {  	s3 =	simm.s32 $0x0;
	s5 =	sor.u32 s2, s5;
	s2 =	ssub.s32 $0x2, s2  }
0xb: {  	[smem:$0x7FF] =	sst s3;
	s6 =	smul.u32 $0x680, s5;
	s7 =	sshrl.u32 s2, $0x1  }
0xc: {  	s22 =	simm.s32 $0x4;
	_ =	strace $0x80000047;
	s2 =	ssub.s32 s2, s7  }
0xd: {  	s26 =	sshll.u32 s5, $0xD;
	s0 =	sadd.s32 s6, s0;
	s31 =	smax.u32 s2, $0x1  }
0xe: {  	s6 =	sadd.s32 s4, s26;
	s0 =	sadd.s32 $0x400, s0;
	[dreg:$0x7] =	wrdreg s31  }
0xf: {  	v2 =	vlaneseq.u32;
	s5 =	sadd.s32 $0x100, s1;
	s28 =	sadd.s32 $0xC40000, s6;
	[dreg:$0x4] =	wrdreg s0  }
0x10: {  	vm0 =	vmmov $0xffff;
	v1 =	vshrl.u32 v2, $0x3;
	s4 =	simm.s32 $0xDC00;
	s30 =	sadd.s32 $0xC41000, s6;
	[dreg:$0x5] =	wrdreg s28  }
0x11: {  	v0 =	vand.u32 $0x7, v2;
	v2 =	vor.u32 $0x8, v2;
	v1 =	vmul.u32 $0x8, v1;
	s2 =	simm.s32 $0x0;
	s7 =	sadd.s32 $0x1000, s6;
	[dreg:$0x6] =	wrdreg s30  }
.LBB2_1:
0x12: {  	[dreg:$0x8] =	wrdreg s2  }
0x13: {  	s0 =	rddreg [dreg:$0x4];
	s26 =	simm.s32 $0x5  }
0x14: {  	[tilespmem:s3], [sflag:$0x5] =	stream.linear.gather [hbm4b:s0+s3], $0x3200, $0x38;
	[tilespmem:$0x13400] =	vst v63  }
0x15: {  	_ =	swait.ge [sflag:s26], $0x3200  }
0x16: {  	[sflag:s26] =	ssyncset.done $0x0  }
0x17: {  	[sflag:s26] =	ssyncadd.s32 $0xFFFFCE00  }
0x18: {  	v3 =	vld [tilespmem:$0x0];
	_ =	sdelay $0x4  }
0x19: {  	v4 =	vshll.u32 v3, $0x2  }
0x1a: {  	v3 =	vand.u32 $0x7, v3;
	v4 =	vand.u32 $0xFFFFFFE0, v4  }
0x1b: {  	v3 =	vor.u32 v3, v4  }
0x1c: {  	v4 =	vperm.xlane v3, v0;
	_ =	sdelay $0x1  }
0x1d: {  	v4 =	vadd.s32 v1, v4;
	_ =	sdelay $0x1  }
0x1e: {  	v3 =	vperm.xlane v3, v2;
	_ =	sdelay $0x1  }
0x1f: {  	v3 =	vadd.s32 v1, v3  }
0x20: {  	[tilespmem:s12], [sflag:$0x1] =	stream.indirect_vreg.gather [hbm4b:s1+s3], $0x80, v4, vm0, $0xb8;
	[tilespmem:$0x13400] =	vst v63  }
0x21: {  	s28 =	simm.s32 $0x3C00  }
0x22: {  	[tilespmem:s28], [sflag:$0x1] =	stream.indirect_vreg.gather [hbm4b:s5+s3], $0x80, v4, vm0, $0xb8;
	[tilespmem:$0x13400] =	vst v63  }
0x23: {  	s30 =	simm.s32 $0x4400  }
0x24: {  	[tilespmem:s30], [sflag:$0x1] =	stream.indirect_vreg.gather [hbm4b:s1+s3], $0x80, v3, vm0, $0xb8;
	[tilespmem:$0x13400] =	vst v63  }
0x25: {  	s31 =	simm.s32 $0x4C00  }
0x26: {  	[tilespmem:s31], [sflag:$0x1] =	stream.indirect_vreg.gather [hbm4b:s5+s3], $0x80, v3, vm0, $0xb8;
	[tilespmem:$0x13400] =	vst v63  }
0x27: {  	v3 =	vld [tilespmem:$0x10];
	_ =	sdelay $0x4  }
0x28: {  	v57 =	vshll.u32 v3, $0x2  }
0x29: {  	v3 =	vand.u32 $0x7, v3;
	v4 =	vand.u32 $0xFFFFFFE0, v57  }
0x2a: {  	v3 =	vor.u32 v3, v4  }
0x2b: {  	v4 =	vperm.xlane v3, v0;
	_ =	sdelay $0x1  }
0x2c: {  	v4 =	vadd.s32 v1, v4;
	_ =	sdelay $0x1  }
0x2d: {  	v3 =	vperm.xlane v3, v2;
	_ =	sdelay $0x1  }
0x2e: {  	s2 =	simm.s32 $0x5400;
	v3 =	vadd.s32 v1, v3  }
0x2f: {  	[tilespmem:s2], [sflag:$0x1] =	stream.indirect_vreg.gather [hbm4b:s1+s3], $0x80, v4, vm0, $0xb8;
	[tilespmem:$0x13400] =	vst v63  }
0x30: {  	s23 =	simm.s32 $0x5C00  }
0x31: {  	[tilespmem:s23], [sflag:$0x1] =	stream.indirect_vreg.gather [hbm4b:s5+s3], $0x80, v4, vm0, $0xb8;
	[tilespmem:$0x13400] =	vst v63  }
0x32: {  	s24 =	simm.s32 $0x6400  }
0x33: {  	[tilespmem:s24], [sflag:$0x1] =	stream.indirect_vreg.gather [hbm4b:s1+s3], $0x80, v3, vm0, $0xb8;
	[tilespmem:$0x13400] =	vst v63  }
0x34: {  	s25 =	simm.s32 $0x6C00  }
0x35: {  	[tilespmem:s25], [sflag:$0x1] =	stream.indirect_vreg.gather [hbm4b:s5+s3], $0x80, v3, vm0, $0xb8;
	[tilespmem:$0x13400] =	vst v63  }
0x36: {  	v3 =	vld [tilespmem:$0x20];
	_ =	sdelay $0x4  }
0x37: {  	v58 =	vshll.u32 v3, $0x2  }
0x38: {  	v3 =	vand.u32 $0x7, v3;
	v4 =	vand.u32 $0xFFFFFFE0, v58  }
0x39: {  	v3 =	vor.u32 v3, v4  }
0x3a: {  	v4 =	vperm.xlane v3, v0;
	_ =	sdelay $0x1  }
0x3b: {  	v4 =	vadd.s32 v1, v4;
	_ =	sdelay $0x1  }
0x3c: {  	v3 =	vperm.xlane v3, v2;
	_ =	sdelay $0x1  }
0x3d: {  	s26 =	simm.s32 $0x7400;
	v3 =	vadd.s32 v1, v3  }
0x3e: {  	[tilespmem:s26], [sflag:$0x1] =	stream.indirect_vreg.gather [hbm4b:s1+s3], $0x80, v4, vm0, $0xb8;
	[tilespmem:$0x13400] =	vst v63  }
0x3f: {  	s28 =	simm.s32 $0x7C00  }
0x40: {  	[tilespmem:s28], [sflag:$0x1] =	stream.indirect_vreg.gather [hbm4b:s5+s3], $0x80, v4, vm0, $0xb8;
	[tilespmem:$0x13400] =	vst v63  }
0x41: {  	s30 =	simm.s32 $0x8400  }
0x42: {  	[tilespmem:s30], [sflag:$0x1] =	stream.indirect_vreg.gather [hbm4b:s1+s3], $0x80, v3, vm0, $0xb8;
	[tilespmem:$0x13400] =	vst v63  }
0x43: {  	s31 =	simm.s32 $0x8C00  }
0x44: {  	[tilespmem:s31], [sflag:$0x1] =	stream.indirect_vreg.gather [hbm4b:s5+s3], $0x80, v3, vm0, $0xb8;
	[tilespmem:$0x13400] =	vst v63  }
0x45: {  	v3 =	vld [tilespmem:$0x30];
	_ =	sdelay $0x4  }
0x46: {  	v59 =	vshll.u32 v3, $0x2  }
0x47: {  	v3 =	vand.u32 $0x7, v3;
	v4 =	vand.u32 $0xFFFFFFE0, v59  }
0x48: {  	v3 =	vor.u32 v3, v4  }
0x49: {  	v4 =	vperm.xlane v3, v0;
	_ =	sdelay $0x1  }
0x4a: {  	v4 =	vadd.s32 v1, v4;
	_ =	sdelay $0x1  }
0x4b: {  	v3 =	vperm.xlane v3, v2;
	_ =	sdelay $0x1  }
0x4c: {  	s2 =	simm.s32 $0x9400;
	v3 =	vadd.s32 v1, v3  }
0x4d: {  	[tilespmem:s2], [sflag:$0x1] =	stream.indirect_vreg.gather [hbm4b:s1+s3], $0x80, v4, vm0, $0xb8;
	[tilespmem:$0x13400] =	vst v63  }
0x4e: {  	s23 =	simm.s32 $0x9C00  }
0x4f: {  	[tilespmem:s23], [sflag:$0x1] =	stream.indirect_vreg.gather [hbm4b:s5+s3], $0x80, v4, vm0, $0xb8;
	[tilespmem:$0x13400] =	vst v63  }
0x50: {  	s24 =	simm.s32 $0xA400  }
0x51: {  	[tilespmem:s24], [sflag:$0x1] =	stream.indirect_vreg.gather [hbm4b:s1+s3], $0x80, v3, vm0, $0xb8;
	[tilespmem:$0x13400] =	vst v63  }
0x52: {  	s25 =	simm.s32 $0xAC00  }
0x53: {  	[tilespmem:s25], [sflag:$0x1] =	stream.indirect_vreg.gather [hbm4b:s5+s3], $0x80, v3, vm0, $0xb8;
	[tilespmem:$0x13400] =	vst v63  }
0x54: {  	v3 =	vld [tilespmem:$0x80];
	_ =	sdelay $0x4  }
0x55: {  	v60 =	vshll.u32 v3, $0x2  }
0x56: {  	v3 =	vand.u32 $0x7, v3;
	v4 =	vand.u32 $0xFFFFFFE0, v60  }
0x57: {  	v3 =	vor.u32 v3, v4  }
0x58: {  	v4 =	vperm.xlane v3, v0;
	_ =	sdelay $0x1  }
0x59: {  	v4 =	vadd.s32 v1, v4;
	_ =	sdelay $0x1  }
0x5a: {  	v3 =	vperm.xlane v3, v2;
	_ =	sdelay $0x1  }
0x5b: {  	v3 =	vadd.s32 v1, v3  }
0x5c: {  	[tilespmem:s29], [sflag:$0x2] =	stream.indirect_vreg.gather [hbm4b:s1+s3], $0x80, v4, vm0, $0xb8;
	[tilespmem:$0x13400] =	vst v63  }
0x5d: {  	s26 =	simm.s32 $0xBC00  }
0x5e: {  	[tilespmem:s26], [sflag:$0x2] =	stream.indirect_vreg.gather [hbm4b:s5+s3], $0x80, v4, vm0, $0xb8;
	[tilespmem:$0x13400] =	vst v63  }
0x5f: {  	s28 =	simm.s32 $0xC400  }
0x60: {  	[tilespmem:s28], [sflag:$0x2] =	stream.indirect_vreg.gather [hbm4b:s1+s3], $0x80, v3, vm0, $0xb8;
	[tilespmem:$0x13400] =	vst v63  }
0x61: {  	s30 =	simm.s32 $0xCC00  }
0x62: {  	[tilespmem:s30], [sflag:$0x2] =	stream.indirect_vreg.gather [hbm4b:s5+s3], $0x80, v3, vm0, $0xb8;
	[tilespmem:$0x13400] =	vst v63  }
0x63: {  	v3 =	vld [tilespmem:$0x90];
	_ =	sdelay $0x4  }
0x64: {  	v61 =	vshll.u32 v3, $0x2  }
0x65: {  	v3 =	vand.u32 $0x7, v3;
	v4 =	vand.u32 $0xFFFFFFE0, v61  }
0x66: {  	v3 =	vor.u32 v3, v4  }
0x67: {  	v4 =	vperm.xlane v3, v0;
	_ =	sdelay $0x1  }
0x68: {  	v4 =	vadd.s32 v1, v4;
	_ =	sdelay $0x1  }
0x69: {  	v3 =	vperm.xlane v3, v2;
	_ =	sdelay $0x1  }
0x6a: {  	s31 =	simm.s32 $0xD400;
	v3 =	vadd.s32 v1, v3  }
0x6b: {  	[tilespmem:s31], [sflag:$0x2] =	stream.indirect_vreg.gather [hbm4b:s1+s3], $0x80, v4, vm0, $0xb8;
	[tilespmem:$0x13400] =	vst v63  }
0x6c: {  	_ = 	snop  }
0x6d: {  	[tilespmem:s4], [sflag:$0x2] =	stream.indirect_vreg.gather [hbm4b:s5+s3], $0x80, v4, vm0, $0xb8;
	[tilespmem:$0x13400] =	vst v63  }
0x6e: {  	_ = 	snop  }
0x6f: {  	[tilespmem:s8], [sflag:$0x2] =	stream.indirect_vreg.gather [hbm4b:s1+s3], $0x80, v3, vm0, $0xb8;
	[tilespmem:$0x13400] =	vst v63  }
0x70: {  	_ = 	snop  }
0x71: {  	[tilespmem:s9], [sflag:$0x2] =	stream.indirect_vreg.gather [hbm4b:s5+s3], $0x80, v3, vm0, $0xb8;
	[tilespmem:$0x13400] =	vst v63  }
0x72: {  	v3 =	vld [tilespmem:$0xA0];
	_ =	sdelay $0x4  }
0x73: {  	v62 =	vshll.u32 v3, $0x2  }
0x74: {  	v3 =	vand.u32 $0x7, v3;
	v4 =	vand.u32 $0xFFFFFFE0, v62  }
0x75: {  	v3 =	vor.u32 v3, v4  }
0x76: {  	v4 =	vperm.xlane v3, v0;
	_ =	sdelay $0x1  }
0x77: {  	v4 =	vadd.s32 v1, v4;
	_ =	sdelay $0x1  }
0x78: {  	v3 =	vperm.xlane v3, v2;
	_ =	sdelay $0x1  }
0x79: {  	v3 =	vadd.s32 v1, v3  }
0x7a: {  	[tilespmem:s10], [sflag:$0x2] =	stream.indirect_vreg.gather [hbm4b:s1+s3], $0x80, v4, vm0, $0xb8;
	[tilespmem:$0x13400] =	vst v63  }
0x7b: {  	_ = 	snop  }
0x7c: {  	[tilespmem:s11], [sflag:$0x2] =	stream.indirect_vreg.gather [hbm4b:s5+s3], $0x80, v4, vm0, $0xb8;
	[tilespmem:$0x13400] =	vst v63  }
0x7d: {  	_ = 	snop  }
0x7e: {  	[tilespmem:s13], [sflag:$0x2] =	stream.indirect_vreg.gather [hbm4b:s1+s3], $0x80, v3, vm0, $0xb8;
	[tilespmem:$0x13400] =	vst v63  }
0x7f: {  	_ = 	snop  }
0x80: {  	[tilespmem:s14], [sflag:$0x2] =	stream.indirect_vreg.gather [hbm4b:s5+s3], $0x80, v3, vm0, $0xb8;
	[tilespmem:$0x13400] =	vst v63  }
0x81: {  	v3 =	vld [tilespmem:$0xB0];
	_ =	sdelay $0x4  }
0x82: {  	v63 =	vshll.u32 v3, $0x2  }
0x83: {  	v3 =	vand.u32 $0x7, v3;
	v4 =	vand.u32 $0xFFFFFFE0, v63  }
0x84: {  	v3 =	vor.u32 v3, v4  }
0x85: {  	v4 =	vperm.xlane v3, v0;
	_ =	sdelay $0x1  }
0x86: {  	v4 =	vadd.s32 v1, v4;
	_ =	sdelay $0x1  }
0x87: {  	v3 =	vperm.xlane v3, v2;
	_ =	sdelay $0x1  }
0x88: {  	v3 =	vadd.s32 v1, v3  }
0x89: {  	[tilespmem:s15], [sflag:$0x2] =	stream.indirect_vreg.gather [hbm4b:s1+s3], $0x80, v4, vm0, $0xb8;
	[tilespmem:$0x13400] =	vst v63  }
0x8a: {  	_ = 	snop  }
0x8b: {  	[tilespmem:s16], [sflag:$0x2] =	stream.indirect_vreg.gather [hbm4b:s5+s3], $0x80, v4, vm0, $0xb8;
	[tilespmem:$0x13400] =	vst v63  }
0x8c: {  	_ = 	snop  }
0x8d: {  	[tilespmem:s17], [sflag:$0x2] =	stream.indirect_vreg.gather [hbm4b:s1+s3], $0x80, v3, vm0, $0xb8;
	[tilespmem:$0x13400] =	vst v63  }
0x8e: {  	s23 =	simm.s32 $0x0  }
0x8f: {  	[tilespmem:s18], [sflag:$0x2] =	stream.indirect_vreg.gather [hbm4b:s5+s3], $0x80, v3, vm0, $0xb8;
	[tilespmem:$0x13400] =	vst v63  }
.LBB2_2:
0x90: {  	_ =	swait.ge [sflag:s19], $0x8000;
	s0 =	simm.s32 $0x0  }
0x91: {  	[sflag:s19] =	ssyncset.done $0x0;
	s2 =	sand.u32 $0x7000, s0;
	s0 =	sand.u32 $0x380, s0  }
0x92: {  	[sflag:s19] =	ssyncadd.s32 $0xFFFF8000;
	s25 =	sor.u32 s0, s2  }
0x93: {  	v3 =	vld [tilespmem:s25+$0x4070]  }
0x94: {  	s26 =	simm.s32 $0x200;
	s30 =	simm.s32 $0x80;
	v4 =	vld [tilespmem:s25+$0x3400]  }
0x95: {  	s0 =	sand.u32 $0x7000, s26;
	s2 =	sand.u32 $0x380, s30;
	v5 =	vld [tilespmem:s25+$0x3410]  }
0x96: {  	v10 =	vld [tilespmem:s25+$0x3460];
	s24 =	sor.u32 s2, s0  }
0x97: {  	v13 =	vld [tilespmem:s24+$0x3420]  }
0x98: {  	v14 =	vld [tilespmem:s24+$0x3430]  }
0x99: {  	v15 =	vld [tilespmem:s24+$0x3440];
	v3 =	vmul.f32 $2.262741660e+01, v3  }
0x9a: {  	v16 =	vld [tilespmem:s24+$0x3450];
	v4 =	vmul.f32 $2.262741660e+01, v4  }
0x9b: {  	v51 =	vld [tilespmem:s25+$0x3C00];
	v10 =	vmul.f32 $2.262741660e+01, v10;
	[tilespmem:s25+$0x4070] =	vst v3  }
0x9c: {  	v53 =	vld [tilespmem:s25+$0x3C10];
	v48 =	vmul.f32 $2.262741660e+01, v13;
	[tilespmem:s25+$0x3400] =	vst v4  }
0x9d: {  	v55 =	vld [tilespmem:s25+$0x3C20];
	v50 =	vmul.f32 $2.262741660e+01, v14;
	[tilespmem:s25+$0x3460] =	vst v10  }
0x9e: {  	v6 =	vld [tilespmem:s25+$0x3420];
	v52 =	vmul.f32 $2.262741660e+01, v15;
	[tilespmem:s24+$0x3420] =	vst v48  }
0x9f: {  	v7 =	vld [tilespmem:s25+$0x3430];
	v54 =	vmul.f32 $2.262741660e+01, v16;
	[tilespmem:s24+$0x3430] =	vst v50  }
0xa0: {  	v8 =	vld [tilespmem:s25+$0x3440];
	v13 =	vmul.f32 $2.262741660e+01, v51;
	[tilespmem:s24+$0x3440] =	vst v52  }
0xa1: {  	v9 =	vld [tilespmem:s25+$0x3450];
	v14 =	vmul.f32 $2.262741660e+01, v53;
	[tilespmem:s24+$0x3450] =	vst v54  }
0xa2: {  	v11 =	vld [tilespmem:s24+$0x3400];
	v15 =	vmul.f32 $2.262741660e+01, v55;
	[tilespmem:s25+$0x3C00] =	vst v13  }
0xa3: {  	v49 =	vld [tilespmem:s25+$0x3870];
	v3 =	vmul.f32 $2.262741660e+01, v5;
	[tilespmem:s25+$0x3C10] =	vst v14  }
0xa4: {  	v12 =	vld [tilespmem:s24+$0x3410];
	v5 =	vmul.f32 $2.262741660e+01, v6;
	[tilespmem:s25+$0x3C20] =	vst v15  }
0xa5: {  	v61 =	vld [tilespmem:s25+$0x4040];
	v6 =	vmul.f32 $2.262741660e+01, v7;
	[tilespmem:s25+$0x3410] =	vst v3  }
0xa6: {  	v7 =	vmul.f32 $2.262741660e+01, v8;
	v8 =	vmul.f32 $2.262741660e+01, v9;
	v9 =	vld [tilespmem:s24+$0x4070];
	[tilespmem:s25+$0x3420] =	vst v5  }
0xa7: {  	v4 =	vld [tilespmem:s25+$0x3470];
	v10 =	vmul.f32 $2.262741660e+01, v11;
	[tilespmem:s25+$0x3430] =	vst v6  }
0xa8: {  	v11 =	vld [tilespmem:s24+$0x3460];
	[tilespmem:s25+$0x3440] =	vst v7  }
0xa9: {  	v3 =	vld [tilespmem:s25+$0x3800];
	[tilespmem:s24+$0x3400] =	vst v10;
	v10 =	vmul.f32 $2.262741660e+01, v12  }
0xaa: {  	v5 =	vld [tilespmem:s25+$0x3810];
	[tilespmem:s25+$0x3450] =	vst v8;
	v12 =	vmul.f32 $2.262741660e+01, v49  }
0xab: {  	v6 =	vld [tilespmem:s25+$0x3820];
	[tilespmem:s24+$0x3410] =	vst v10;
	v9 =	vmul.f32 $2.262741660e+01, v9  }
0xac: {  	v7 =	vld [tilespmem:s25+$0x3830];
	[tilespmem:s25+$0x3870] =	vst v12;
	v4 =	vmul.f32 $2.262741660e+01, v4  }
0xad: {  	v8 =	vld [tilespmem:s25+$0x3840];
	v11 =	vmul.f32 $2.262741660e+01, v11;
	[tilespmem:s24+$0x4070] =	vst v9  }
0xae: {  	v10 =	vld [tilespmem:s25+$0x3860];
	v3 =	vmul.f32 $2.262741660e+01, v3;
	[tilespmem:s25+$0x3470] =	vst v4  }
0xaf: {  	v9 =	vld [tilespmem:s25+$0x3850];
	v5 =	vmul.f32 $2.262741660e+01, v5;
	[tilespmem:s24+$0x3460] =	vst v11  }
0xb0: {  	v4 =	vld [tilespmem:s24+$0x3470];
	v6 =	vmul.f32 $2.262741660e+01, v6;
	[tilespmem:s25+$0x3800] =	vst v3  }
0xb1: {  	v7 =	vmul.f32 $2.262741660e+01, v7;
	v11 =	vld [tilespmem:s25+$0x3C30];
	[tilespmem:s25+$0x3810] =	vst v5  }
0xb2: {  	v8 =	vmul.f32 $2.262741660e+01, v8;
	v3 =	vld [tilespmem:s24+$0x3800];
	[tilespmem:s25+$0x3820] =	vst v6  }
0xb3: {  	v5 =	vld [tilespmem:s24+$0x3810];
	[tilespmem:s25+$0x3830] =	vst v7;
	v10 =	vmul.f32 $2.262741660e+01, v10  }
0xb4: {  	v6 =	vld [tilespmem:s24+$0x3820];
	[tilespmem:s25+$0x3840] =	vst v8;
	v9 =	vmul.f32 $2.262741660e+01, v9  }
0xb5: {  	v7 =	vld [tilespmem:s24+$0x3830];
	[tilespmem:s25+$0x3860] =	vst v10;
	v4 =	vmul.f32 $2.262741660e+01, v4  }
0xb6: {  	v8 =	vld [tilespmem:s24+$0x3840];
	v11 =	vmul.f32 $2.262741660e+01, v11;
	[tilespmem:s25+$0x3850] =	vst v9  }
0xb7: {  	v10 =	vld [tilespmem:s24+$0x3860];
	[tilespmem:s24+$0x3470] =	vst v4;
	v3 =	vmul.f32 $2.262741660e+01, v3  }
0xb8: {  	v9 =	vld [tilespmem:s24+$0x3850];
	v5 =	vmul.f32 $2.262741660e+01, v5;
	[tilespmem:s25+$0x3C30] =	vst v11  }
0xb9: {  	v4 =	vld [tilespmem:s25+$0x3C40];
	v6 =	vmul.f32 $2.262741660e+01, v6;
	[tilespmem:s24+$0x3800] =	vst v3  }
0xba: {  	v7 =	vmul.f32 $2.262741660e+01, v7;
	v3 =	vld [tilespmem:s25+$0x3C50];
	[tilespmem:s24+$0x3810] =	vst v5  }
0xbb: {  	v56 =	vld [tilespmem:s24+$0x3870];
	v8 =	vmul.f32 $2.262741660e+01, v8;
	[tilespmem:s24+$0x3820] =	vst v6  }
0xbc: {  	v5 =	vld [tilespmem:s25+$0x3C60];
	[tilespmem:s24+$0x3830] =	vst v7;
	v10 =	vmul.f32 $2.262741660e+01, v10  }
0xbd: {  	v6 =	vld [tilespmem:s25+$0x3C70];
	[tilespmem:s24+$0x3840] =	vst v8;
	v9 =	vmul.f32 $2.262741660e+01, v9  }
0xbe: {  	v57 =	vld [tilespmem:s24+$0x3C00];
	[tilespmem:s24+$0x3860] =	vst v10;
	v4 =	vmul.f32 $2.262741660e+01, v4  }
0xbf: {  	v7 =	vld [tilespmem:s25+$0x4000];
	[tilespmem:s24+$0x3850] =	vst v9;
	v3 =	vmul.f32 $2.262741660e+01, v3  }
0xc0: {  	v59 =	vld [tilespmem:s24+$0x3C20];
	[tilespmem:s25+$0x3C40] =	vst v4;
	v4 =	vmul.f32 $2.262741660e+01, v56  }
0xc1: {  	v8 =	vld [tilespmem:s25+$0x4010];
	v5 =	vmul.f32 $2.262741660e+01, v5;
	[tilespmem:s25+$0x3C50] =	vst v3  }
0xc2: {  	v58 =	vld [tilespmem:s24+$0x3C10];
	v6 =	vmul.f32 $2.262741660e+01, v6;
	[tilespmem:s24+$0x3870] =	vst v4  }
0xc3: {  	v11 =	vld [tilespmem:s24+$0x3C30];
	v4 =	vmul.f32 $2.262741660e+01, v57;
	[tilespmem:s25+$0x3C60] =	vst v5  }
0xc4: {  	v17 =	vld [tilespmem:s25+$0x4050];
	[tilespmem:s25+$0x3C70] =	vst v6;
	v5 =	vmul.f32 $2.262741660e+01, v7  }
0xc5: {  	v9 =	vld [tilespmem:s25+$0x4020];
	v6 =	vmul.f32 $2.262741660e+01, v59;
	[tilespmem:s24+$0x3C00] =	vst v4  }
0xc6: {  	v10 =	vld [tilespmem:s25+$0x4030];
	v7 =	vmul.f32 $2.262741660e+01, v8;
	[tilespmem:s25+$0x4000] =	vst v5  }
0xc7: {  	v60 =	vld [tilespmem:s24+$0x3C40];
	v4 =	vmul.f32 $2.262741660e+01, v58;
	[tilespmem:s24+$0x3C20] =	vst v6  }
0xc8: {  	v3 =	vld [tilespmem:s24+$0x3C50];
	v6 =	vmul.f32 $2.262741660e+01, v11;
	[tilespmem:s25+$0x4010] =	vst v7  }
0xc9: {  	v18 =	vld [tilespmem:s25+$0x4060];
	v11 =	vmul.f32 $2.262741660e+01, v17;
	[tilespmem:s24+$0x3C10] =	vst v4  }
0xca: {  	v62 =	vld [tilespmem:s24+$0x3C60];
	v8 =	vmul.f32 $2.262741660e+01, v9;
	[tilespmem:s24+$0x3C30] =	vst v6  }
0xcb: {  	v63 =	vld [tilespmem:s24+$0x3C70];
	v9 =	vmul.f32 $2.262741660e+01, v10;
	[tilespmem:s25+$0x4050] =	vst v11  }
0xcc: {  	v5 =	vld [tilespmem:s24+$0x4010];
	v6 =	vmul.f32 $2.262741660e+01, v60;
	[tilespmem:s25+$0x4020] =	vst v8  }
0xcd: {  	v4 =	vld [tilespmem:s24+$0x4000];
	v3 =	vmul.f32 $2.262741660e+01, v3;
	[tilespmem:s25+$0x4030] =	vst v9  }
0xce: {  	v7 =	vld [tilespmem:s24+$0x4020];
	v8 =	vmul.f32 $2.262741660e+01, v61;
	[tilespmem:s24+$0x3C40] =	vst v6  }
0xcf: {  	v9 =	vmul.f32 $2.262741660e+01, v62;
	v6 =	vld [tilespmem:s24+$0x4030];
	[tilespmem:s24+$0x3C50] =	vst v3  }
0xd0: {  	s31 =	simm.s32 $0x400;
	s28 =	simm.s32 $0x600;
	s26 =	simm.s32 $0x100;
	v10 =	vmul.f32 $2.262741660e+01, v63;
	[tilespmem:s25+$0x4040] =	vst v8;
	v8 =	vld [tilespmem:s24+$0x4040]  }
0xd1: {  	s2 =	sand.u32 $0x7000, s31;
	s0 =	sand.u32 $0x380, s26;
	v3 =	vmul.f32 $2.262741660e+01, v18;
	[tilespmem:s24+$0x3C60] =	vst v9;
	v9 =	vld [tilespmem:s24+$0x4050]  }
.LBB2_3:
0xd2: {  	p0 =	sne.s32 s28, $0x7E00;
	s0 =	sor.u32 s0, s2;
	[tilespmem:s24+$0x3C70] =	vst v10;
	v4 =	vmul.f32 $2.262741660e+01, v4;
	v5 =	vmul.f32 $2.262741660e+01, v5;
	v10 =	vld [tilespmem:s24+$0x4060]  }
0xd3: {  	v11 =	vld [tilespmem:s0+$0x4070];
	v7 =	vmul.f32 $2.262741660e+01, v7;
	[tilespmem:s25+$0x4060] =	vst v3;
	s25 =	smov.u32 s24;
	s24 =	smov.u32 s0  }
0xd4: {  	v12 =	vld [tilespmem:s24+$0x3400];
	[tilespmem:s25+$0x4000] =	vst v4;
	v3 =	vmul.f32 $2.262741660e+01, v6  }
0xd5: {  	v4 =	vld [tilespmem:s24+$0x3410];
	[tilespmem:s25+$0x4010] =	vst v5;
	v5 =	vmul.f32 $2.262741660e+01, v8  }
0xd6: {  	v6 =	vld [tilespmem:s24+$0x3420];
	[tilespmem:s25+$0x4020] =	vst v7;
	v7 =	vmul.f32 $2.262741660e+01, v9  }
0xd7: {  	v8 =	vld [tilespmem:s24+$0x3430];
	[tilespmem:s25+$0x4030] =	vst v3;
	v3 =	vmul.f32 $2.262741660e+01, v10  }
0xd8: {  	v9 =	vld [tilespmem:s24+$0x3440];
	v10 =	vmul.f32 $2.262741660e+01, v11;
	[tilespmem:s25+$0x4040] =	vst v5  }
0xd9: {  	v5 =	vmul.f32 $2.262741660e+01, v12;
	v11 =	vld [tilespmem:s24+$0x3450];
	[tilespmem:s25+$0x4050] =	vst v7  }
0xda: {  	v4 =	vmul.f32 $2.262741660e+01, v4;
	v7 =	vld [tilespmem:s24+$0x3460];
	[tilespmem:s24+$0x4070] =	vst v10  }
0xdb: {  	[tilespmem:s24+$0x3400] =	vst v5;
	v5 =	vmul.f32 $2.262741660e+01, v6;
	v6 =	vld [tilespmem:s24+$0x3470]  }
0xdc: {  	[tilespmem:s24+$0x3410] =	vst v4;
	v4 =	vmul.f32 $2.262741660e+01, v8;
	v8 =	vld [tilespmem:s24+$0x3800]  }
0xdd: {  	[tilespmem:s24+$0x3420] =	vst v5;
	v5 =	vmul.f32 $2.262741660e+01, v9;
	v9 =	vld [tilespmem:s24+$0x3810]  }
0xde: {  	[tilespmem:s24+$0x3430] =	vst v4;
	v4 =	vmul.f32 $2.262741660e+01, v11;
	v10 =	vld [tilespmem:s24+$0x3820]  }
0xdf: {  	[tilespmem:s24+$0x3440] =	vst v5;
	v5 =	vmul.f32 $2.262741660e+01, v7;
	v7 =	vld [tilespmem:s24+$0x3830]  }
0xe0: {  	[tilespmem:s24+$0x3450] =	vst v4;
	v4 =	vmul.f32 $2.262741660e+01, v6;
	v6 =	vld [tilespmem:s24+$0x3840]  }
0xe1: {  	[tilespmem:s24+$0x3460] =	vst v5;
	v5 =	vmul.f32 $2.262741660e+01, v8;
	v8 =	vld [tilespmem:s24+$0x3850]  }
0xe2: {  	[tilespmem:s24+$0x3470] =	vst v4;
	v4 =	vmul.f32 $2.262741660e+01, v9;
	v9 =	vld [tilespmem:s24+$0x3860]  }
0xe3: {  	[tilespmem:s24+$0x3800] =	vst v5;
	v5 =	vmul.f32 $2.262741660e+01, v10;
	v10 =	vld [tilespmem:s24+$0x3870]  }
0xe4: {  	[tilespmem:s24+$0x3810] =	vst v4;
	v4 =	vmul.f32 $2.262741660e+01, v7;
	v7 =	vld [tilespmem:s24+$0x3C00]  }
0xe5: {  	[tilespmem:s24+$0x3820] =	vst v5;
	v5 =	vmul.f32 $2.262741660e+01, v6;
	v6 =	vld [tilespmem:s24+$0x3C10]  }
0xe6: {  	[tilespmem:s24+$0x3830] =	vst v4;
	v4 =	vmul.f32 $2.262741660e+01, v8;
	v8 =	vld [tilespmem:s24+$0x3C20]  }
0xe7: {  	[tilespmem:s24+$0x3840] =	vst v5;
	v5 =	vmul.f32 $2.262741660e+01, v9;
	v9 =	vld [tilespmem:s24+$0x3C30]  }
0xe8: {  	[tilespmem:s24+$0x3850] =	vst v4;
	v4 =	vmul.f32 $2.262741660e+01, v10;
	v10 =	vld [tilespmem:s24+$0x3C40]  }
0xe9: {  	[tilespmem:s24+$0x3860] =	vst v5;
	v5 =	vmul.f32 $2.262741660e+01, v7;
	v7 =	vld [tilespmem:s24+$0x3C50]  }
0xea: {  	[tilespmem:s24+$0x3870] =	vst v4;
	v4 =	vmul.f32 $2.262741660e+01, v6;
	v6 =	vld [tilespmem:s24+$0x3C60]  }
0xeb: {  	[tilespmem:s24+$0x3C00] =	vst v5;
	v5 =	vmul.f32 $2.262741660e+01, v8;
	v8 =	vld [tilespmem:s24+$0x3C70]  }
0xec: {  	[tilespmem:s24+$0x3C10] =	vst v4;
	v9 =	vmul.f32 $2.262741660e+01, v9;
	v4 =	vld [tilespmem:s24+$0x4000]  }
.Ltmp0:
0xed: {  	[tilespmem:s24+$0x3C20] =	vst v5;
	v10 =	vmul.f32 $2.262741660e+01, v10;
	v5 =	vld [tilespmem:s24+$0x4010];
	(pc) =	sbr.rel @p0 .LBB2_3-.Ltmp0, $4  }
0xee: {  	[tilespmem:s24+$0x3C30] =	vst v9;
	v9 =	vmul.f32 $2.262741660e+01, v7;
	v7 =	vld [tilespmem:s24+$0x4020]  }
0xef: {  	[tilespmem:s24+$0x3C40] =	vst v10;
	v11 =	vmul.f32 $2.262741660e+01, v6;
	v6 =	vld [tilespmem:s24+$0x4030]  }
0xf0: {  	s26 =	sadd.s32 $0x80, s26;
	[tilespmem:s24+$0x3C50] =	vst v9;
	v10 =	vmul.f32 $2.262741660e+01, v8;
	v8 =	vld [tilespmem:s24+$0x4040]  }
0xf1: {  	s2 =	sand.u32 $0x7000, s28;
	s28 =	sadd.s32 $0x200, s28;
	s0 =	sand.u32 $0x380, s26;
	[tilespmem:s24+$0x3C60] =	vst v11;
	v9 =	vld [tilespmem:s24+$0x4050]  }
0xf2: {  	[tilespmem:s24+$0x3C70] =	vst v10;
	s26 =	sor.u32 s0, s2;
	v4 =	vmul.f32 $2.262741660e+01, v4  }
0xf3: {  	v5 =	vmul.f32 $2.262741660e+01, v5;
	[tilespmem:s25+$0x4060] =	vst v3;
	v11 =	vld [tilespmem:s26+$0x4070]  }
0xf4: {  	v3 =	vmul.f32 $2.262741660e+01, v7;
	v7 =	vld [tilespmem:s26+$0x3400];
	[tilespmem:s24+$0x4000] =	vst v4  }
0xf5: {  	v4 =	vmul.f32 $2.262741660e+01, v6;
	v6 =	vld [tilespmem:s26+$0x3410];
	[tilespmem:s24+$0x4010] =	vst v5  }
0xf6: {  	v5 =	vmul.f32 $2.262741660e+01, v8;
	v8 =	vld [tilespmem:s26+$0x3420];
	[tilespmem:s24+$0x4020] =	vst v3  }
0xf7: {  	v3 =	vmul.f32 $2.262741660e+01, v9;
	v9 =	vld [tilespmem:s26+$0x3430];
	[tilespmem:s24+$0x4030] =	vst v4  }
0xf8: {  	v4 =	vld [tilespmem:s26+$0x3440];
	[tilespmem:s24+$0x4040] =	vst v5;
	v11 =	vmul.f32 $2.262741660e+01, v11  }
0xf9: {  	v5 =	vmul.f32 $2.262741660e+01, v7;
	v7 =	vld [tilespmem:s26+$0x3450];
	[tilespmem:s24+$0x4050] =	vst v3  }
0xfa: {  	v3 =	vmul.f32 $2.262741660e+01, v6;
	v6 =	vld [tilespmem:s26+$0x3460];
	[tilespmem:s26+$0x4070] =	vst v11  }
0xfb: {  	[tilespmem:s26+$0x3400] =	vst v5;
	v5 =	vmul.f32 $2.262741660e+01, v8;
	v8 =	vld [tilespmem:s26+$0x3470]  }
0xfc: {  	[tilespmem:s26+$0x3410] =	vst v3;
	v3 =	vmul.f32 $2.262741660e+01, v9;
	v9 =	vld [tilespmem:s26+$0x3800]  }
0xfd: {  	v4 =	vmul.f32 $2.262741660e+01, v4;
	[tilespmem:s26+$0x3420] =	vst v5;
	v5 =	vld [tilespmem:s26+$0x3810]  }
0xfe: {  	[tilespmem:s26+$0x3430] =	vst v3;
	v3 =	vmul.f32 $2.262741660e+01, v7;
	v7 =	vld [tilespmem:s26+$0x3820]  }
0xff: {  	[tilespmem:s26+$0x3440] =	vst v4;
	v4 =	vmul.f32 $2.262741660e+01, v6;
	v6 =	vld [tilespmem:s26+$0x3830]  }
0x100: {  	[tilespmem:s26+$0x3450] =	vst v3;
	v3 =	vmul.f32 $2.262741660e+01, v8;
	v8 =	vld [tilespmem:s26+$0x3840]  }
0x101: {  	[tilespmem:s26+$0x3460] =	vst v4;
	v4 =	vmul.f32 $2.262741660e+01, v9;
	v9 =	vld [tilespmem:s26+$0x3850]  }
0x102: {  	[tilespmem:s26+$0x3470] =	vst v3;
	v3 =	vmul.f32 $2.262741660e+01, v5;
	v5 =	vld [tilespmem:s26+$0x3860]  }
0x103: {  	[tilespmem:s26+$0x3800] =	vst v4;
	v4 =	vmul.f32 $2.262741660e+01, v7;
	v7 =	vld [tilespmem:s26+$0x3870]  }
0x104: {  	[tilespmem:s26+$0x3810] =	vst v3;
	v3 =	vmul.f32 $2.262741660e+01, v6;
	v6 =	vld [tilespmem:s26+$0x3C00]  }
0x105: {  	[tilespmem:s26+$0x3820] =	vst v4;
	v4 =	vmul.f32 $2.262741660e+01, v8;
	v8 =	vld [tilespmem:s26+$0x3C10]  }
0x106: {  	[tilespmem:s26+$0x3830] =	vst v3;
	v3 =	vmul.f32 $2.262741660e+01, v9;
	v9 =	vld [tilespmem:s26+$0x3C20]  }
0x107: {  	[tilespmem:s26+$0x3840] =	vst v4;
	v4 =	vmul.f32 $2.262741660e+01, v5;
	v5 =	vld [tilespmem:s26+$0x3C30]  }
0x108: {  	[tilespmem:s26+$0x3850] =	vst v3;
	v3 =	vmul.f32 $2.262741660e+01, v7;
	v7 =	vld [tilespmem:s26+$0x3C40]  }
0x109: {  	[tilespmem:s26+$0x3860] =	vst v4;
	v4 =	vmul.f32 $2.262741660e+01, v6;
	v6 =	vld [tilespmem:s26+$0x3C50]  }
0x10a: {  	[tilespmem:s26+$0x3870] =	vst v3;
	v3 =	vmul.f32 $2.262741660e+01, v8;
	v8 =	vld [tilespmem:s26+$0x3C60]  }
0x10b: {  	[tilespmem:s26+$0x3C00] =	vst v4;
	v4 =	vmul.f32 $2.262741660e+01, v9;
	v9 =	vld [tilespmem:s26+$0x3C70]  }
0x10c: {  	v10 =	vld [tilespmem:s24+$0x4060];
	[tilespmem:s26+$0x3C10] =	vst v3;
	v3 =	vmul.f32 $2.262741660e+01, v5  }
0x10d: {  	v5 =	vld [tilespmem:s26+$0x4000];
	[tilespmem:s26+$0x3C20] =	vst v4;
	v4 =	vmul.f32 $2.262741660e+01, v7  }
0x10e: {  	v7 =	vld [tilespmem:s26+$0x4010];
	[tilespmem:s26+$0x3C30] =	vst v3;
	v3 =	vmul.f32 $2.262741660e+01, v6  }
0x10f: {  	v6 =	vld [tilespmem:s26+$0x4020];
	[tilespmem:s26+$0x3C40] =	vst v4;
	v4 =	vmul.f32 $2.262741660e+01, v8  }
0x110: {  	v8 =	vld [tilespmem:s26+$0x4030];
	[tilespmem:s26+$0x3C50] =	vst v3;
	v3 =	vmul.f32 $2.262741660e+01, v9  }
0x111: {  	v9 =	vmul.f32 $2.262741660e+01, v10;
	v10 =	vld [tilespmem:s26+$0x4040];
	[tilespmem:s26+$0x3C60] =	vst v4  }
0x112: {  	v4 =	vld [tilespmem:s26+$0x4050];
	[tilespmem:s26+$0x3C70] =	vst v3;
	v3 =	vmul.f32 $2.262741660e+01, v5  }
0x113: {  	v5 =	vmul.f32 $2.262741660e+01, v7;
	v7 =	vld [tilespmem:s26+$0x4060];
	[tilespmem:s24+$0x4060] =	vst v9  }
0x114: {  	v6 =	vmul.f32 $2.262741660e+01, v6;
	[tilespmem:s26+$0x4000] =	vst v3  }
0x115: {  	v3 =	vmul.f32 $2.262741660e+01, v8;
	[tilespmem:s26+$0x4010] =	vst v5  }
0x116: {  	v5 =	vmul.f32 $2.262741660e+01, v10;
	[tilespmem:s26+$0x4020] =	vst v6  }
0x117: {  	v4 =	vmul.f32 $2.262741660e+01, v4;
	[tilespmem:s26+$0x4030] =	vst v3  }
0x118: {  	v3 =	vmul.f32 $2.262741660e+01, v7;
	[tilespmem:s26+$0x4040] =	vst v5  }
0x119: {  	s25 =	sshll.u32 s23, $0x12;
	[tilespmem:s26+$0x4050] =	vst v4  }
0x11a: {  	s2 =	simm.s32 $0x0;
	[tilespmem:s26+$0x4060] =	vst v3;
	s26 =	sadd.s32 s25, s6  }
0x11b: {  	[hbm4b:s26+s2] =	stream.linear.scatter [tilespmem:s12], [sflag:$0x3], $0x8000, $0x38;
	[tilespmem:$0x13400] =	vst v63  }
0x11c: {  	_ =	swait.ge [sflag:s20], $0x8000  }
0x11d: {  	s24 =	sshll.u32 s23, $0x8;
	[sflag:s20] =	ssyncset.done $0x0  }
0x11e: {  	s24 =	sand.u32 $0x3FFFFF00, s24;
	[sflag:s20] =	ssyncadd.s32 $0xFFFF8000  }
0x11f: {  	v3 =	vld [tilespmem:s24+$0x100];
	_ =	sdelay $0x4  }
0x120: {  	v4 =	vshll.u32 v3, $0x2  }
0x121: {  	v3 =	vand.u32 $0x7, v3;
	v4 =	vand.u32 $0xFFFFFFE0, v4  }
0x122: {  	v3 =	vor.u32 v3, v4  }
0x123: {  	v4 =	vperm.xlane v3, v0;
	_ =	sdelay $0x1  }
0x124: {  	v4 =	vadd.s32 v1, v4;
	_ =	sdelay $0x1  }
0x125: {  	v3 =	vperm.xlane v3, v2;
	_ =	sdelay $0x1  }
0x126: {  	v3 =	vadd.s32 v1, v3  }
0x127: {  	[tilespmem:s12], [sflag:$0x1] =	stream.indirect_vreg.gather [hbm4b:s1+s2], $0x80, v4, vm0, $0xb8;
	[tilespmem:$0x13400] =	vst v63  }
0x128: {  	s26 =	simm.s32 $0x3C00  }
0x129: {  	[tilespmem:s26], [sflag:$0x1] =	stream.indirect_vreg.gather [hbm4b:s5+s2], $0x80, v4, vm0, $0xb8;
	[tilespmem:$0x13400] =	vst v63  }
0x12a: {  	s26 =	simm.s32 $0x4400  }
0x12b: {  	[tilespmem:s26], [sflag:$0x1] =	stream.indirect_vreg.gather [hbm4b:s1+s2], $0x80, v3, vm0, $0xb8;
	[tilespmem:$0x13400] =	vst v63  }
0x12c: {  	s26 =	simm.s32 $0x4C00  }
0x12d: {  	[tilespmem:s26], [sflag:$0x1] =	stream.indirect_vreg.gather [hbm4b:s5+s2], $0x80, v3, vm0, $0xb8;
	[tilespmem:$0x13400] =	vst v63  }
0x12e: {  	v3 =	vld [tilespmem:s24+$0x110];
	_ =	sdelay $0x4  }
0x12f: {  	v4 =	vshll.u32 v3, $0x2  }
0x130: {  	v3 =	vand.u32 $0x7, v3;
	v4 =	vand.u32 $0xFFFFFFE0, v4  }
0x131: {  	v3 =	vor.u32 v3, v4  }
0x132: {  	v4 =	vperm.xlane v3, v0;
	_ =	sdelay $0x1  }
0x133: {  	v4 =	vadd.s32 v1, v4;
	_ =	sdelay $0x1  }
0x134: {  	v3 =	vperm.xlane v3, v2;
	_ =	sdelay $0x1  }
0x135: {  	s26 =	simm.s32 $0x5400;
	v3 =	vadd.s32 v1, v3  }
0x136: {  	[tilespmem:s26], [sflag:$0x1] =	stream.indirect_vreg.gather [hbm4b:s1+s2], $0x80, v4, vm0, $0xb8;
	[tilespmem:$0x13400] =	vst v63  }
0x137: {  	s26 =	simm.s32 $0x5C00  }
0x138: {  	[tilespmem:s26], [sflag:$0x1] =	stream.indirect_vreg.gather [hbm4b:s5+s2], $0x80, v4, vm0, $0xb8;
	[tilespmem:$0x13400] =	vst v63  }
0x139: {  	s26 =	simm.s32 $0x6400  }
0x13a: {  	[tilespmem:s26], [sflag:$0x1] =	stream.indirect_vreg.gather [hbm4b:s1+s2], $0x80, v3, vm0, $0xb8;
	[tilespmem:$0x13400] =	vst v63  }
0x13b: {  	s26 =	simm.s32 $0x6C00  }
0x13c: {  	[tilespmem:s26], [sflag:$0x1] =	stream.indirect_vreg.gather [hbm4b:s5+s2], $0x80, v3, vm0, $0xb8;
	[tilespmem:$0x13400] =	vst v63  }
0x13d: {  	v3 =	vld [tilespmem:s24+$0x120];
	_ =	sdelay $0x4  }
0x13e: {  	v4 =	vshll.u32 v3, $0x2  }
0x13f: {  	v3 =	vand.u32 $0x7, v3;
	v4 =	vand.u32 $0xFFFFFFE0, v4  }
0x140: {  	v3 =	vor.u32 v3, v4  }
0x141: {  	v4 =	vperm.xlane v3, v0;
	_ =	sdelay $0x1  }
0x142: {  	v4 =	vadd.s32 v1, v4;
	_ =	sdelay $0x1  }
0x143: {  	v3 =	vperm.xlane v3, v2;
	_ =	sdelay $0x1  }
0x144: {  	s26 =	simm.s32 $0x7400;
	v3 =	vadd.s32 v1, v3  }
0x145: {  	[tilespmem:s26], [sflag:$0x1] =	stream.indirect_vreg.gather [hbm4b:s1+s2], $0x80, v4, vm0, $0xb8;
	[tilespmem:$0x13400] =	vst v63  }
0x146: {  	s26 =	simm.s32 $0x7C00  }
0x147: {  	[tilespmem:s26], [sflag:$0x1] =	stream.indirect_vreg.gather [hbm4b:s5+s2], $0x80, v4, vm0, $0xb8;
	[tilespmem:$0x13400] =	vst v63  }
0x148: {  	s26 =	simm.s32 $0x8400  }
0x149: {  	[tilespmem:s26], [sflag:$0x1] =	stream.indirect_vreg.gather [hbm4b:s1+s2], $0x80, v3, vm0, $0xb8;
	[tilespmem:$0x13400] =	vst v63  }
0x14a: {  	s26 =	simm.s32 $0x8C00  }
0x14b: {  	[tilespmem:s26], [sflag:$0x1] =	stream.indirect_vreg.gather [hbm4b:s5+s2], $0x80, v3, vm0, $0xb8;
	[tilespmem:$0x13400] =	vst v63  }
0x14c: {  	v3 =	vld [tilespmem:s24+$0x130];
	_ =	sdelay $0x4  }
0x14d: {  	v4 =	vshll.u32 v3, $0x2  }
0x14e: {  	v3 =	vand.u32 $0x7, v3;
	v4 =	vand.u32 $0xFFFFFFE0, v4  }
0x14f: {  	v3 =	vor.u32 v3, v4  }
0x150: {  	v4 =	vperm.xlane v3, v0;
	_ =	sdelay $0x1  }
0x151: {  	v4 =	vadd.s32 v1, v4;
	_ =	sdelay $0x1  }
0x152: {  	v3 =	vperm.xlane v3, v2;
	_ =	sdelay $0x1  }
0x153: {  	s26 =	simm.s32 $0x9400;
	v3 =	vadd.s32 v1, v3  }
0x154: {  	[tilespmem:s26], [sflag:$0x1] =	stream.indirect_vreg.gather [hbm4b:s1+s2], $0x80, v4, vm0, $0xb8;
	[tilespmem:$0x13400] =	vst v63  }
0x155: {  	s26 =	simm.s32 $0x9C00  }
0x156: {  	[tilespmem:s26], [sflag:$0x1] =	stream.indirect_vreg.gather [hbm4b:s5+s2], $0x80, v4, vm0, $0xb8;
	[tilespmem:$0x13400] =	vst v63  }
0x157: {  	s26 =	simm.s32 $0xA400  }
0x158: {  	[tilespmem:s26], [sflag:$0x1] =	stream.indirect_vreg.gather [hbm4b:s1+s2], $0x80, v3, vm0, $0xb8;
	[tilespmem:$0x13400] =	vst v63  }
0x159: {  	s26 =	simm.s32 $0xAC00  }
0x15a: {  	[tilespmem:s26], [sflag:$0x1] =	stream.indirect_vreg.gather [hbm4b:s5+s2], $0x80, v3, vm0, $0xb8;
	[tilespmem:$0x13400] =	vst v63  }
0x15b: {  	_ =	swait.ge [sflag:s21], $0x8000  }
0x15c: {  	s26 =	sand.u32 $0x7000, s2;
	s2 =	sand.u32 $0x380, s2;
	[sflag:s21] =	ssyncset.done $0x0  }
0x15d: {  	s26 =	sor.u32 s2, s26;
	[sflag:s21] =	ssyncadd.s32 $0xFFFF8000  }
0x15e: {  	v3 =	vld [tilespmem:s26+$0xC070]  }
0x15f: {  	s0 =	simm.s32 $0x200;
	s2 =	simm.s32 $0x80;
	v4 =	vld [tilespmem:s26+$0xB400]  }
0x160: {  	s0 =	sand.u32 $0x7000, s0;
	s2 =	sand.u32 $0x380, s2;
	v5 =	vld [tilespmem:s26+$0xB410]  }
0x161: {  	s28 =	sor.u32 s2, s0;
	v10 =	vld [tilespmem:s26+$0xB460]  }
0x162: {  	v13 =	vld [tilespmem:s28+$0xB420]  }
0x163: {  	v14 =	vld [tilespmem:s28+$0xB430]  }
0x164: {  	v15 =	vld [tilespmem:s28+$0xB440];
	v3 =	vmul.f32 $2.262741660e+01, v3  }
0x165: {  	v16 =	vld [tilespmem:s28+$0xB450];
	v4 =	vmul.f32 $2.262741660e+01, v4  }
0x166: {  	v51 =	vld [tilespmem:s26+$0xBC00];
	v10 =	vmul.f32 $2.262741660e+01, v10;
	[tilespmem:s26+$0xC070] =	vst v3  }
0x167: {  	v53 =	vld [tilespmem:s26+$0xBC10];
	v48 =	vmul.f32 $2.262741660e+01, v13;
	[tilespmem:s26+$0xB400] =	vst v4  }
0x168: {  	v55 =	vld [tilespmem:s26+$0xBC20];
	v50 =	vmul.f32 $2.262741660e+01, v14;
	[tilespmem:s26+$0xB460] =	vst v10  }
0x169: {  	v6 =	vld [tilespmem:s26+$0xB420];
	v52 =	vmul.f32 $2.262741660e+01, v15;
	[tilespmem:s28+$0xB420] =	vst v48  }
0x16a: {  	v7 =	vld [tilespmem:s26+$0xB430];
	v54 =	vmul.f32 $2.262741660e+01, v16;
	[tilespmem:s28+$0xB430] =	vst v50  }
0x16b: {  	v8 =	vld [tilespmem:s26+$0xB440];
	v13 =	vmul.f32 $2.262741660e+01, v51;
	[tilespmem:s28+$0xB440] =	vst v52  }
0x16c: {  	v9 =	vld [tilespmem:s26+$0xB450];
	v14 =	vmul.f32 $2.262741660e+01, v53;
	[tilespmem:s28+$0xB450] =	vst v54  }
0x16d: {  	v11 =	vld [tilespmem:s28+$0xB400];
	v15 =	vmul.f32 $2.262741660e+01, v55;
	[tilespmem:s26+$0xBC00] =	vst v13  }
0x16e: {  	v12 =	vld [tilespmem:s28+$0xB410];
	v3 =	vmul.f32 $2.262741660e+01, v5;
	[tilespmem:s26+$0xBC10] =	vst v14  }
0x16f: {  	v49 =	vld [tilespmem:s26+$0xB870];
	v5 =	vmul.f32 $2.262741660e+01, v6;
	[tilespmem:s26+$0xBC20] =	vst v15  }
0x170: {  	v56 =	vld [tilespmem:s28+$0xB870];
	v6 =	vmul.f32 $2.262741660e+01, v7;
	[tilespmem:s26+$0xB410] =	vst v3  }
0x171: {  	v7 =	vmul.f32 $2.262741660e+01, v8;
	v8 =	vmul.f32 $2.262741660e+01, v9;
	v9 =	vld [tilespmem:s28+$0xC070];
	[tilespmem:s26+$0xB420] =	vst v5  }
0x172: {  	v4 =	vld [tilespmem:s26+$0xB470];
	v10 =	vmul.f32 $2.262741660e+01, v11;
	[tilespmem:s26+$0xB430] =	vst v6  }
0x173: {  	v11 =	vld [tilespmem:s28+$0xB460];
	[tilespmem:s26+$0xB440] =	vst v7  }
0x174: {  	v3 =	vld [tilespmem:s26+$0xB800];
	[tilespmem:s28+$0xB400] =	vst v10;
	v10 =	vmul.f32 $2.262741660e+01, v12  }
0x175: {  	v5 =	vld [tilespmem:s26+$0xB810];
	[tilespmem:s26+$0xB450] =	vst v8;
	v12 =	vmul.f32 $2.262741660e+01, v49  }
0x176: {  	v6 =	vld [tilespmem:s26+$0xB820];
	[tilespmem:s28+$0xB410] =	vst v10;
	v9 =	vmul.f32 $2.262741660e+01, v9  }
0x177: {  	v7 =	vld [tilespmem:s26+$0xB830];
	[tilespmem:s26+$0xB870] =	vst v12;
	v4 =	vmul.f32 $2.262741660e+01, v4  }
0x178: {  	v8 =	vld [tilespmem:s26+$0xB840];
	v11 =	vmul.f32 $2.262741660e+01, v11;
	[tilespmem:s28+$0xC070] =	vst v9  }
0x179: {  	v10 =	vld [tilespmem:s26+$0xB860];
	v3 =	vmul.f32 $2.262741660e+01, v3;
	[tilespmem:s26+$0xB470] =	vst v4  }
0x17a: {  	v9 =	vld [tilespmem:s26+$0xB850];
	v5 =	vmul.f32 $2.262741660e+01, v5;
	[tilespmem:s28+$0xB460] =	vst v11  }
0x17b: {  	v4 =	vld [tilespmem:s28+$0xB470];
	v6 =	vmul.f32 $2.262741660e+01, v6;
	[tilespmem:s26+$0xB800] =	vst v3  }
0x17c: {  	v7 =	vmul.f32 $2.262741660e+01, v7;
	v11 =	vld [tilespmem:s26+$0xBC30];
	[tilespmem:s26+$0xB810] =	vst v5  }
0x17d: {  	v8 =	vmul.f32 $2.262741660e+01, v8;
	v3 =	vld [tilespmem:s28+$0xB800];
	[tilespmem:s26+$0xB820] =	vst v6  }
0x17e: {  	v5 =	vld [tilespmem:s28+$0xB810];
	[tilespmem:s26+$0xB830] =	vst v7;
	v10 =	vmul.f32 $2.262741660e+01, v10  }
0x17f: {  	v6 =	vld [tilespmem:s28+$0xB820];
	[tilespmem:s26+$0xB840] =	vst v8;
	v9 =	vmul.f32 $2.262741660e+01, v9  }
0x180: {  	v7 =	vld [tilespmem:s28+$0xB830];
	[tilespmem:s26+$0xB860] =	vst v10;
	v4 =	vmul.f32 $2.262741660e+01, v4  }
0x181: {  	v8 =	vld [tilespmem:s28+$0xB840];
	v11 =	vmul.f32 $2.262741660e+01, v11;
	[tilespmem:s26+$0xB850] =	vst v9  }
0x182: {  	v10 =	vld [tilespmem:s28+$0xB860];
	[tilespmem:s28+$0xB470] =	vst v4;
	v3 =	vmul.f32 $2.262741660e+01, v3  }
0x183: {  	v9 =	vld [tilespmem:s28+$0xB850];
	v5 =	vmul.f32 $2.262741660e+01, v5;
	[tilespmem:s26+$0xBC30] =	vst v11  }
0x184: {  	v4 =	vld [tilespmem:s26+$0xBC40];
	v6 =	vmul.f32 $2.262741660e+01, v6;
	[tilespmem:s28+$0xB800] =	vst v3  }
0x185: {  	v7 =	vmul.f32 $2.262741660e+01, v7;
	v3 =	vld [tilespmem:s26+$0xBC50];
	[tilespmem:s28+$0xB810] =	vst v5  }
0x186: {  	v57 =	vld [tilespmem:s28+$0xBC00];
	v8 =	vmul.f32 $2.262741660e+01, v8;
	[tilespmem:s28+$0xB820] =	vst v6  }
0x187: {  	v5 =	vld [tilespmem:s26+$0xBC60];
	[tilespmem:s28+$0xB830] =	vst v7;
	v10 =	vmul.f32 $2.262741660e+01, v10  }
0x188: {  	v6 =	vld [tilespmem:s26+$0xBC70];
	[tilespmem:s28+$0xB840] =	vst v8;
	v9 =	vmul.f32 $2.262741660e+01, v9  }
0x189: {  	v58 =	vld [tilespmem:s28+$0xBC10];
	[tilespmem:s28+$0xB860] =	vst v10;
	v4 =	vmul.f32 $2.262741660e+01, v4  }
0x18a: {  	v7 =	vld [tilespmem:s26+$0xC000];
	[tilespmem:s28+$0xB850] =	vst v9;
	v3 =	vmul.f32 $2.262741660e+01, v3  }
0x18b: {  	v59 =	vld [tilespmem:s28+$0xBC20];
	[tilespmem:s26+$0xBC40] =	vst v4;
	v4 =	vmul.f32 $2.262741660e+01, v56  }
0x18c: {  	v8 =	vld [tilespmem:s26+$0xC010];
	v5 =	vmul.f32 $2.262741660e+01, v5;
	[tilespmem:s26+$0xBC50] =	vst v3  }
0x18d: {  	v60 =	vld [tilespmem:s28+$0xBC40];
	v6 =	vmul.f32 $2.262741660e+01, v6;
	[tilespmem:s28+$0xB870] =	vst v4  }
0x18e: {  	v11 =	vld [tilespmem:s28+$0xBC30];
	v4 =	vmul.f32 $2.262741660e+01, v57;
	[tilespmem:s26+$0xBC60] =	vst v5  }
0x18f: {  	v17 =	vld [tilespmem:s26+$0xC050];
	[tilespmem:s26+$0xBC70] =	vst v6;
	v5 =	vmul.f32 $2.262741660e+01, v7  }
0x190: {  	v9 =	vld [tilespmem:s26+$0xC020];
	v6 =	vmul.f32 $2.262741660e+01, v59;
	[tilespmem:s28+$0xBC00] =	vst v4  }
0x191: {  	v10 =	vld [tilespmem:s26+$0xC030];
	v7 =	vmul.f32 $2.262741660e+01, v8;
	[tilespmem:s26+$0xC000] =	vst v5  }
0x192: {  	v61 =	vld [tilespmem:s26+$0xC040];
	v4 =	vmul.f32 $2.262741660e+01, v58;
	[tilespmem:s28+$0xBC20] =	vst v6  }
0x193: {  	v3 =	vld [tilespmem:s28+$0xBC50];
	v6 =	vmul.f32 $2.262741660e+01, v11;
	[tilespmem:s26+$0xC010] =	vst v7  }
0x194: {  	v62 =	vld [tilespmem:s28+$0xBC60];
	v11 =	vmul.f32 $2.262741660e+01, v17;
	[tilespmem:s28+$0xBC10] =	vst v4  }
0x195: {  	v63 =	vld [tilespmem:s28+$0xBC70];
	v8 =	vmul.f32 $2.262741660e+01, v9;
	[tilespmem:s28+$0xBC30] =	vst v6  }
0x196: {  	v18 =	vld [tilespmem:s26+$0xC060];
	v9 =	vmul.f32 $2.262741660e+01, v10;
	[tilespmem:s26+$0xC050] =	vst v11  }
0x197: {  	v5 =	vld [tilespmem:s28+$0xC010];
	v6 =	vmul.f32 $2.262741660e+01, v60;
	[tilespmem:s26+$0xC020] =	vst v8  }
0x198: {  	v4 =	vld [tilespmem:s28+$0xC000];
	v3 =	vmul.f32 $2.262741660e+01, v3;
	[tilespmem:s26+$0xC030] =	vst v9  }
0x199: {  	v7 =	vld [tilespmem:s28+$0xC020];
	v8 =	vmul.f32 $2.262741660e+01, v61;
	[tilespmem:s28+$0xBC40] =	vst v6  }
0x19a: {  	v9 =	vmul.f32 $2.262741660e+01, v62;
	v6 =	vld [tilespmem:s28+$0xC030];
	[tilespmem:s28+$0xBC50] =	vst v3  }
0x19b: {  	s30 =	simm.s32 $0x100;
	s31 =	simm.s32 $0x600;
	s2 =	simm.s32 $0x400;
	v10 =	vmul.f32 $2.262741660e+01, v63;
	[tilespmem:s26+$0xC040] =	vst v8;
	v8 =	vld [tilespmem:s28+$0xC040]  }
0x19c: {  	s0 =	sand.u32 $0x380, s30;
	s2 =	sand.u32 $0x7000, s2;
	v3 =	vmul.f32 $2.262741660e+01, v18;
	[tilespmem:s28+$0xBC60] =	vst v9;
	v9 =	vld [tilespmem:s28+$0xC050]  }
.LBB2_5:
0x19d: {  	p0 =	sne.s32 s31, $0x7E00;
	s0 =	sor.u32 s0, s2;
	[tilespmem:s28+$0xBC70] =	vst v10;
	v4 =	vmul.f32 $2.262741660e+01, v4;
	v5 =	vmul.f32 $2.262741660e+01, v5;
	v10 =	vld [tilespmem:s28+$0xC060]  }
0x19e: {  	v11 =	vld [tilespmem:s0+$0xC070];
	v7 =	vmul.f32 $2.262741660e+01, v7;
	[tilespmem:s26+$0xC060] =	vst v3;
	s26 =	smov.u32 s28;
	s28 =	smov.u32 s0  }
0x19f: {  	v12 =	vld [tilespmem:s28+$0xB400];
	[tilespmem:s26+$0xC000] =	vst v4;
	v3 =	vmul.f32 $2.262741660e+01, v6  }
0x1a0: {  	v4 =	vld [tilespmem:s28+$0xB410];
	[tilespmem:s26+$0xC010] =	vst v5;
	v5 =	vmul.f32 $2.262741660e+01, v8  }
0x1a1: {  	v6 =	vld [tilespmem:s28+$0xB420];
	[tilespmem:s26+$0xC020] =	vst v7;
	v7 =	vmul.f32 $2.262741660e+01, v9  }
0x1a2: {  	v8 =	vld [tilespmem:s28+$0xB430];
	[tilespmem:s26+$0xC030] =	vst v3;
	v3 =	vmul.f32 $2.262741660e+01, v10  }
0x1a3: {  	v9 =	vld [tilespmem:s28+$0xB440];
	v10 =	vmul.f32 $2.262741660e+01, v11;
	[tilespmem:s26+$0xC040] =	vst v5  }
0x1a4: {  	v5 =	vmul.f32 $2.262741660e+01, v12;
	v11 =	vld [tilespmem:s28+$0xB450];
	[tilespmem:s26+$0xC050] =	vst v7  }
0x1a5: {  	v4 =	vmul.f32 $2.262741660e+01, v4;
	v7 =	vld [tilespmem:s28+$0xB460];
	[tilespmem:s28+$0xC070] =	vst v10  }
0x1a6: {  	[tilespmem:s28+$0xB400] =	vst v5;
	v5 =	vmul.f32 $2.262741660e+01, v6;
	v6 =	vld [tilespmem:s28+$0xB470]  }
0x1a7: {  	[tilespmem:s28+$0xB410] =	vst v4;
	v4 =	vmul.f32 $2.262741660e+01, v8;
	v8 =	vld [tilespmem:s28+$0xB800]  }
0x1a8: {  	[tilespmem:s28+$0xB420] =	vst v5;
	v5 =	vmul.f32 $2.262741660e+01, v9;
	v9 =	vld [tilespmem:s28+$0xB810]  }
0x1a9: {  	[tilespmem:s28+$0xB430] =	vst v4;
	v4 =	vmul.f32 $2.262741660e+01, v11;
	v10 =	vld [tilespmem:s28+$0xB820]  }
0x1aa: {  	[tilespmem:s28+$0xB440] =	vst v5;
	v5 =	vmul.f32 $2.262741660e+01, v7;
	v7 =	vld [tilespmem:s28+$0xB830]  }
0x1ab: {  	[tilespmem:s28+$0xB450] =	vst v4;
	v4 =	vmul.f32 $2.262741660e+01, v6;
	v6 =	vld [tilespmem:s28+$0xB840]  }
0x1ac: {  	[tilespmem:s28+$0xB460] =	vst v5;
	v5 =	vmul.f32 $2.262741660e+01, v8;
	v8 =	vld [tilespmem:s28+$0xB850]  }
0x1ad: {  	[tilespmem:s28+$0xB470] =	vst v4;
	v4 =	vmul.f32 $2.262741660e+01, v9;
	v9 =	vld [tilespmem:s28+$0xB860]  }
0x1ae: {  	[tilespmem:s28+$0xB800] =	vst v5;
	v5 =	vmul.f32 $2.262741660e+01, v10;
	v10 =	vld [tilespmem:s28+$0xB870]  }
0x1af: {  	[tilespmem:s28+$0xB810] =	vst v4;
	v4 =	vmul.f32 $2.262741660e+01, v7;
	v7 =	vld [tilespmem:s28+$0xBC00]  }
0x1b0: {  	[tilespmem:s28+$0xB820] =	vst v5;
	v5 =	vmul.f32 $2.262741660e+01, v6;
	v6 =	vld [tilespmem:s28+$0xBC10]  }
0x1b1: {  	[tilespmem:s28+$0xB830] =	vst v4;
	v4 =	vmul.f32 $2.262741660e+01, v8;
	v8 =	vld [tilespmem:s28+$0xBC20]  }
0x1b2: {  	[tilespmem:s28+$0xB840] =	vst v5;
	v5 =	vmul.f32 $2.262741660e+01, v9;
	v9 =	vld [tilespmem:s28+$0xBC30]  }
0x1b3: {  	[tilespmem:s28+$0xB850] =	vst v4;
	v4 =	vmul.f32 $2.262741660e+01, v10;
	v10 =	vld [tilespmem:s28+$0xBC40]  }
0x1b4: {  	[tilespmem:s28+$0xB860] =	vst v5;
	v5 =	vmul.f32 $2.262741660e+01, v7;
	v7 =	vld [tilespmem:s28+$0xBC50]  }
0x1b5: {  	[tilespmem:s28+$0xB870] =	vst v4;
	v4 =	vmul.f32 $2.262741660e+01, v6;
	v6 =	vld [tilespmem:s28+$0xBC60]  }
0x1b6: {  	[tilespmem:s28+$0xBC00] =	vst v5;
	v5 =	vmul.f32 $2.262741660e+01, v8;
	v8 =	vld [tilespmem:s28+$0xBC70]  }
0x1b7: {  	[tilespmem:s28+$0xBC10] =	vst v4;
	v9 =	vmul.f32 $2.262741660e+01, v9;
	v4 =	vld [tilespmem:s28+$0xC000]  }
.Ltmp1:
0x1b8: {  	[tilespmem:s28+$0xBC20] =	vst v5;
	v10 =	vmul.f32 $2.262741660e+01, v10;
	v5 =	vld [tilespmem:s28+$0xC010];
	(pc) =	sbr.rel @p0 .LBB2_5-.Ltmp1, $4  }
0x1b9: {  	[tilespmem:s28+$0xBC30] =	vst v9;
	v9 =	vmul.f32 $2.262741660e+01, v7;
	v7 =	vld [tilespmem:s28+$0xC020]  }
0x1ba: {  	[tilespmem:s28+$0xBC40] =	vst v10;
	v11 =	vmul.f32 $2.262741660e+01, v6;
	v6 =	vld [tilespmem:s28+$0xC030]  }
0x1bb: {  	s30 =	sadd.s32 $0x80, s30;
	[tilespmem:s28+$0xBC50] =	vst v9;
	v10 =	vmul.f32 $2.262741660e+01, v8;
	v8 =	vld [tilespmem:s28+$0xC040]  }
0x1bc: {  	s2 =	sand.u32 $0x7000, s31;
	s31 =	sadd.s32 $0x200, s31;
	s0 =	sand.u32 $0x380, s30;
	[tilespmem:s28+$0xBC60] =	vst v11;
	v9 =	vld [tilespmem:s28+$0xC050]  }
0x1bd: {  	[tilespmem:s28+$0xBC70] =	vst v10;
	v4 =	vmul.f32 $2.262741660e+01, v4  }
0x1be: {  	s30 =	sor.u32 s0, s2;
	[tilespmem:s26+$0xC060] =	vst v3;
	v3 =	vmul.f32 $2.262741660e+01, v5;
	v17 =	vld [tilespmem:s28+$0xC060]  }
0x1bf: {  	v18 =	vld [tilespmem:s30+$0xC070];
	v7 =	vmul.f32 $2.262741660e+01, v7;
	[tilespmem:s28+$0xC000] =	vst v4  }
0x1c0: {  	v19 =	vld [tilespmem:s30+$0xB400];
	v6 =	vmul.f32 $2.262741660e+01, v6;
	[tilespmem:s28+$0xC010] =	vst v3  }
0x1c1: {  	v20 =	vld [tilespmem:s30+$0xB420];
	v8 =	vmul.f32 $2.262741660e+01, v8;
	[tilespmem:s28+$0xC020] =	vst v7  }
0x1c2: {  	v22 =	vld [tilespmem:s30+$0xB440];
	v9 =	vmul.f32 $2.262741660e+01, v9;
	[tilespmem:s28+$0xC030] =	vst v6  }
0x1c3: {  	v24 =	vld [tilespmem:s30+$0xB460];
	v5 =	vmul.f32 $2.262741660e+01, v17;
	[tilespmem:s28+$0xC040] =	vst v8  }
0x1c4: {  	v3 =	vld [tilespmem:s30+$0xB410];
	v10 =	vmul.f32 $2.262741660e+01, v18;
	[tilespmem:s28+$0xC050] =	vst v9  }
0x1c5: {  	v27 =	vld [tilespmem:s30+$0xB800];
	v4 =	vmul.f32 $2.262741660e+01, v19;
	[tilespmem:s28+$0xC060] =	vst v5  }
0x1c6: {  	v21 =	vld [tilespmem:s30+$0xB430];
	v25 =	vmul.f32 $2.262741660e+01, v20;
	[tilespmem:s30+$0xC070] =	vst v10  }
0x1c7: {  	v30 =	vld [tilespmem:s30+$0xB820];
	v28 =	vmul.f32 $2.262741660e+01, v22;
	[tilespmem:s30+$0xB400] =	vst v4  }
0x1c8: {  	v23 =	vld [tilespmem:s30+$0xB450];
	v31 =	vmul.f32 $2.262741660e+01, v24;
	[tilespmem:s30+$0xB420] =	vst v25  }
0x1c9: {  	v33 =	vld [tilespmem:s30+$0xB840];
	v3 =	vmul.f32 $2.262741660e+01, v3;
	[tilespmem:s30+$0xB440] =	vst v28  }
0x1ca: {  	v26 =	vld [tilespmem:s30+$0xB470];
	v34 =	vmul.f32 $2.262741660e+01, v27;
	[tilespmem:s30+$0xB460] =	vst v31  }
0x1cb: {  	v36 =	vld [tilespmem:s30+$0xB860];
	[tilespmem:s30+$0xB410] =	vst v3;
	v3 =	vmul.f32 $2.262741660e+01, v21  }
0x1cc: {  	v29 =	vld [tilespmem:s30+$0xB810];
	v37 =	vmul.f32 $2.262741660e+01, v30;
	[tilespmem:s30+$0xB800] =	vst v34  }
0x1cd: {  	v39 =	vld [tilespmem:s30+$0xBC00];
	[tilespmem:s30+$0xB430] =	vst v3;
	v3 =	vmul.f32 $2.262741660e+01, v23  }
0x1ce: {  	v32 =	vld [tilespmem:s30+$0xB830];
	v40 =	vmul.f32 $2.262741660e+01, v33;
	[tilespmem:s30+$0xB820] =	vst v37  }
0x1cf: {  	v42 =	vld [tilespmem:s30+$0xBC20];
	[tilespmem:s30+$0xB450] =	vst v3;
	v3 =	vmul.f32 $2.262741660e+01, v26  }
0x1d0: {  	v35 =	vld [tilespmem:s30+$0xB850];
	v43 =	vmul.f32 $2.262741660e+01, v36;
	[tilespmem:s30+$0xB840] =	vst v40  }
0x1d1: {  	v45 =	vld [tilespmem:s30+$0xBC40];
	[tilespmem:s30+$0xB470] =	vst v3;
	v3 =	vmul.f32 $2.262741660e+01, v29  }
0x1d2: {  	v38 =	vld [tilespmem:s30+$0xB870];
	v46 =	vmul.f32 $2.262741660e+01, v39;
	[tilespmem:s30+$0xB860] =	vst v43  }
0x1d3: {  	v48 =	vld [tilespmem:s30+$0xBC60];
	[tilespmem:s30+$0xB810] =	vst v3;
	v3 =	vmul.f32 $2.262741660e+01, v32  }
0x1d4: {  	v41 =	vld [tilespmem:s30+$0xBC10];
	v49 =	vmul.f32 $2.262741660e+01, v42;
	[tilespmem:s30+$0xBC00] =	vst v46  }
0x1d5: {  	v51 =	vld [tilespmem:s30+$0xC000];
	[tilespmem:s30+$0xB830] =	vst v3;
	v3 =	vmul.f32 $2.262741660e+01, v35  }
0x1d6: {  	v44 =	vld [tilespmem:s30+$0xBC30];
	v52 =	vmul.f32 $2.262741660e+01, v45;
	[tilespmem:s30+$0xBC20] =	vst v49  }
0x1d7: {  	v54 =	vld [tilespmem:s30+$0xC020];
	[tilespmem:s30+$0xB850] =	vst v3;
	v3 =	vmul.f32 $2.262741660e+01, v38  }
0x1d8: {  	v47 =	vld [tilespmem:s30+$0xBC50];
	v55 =	vmul.f32 $2.262741660e+01, v48;
	[tilespmem:s30+$0xBC40] =	vst v52  }
0x1d9: {  	v56 =	vld [tilespmem:s30+$0xC030];
	[tilespmem:s30+$0xB870] =	vst v3;
	v3 =	vmul.f32 $2.262741660e+01, v41  }
0x1da: {  	v50 =	vld [tilespmem:s30+$0xBC70];
	v8 =	vmul.f32 $2.262741660e+01, v51;
	[tilespmem:s30+$0xBC60] =	vst v55  }
0x1db: {  	v59 =	vld [tilespmem:s30+$0xC060];
	[tilespmem:s30+$0xBC10] =	vst v3;
	v3 =	vmul.f32 $2.262741660e+01, v44  }
0x1dc: {  	v53 =	vld [tilespmem:s30+$0xC010];
	v9 =	vmul.f32 $2.262741660e+01, v54;
	[tilespmem:s30+$0xC000] =	vst v8  }
0x1dd: {  	v58 =	vld [tilespmem:s30+$0xC050];
	[tilespmem:s30+$0xBC30] =	vst v3;
	v3 =	vmul.f32 $2.262741660e+01, v47  }
0x1de: {  	v57 =	vld [tilespmem:s30+$0xC040];
	v7 =	vmul.f32 $2.262741660e+01, v56;
	[tilespmem:s30+$0xC020] =	vst v9  }
0x1df: {  	[tilespmem:s30+$0xBC50] =	vst v3;
	v3 =	vmul.f32 $2.262741660e+01, v50  }
0x1e0: {  	v5 =	vmul.f32 $2.262741660e+01, v59;
	[tilespmem:s30+$0xC030] =	vst v7  }
0x1e1: {  	[tilespmem:s30+$0xBC70] =	vst v3;
	v3 =	vmul.f32 $2.262741660e+01, v53  }
0x1e2: {  	v4 =	vmul.f32 $2.262741660e+01, v58;
	[tilespmem:s30+$0xC060] =	vst v5  }
0x1e3: {  	[tilespmem:s30+$0xC010] =	vst v3;
	v3 =	vmul.f32 $2.262741660e+01, v57  }
0x1e4: {  	[tilespmem:s30+$0xC050] =	vst v4  }
0x1e5: {  	s25 =	sadd.s32 s25, s7;
	[tilespmem:s30+$0xC040] =	vst v3  }
0x1e6: {  	[hbm4b:s25+s3] =	stream.linear.scatter [tilespmem:s29], [sflag:$0x4], $0x8000, $0x38;
	[tilespmem:$0x13400] =	vst v63  }
0x1e7: {  	_ =	swait.ge [sflag:s22], $0x8000  }
0x1e8: {  	[sflag:s22] =	ssyncset.done $0x0  }
0x1e9: {  	[sflag:s22] =	ssyncadd.s32 $0xFFFF8000  }
0x1ea: {  	v3 =	vld [tilespmem:s24+$0x180];
	_ =	sdelay $0x4  }
0x1eb: {  	v60 =	vshll.u32 v3, $0x2  }
0x1ec: {  	v3 =	vand.u32 $0x7, v3;
	v4 =	vand.u32 $0xFFFFFFE0, v60  }
0x1ed: {  	v3 =	vor.u32 v3, v4  }
0x1ee: {  	v4 =	vperm.xlane v3, v0;
	_ =	sdelay $0x1  }
0x1ef: {  	v4 =	vadd.s32 v1, v4;
	_ =	sdelay $0x1  }
0x1f0: {  	v3 =	vperm.xlane v3, v2;
	_ =	sdelay $0x1  }
0x1f1: {  	v3 =	vadd.s32 v1, v3  }
0x1f2: {  	[tilespmem:s29], [sflag:$0x2] =	stream.indirect_vreg.gather [hbm4b:s1+s3], $0x80, v4, vm0, $0xb8;
	[tilespmem:$0x13400] =	vst v63  }
0x1f3: {  	s26 =	simm.s32 $0xBC00  }
0x1f4: {  	[tilespmem:s26], [sflag:$0x2] =	stream.indirect_vreg.gather [hbm4b:s5+s3], $0x80, v4, vm0, $0xb8;
	[tilespmem:$0x13400] =	vst v63  }
0x1f5: {  	s28 =	simm.s32 $0xC400  }
0x1f6: {  	[tilespmem:s28], [sflag:$0x2] =	stream.indirect_vreg.gather [hbm4b:s1+s3], $0x80, v3, vm0, $0xb8;
	[tilespmem:$0x13400] =	vst v63  }
0x1f7: {  	s30 =	simm.s32 $0xCC00  }
0x1f8: {  	[tilespmem:s30], [sflag:$0x2] =	stream.indirect_vreg.gather [hbm4b:s5+s3], $0x80, v3, vm0, $0xb8;
	[tilespmem:$0x13400] =	vst v63  }
0x1f9: {  	v3 =	vld [tilespmem:s24+$0x190];
	_ =	sdelay $0x4  }
0x1fa: {  	v61 =	vshll.u32 v3, $0x2  }
0x1fb: {  	v3 =	vand.u32 $0x7, v3;
	v4 =	vand.u32 $0xFFFFFFE0, v61  }
0x1fc: {  	v3 =	vor.u32 v3, v4  }
0x1fd: {  	v4 =	vperm.xlane v3, v0;
	_ =	sdelay $0x1  }
0x1fe: {  	v4 =	vadd.s32 v1, v4;
	_ =	sdelay $0x1  }
0x1ff: {  	v3 =	vperm.xlane v3, v2;
	_ =	sdelay $0x1  }
0x200: {  	s31 =	simm.s32 $0xD400;
	v3 =	vadd.s32 v1, v3  }
0x201: {  	[tilespmem:s31], [sflag:$0x2] =	stream.indirect_vreg.gather [hbm4b:s1+s3], $0x80, v4, vm0, $0xb8;
	[tilespmem:$0x13400] =	vst v63  }
0x202: {  	_ = 	snop  }
0x203: {  	[tilespmem:s4], [sflag:$0x2] =	stream.indirect_vreg.gather [hbm4b:s5+s3], $0x80, v4, vm0, $0xb8;
	[tilespmem:$0x13400] =	vst v63  }
0x204: {  	_ = 	snop  }
0x205: {  	[tilespmem:s8], [sflag:$0x2] =	stream.indirect_vreg.gather [hbm4b:s1+s3], $0x80, v3, vm0, $0xb8;
	[tilespmem:$0x13400] =	vst v63  }
0x206: {  	_ = 	snop  }
0x207: {  	[tilespmem:s9], [sflag:$0x2] =	stream.indirect_vreg.gather [hbm4b:s5+s3], $0x80, v3, vm0, $0xb8;
	[tilespmem:$0x13400] =	vst v63  }
0x208: {  	v3 =	vld [tilespmem:s24+$0x1A0];
	_ =	sdelay $0x4  }
0x209: {  	v62 =	vshll.u32 v3, $0x2  }
0x20a: {  	v3 =	vand.u32 $0x7, v3;
	v4 =	vand.u32 $0xFFFFFFE0, v62  }
0x20b: {  	v3 =	vor.u32 v3, v4  }
0x20c: {  	v4 =	vperm.xlane v3, v0;
	_ =	sdelay $0x1  }
0x20d: {  	v4 =	vadd.s32 v1, v4;
	_ =	sdelay $0x1  }
0x20e: {  	v3 =	vperm.xlane v3, v2;
	_ =	sdelay $0x1  }
0x20f: {  	v3 =	vadd.s32 v1, v3  }
0x210: {  	[tilespmem:s10], [sflag:$0x2] =	stream.indirect_vreg.gather [hbm4b:s1+s3], $0x80, v4, vm0, $0xb8;
	[tilespmem:$0x13400] =	vst v63  }
0x211: {  	_ = 	snop  }
0x212: {  	[tilespmem:s11], [sflag:$0x2] =	stream.indirect_vreg.gather [hbm4b:s5+s3], $0x80, v4, vm0, $0xb8;
	[tilespmem:$0x13400] =	vst v63  }
0x213: {  	_ = 	snop  }
0x214: {  	[tilespmem:s13], [sflag:$0x2] =	stream.indirect_vreg.gather [hbm4b:s1+s3], $0x80, v3, vm0, $0xb8;
	[tilespmem:$0x13400] =	vst v63  }
0x215: {  	_ = 	snop  }
0x216: {  	[tilespmem:s14], [sflag:$0x2] =	stream.indirect_vreg.gather [hbm4b:s5+s3], $0x80, v3, vm0, $0xb8;
	[tilespmem:$0x13400] =	vst v63  }
0x217: {  	v3 =	vld [tilespmem:s24+$0x1B0];
	_ =	sdelay $0x4  }
0x218: {  	v63 =	vshll.u32 v3, $0x2  }
0x219: {  	v3 =	vand.u32 $0x7, v3;
	v4 =	vand.u32 $0xFFFFFFE0, v63  }
0x21a: {  	v3 =	vor.u32 v3, v4  }
0x21b: {  	v4 =	vperm.xlane v3, v0;
	_ =	sdelay $0x1  }
0x21c: {  	v4 =	vadd.s32 v1, v4;
	_ =	sdelay $0x2  }
0x21d: {  	v3 =	vperm.xlane v3, v2  }
0x21e: {  	s23 =	sadd.s32 $0x1, s23  }
0x21f: {  	v3 =	vadd.s32 v1, v3;
	[tilespmem:s15], [sflag:$0x2] =	stream.indirect_vreg.gather [hbm4b:s1+s3], $0x80, v4, vm0, $0xb8;
	[tilespmem:$0x13400] =	vst v63  }
0x220: {  	p0 =	sne.s32 s23, $0x31  }
0x221: {  	[tilespmem:s16], [sflag:$0x2] =	stream.indirect_vreg.gather [hbm4b:s5+s3], $0x80, v4, vm0, $0xb8;
	[tilespmem:$0x13400] =	vst v63  }
.Ltmp2:
0x222: {  	_ = 	snop;
	(pc) =	sbr.rel @p0 .LBB2_2-.Ltmp2, $4  }
0x223: {  	_ = 	snop  }
0x224: {  	[tilespmem:s17], [sflag:$0x2] =	stream.indirect_vreg.gather [hbm4b:s1+s3], $0x80, v3, vm0, $0xb8;
	[tilespmem:$0x13400] =	vst v63  }
0x225: {  	_ = 	snop  }
0x226: {  	[tilespmem:s18], [sflag:$0x2] =	stream.indirect_vreg.gather [hbm4b:s5+s3], $0x80, v3, vm0, $0xb8;
	[tilespmem:$0x13400] =	vst v63  }
0x227: {  	_ =	swait.ge [sflag:s19], $0x8000;
	s0 =	simm.s32 $0x0  }
0x228: {  	[sflag:s19] =	ssyncset.done $0x0;
	s2 =	sand.u32 $0x7000, s0;
	s0 =	sand.u32 $0x380, s0  }
0x229: {  	[sflag:s19] =	ssyncadd.s32 $0xFFFF8000;
	s24 =	sor.u32 s0, s2  }
0x22a: {  	v3 =	vld [tilespmem:s24+$0x4070]  }
0x22b: {  	s28 =	simm.s32 $0x200;
	s30 =	simm.s32 $0x80;
	v4 =	vld [tilespmem:s24+$0x3400]  }
0x22c: {  	s0 =	sand.u32 $0x7000, s28;
	s2 =	sand.u32 $0x380, s30;
	v5 =	vld [tilespmem:s24+$0x3410]  }
0x22d: {  	v10 =	vld [tilespmem:s24+$0x3460];
	s23 =	sor.u32 s2, s0  }
0x22e: {  	v13 =	vld [tilespmem:s23+$0x3420]  }
0x22f: {  	v14 =	vld [tilespmem:s23+$0x3430]  }
0x230: {  	v15 =	vld [tilespmem:s23+$0x3440];
	v3 =	vmul.f32 $2.262741660e+01, v3  }
0x231: {  	v16 =	vld [tilespmem:s23+$0x3450];
	v4 =	vmul.f32 $2.262741660e+01, v4  }
0x232: {  	v51 =	vld [tilespmem:s24+$0x3C00];
	v10 =	vmul.f32 $2.262741660e+01, v10;
	[tilespmem:s24+$0x4070] =	vst v3  }
0x233: {  	v53 =	vld [tilespmem:s24+$0x3C10];
	v48 =	vmul.f32 $2.262741660e+01, v13;
	[tilespmem:s24+$0x3400] =	vst v4  }
0x234: {  	v55 =	vld [tilespmem:s24+$0x3C20];
	v50 =	vmul.f32 $2.262741660e+01, v14;
	[tilespmem:s24+$0x3460] =	vst v10  }
0x235: {  	v6 =	vld [tilespmem:s24+$0x3420];
	v52 =	vmul.f32 $2.262741660e+01, v15;
	[tilespmem:s23+$0x3420] =	vst v48  }
0x236: {  	v7 =	vld [tilespmem:s24+$0x3430];
	v54 =	vmul.f32 $2.262741660e+01, v16;
	[tilespmem:s23+$0x3430] =	vst v50  }
0x237: {  	v8 =	vld [tilespmem:s24+$0x3440];
	v13 =	vmul.f32 $2.262741660e+01, v51;
	[tilespmem:s23+$0x3440] =	vst v52  }
0x238: {  	v9 =	vld [tilespmem:s24+$0x3450];
	v14 =	vmul.f32 $2.262741660e+01, v53;
	[tilespmem:s23+$0x3450] =	vst v54  }
0x239: {  	v11 =	vld [tilespmem:s23+$0x3400];
	v15 =	vmul.f32 $2.262741660e+01, v55;
	[tilespmem:s24+$0x3C00] =	vst v13  }
0x23a: {  	v49 =	vld [tilespmem:s24+$0x3870];
	v3 =	vmul.f32 $2.262741660e+01, v5;
	[tilespmem:s24+$0x3C10] =	vst v14  }
0x23b: {  	v12 =	vld [tilespmem:s23+$0x3410];
	v5 =	vmul.f32 $2.262741660e+01, v6;
	[tilespmem:s24+$0x3C20] =	vst v15  }
0x23c: {  	v61 =	vld [tilespmem:s24+$0x4040];
	v6 =	vmul.f32 $2.262741660e+01, v7;
	[tilespmem:s24+$0x3410] =	vst v3  }
0x23d: {  	v7 =	vmul.f32 $2.262741660e+01, v8;
	v8 =	vmul.f32 $2.262741660e+01, v9;
	v9 =	vld [tilespmem:s23+$0x4070];
	[tilespmem:s24+$0x3420] =	vst v5  }
0x23e: {  	v4 =	vld [tilespmem:s24+$0x3470];
	v10 =	vmul.f32 $2.262741660e+01, v11;
	[tilespmem:s24+$0x3430] =	vst v6  }
0x23f: {  	v11 =	vld [tilespmem:s23+$0x3460];
	[tilespmem:s24+$0x3440] =	vst v7  }
0x240: {  	v3 =	vld [tilespmem:s24+$0x3800];
	[tilespmem:s23+$0x3400] =	vst v10;
	v10 =	vmul.f32 $2.262741660e+01, v12  }
0x241: {  	v5 =	vld [tilespmem:s24+$0x3810];
	[tilespmem:s24+$0x3450] =	vst v8;
	v12 =	vmul.f32 $2.262741660e+01, v49  }
0x242: {  	v6 =	vld [tilespmem:s24+$0x3820];
	[tilespmem:s23+$0x3410] =	vst v10;
	v9 =	vmul.f32 $2.262741660e+01, v9  }
0x243: {  	v7 =	vld [tilespmem:s24+$0x3830];
	[tilespmem:s24+$0x3870] =	vst v12;
	v4 =	vmul.f32 $2.262741660e+01, v4  }
0x244: {  	v8 =	vld [tilespmem:s24+$0x3840];
	v11 =	vmul.f32 $2.262741660e+01, v11;
	[tilespmem:s23+$0x4070] =	vst v9  }
0x245: {  	v10 =	vld [tilespmem:s24+$0x3860];
	v3 =	vmul.f32 $2.262741660e+01, v3;
	[tilespmem:s24+$0x3470] =	vst v4  }
0x246: {  	v9 =	vld [tilespmem:s24+$0x3850];
	v5 =	vmul.f32 $2.262741660e+01, v5;
	[tilespmem:s23+$0x3460] =	vst v11  }
0x247: {  	v4 =	vld [tilespmem:s23+$0x3470];
	v6 =	vmul.f32 $2.262741660e+01, v6;
	[tilespmem:s24+$0x3800] =	vst v3  }
0x248: {  	v7 =	vmul.f32 $2.262741660e+01, v7;
	v11 =	vld [tilespmem:s24+$0x3C30];
	[tilespmem:s24+$0x3810] =	vst v5  }
0x249: {  	v8 =	vmul.f32 $2.262741660e+01, v8;
	v3 =	vld [tilespmem:s23+$0x3800];
	[tilespmem:s24+$0x3820] =	vst v6  }
0x24a: {  	v5 =	vld [tilespmem:s23+$0x3810];
	[tilespmem:s24+$0x3830] =	vst v7;
	v10 =	vmul.f32 $2.262741660e+01, v10  }
0x24b: {  	v6 =	vld [tilespmem:s23+$0x3820];
	[tilespmem:s24+$0x3840] =	vst v8;
	v9 =	vmul.f32 $2.262741660e+01, v9  }
0x24c: {  	v7 =	vld [tilespmem:s23+$0x3830];
	[tilespmem:s24+$0x3860] =	vst v10;
	v4 =	vmul.f32 $2.262741660e+01, v4  }
0x24d: {  	v8 =	vld [tilespmem:s23+$0x3840];
	v11 =	vmul.f32 $2.262741660e+01, v11;
	[tilespmem:s24+$0x3850] =	vst v9  }
0x24e: {  	v10 =	vld [tilespmem:s23+$0x3860];
	[tilespmem:s23+$0x3470] =	vst v4;
	v3 =	vmul.f32 $2.262741660e+01, v3  }
0x24f: {  	v9 =	vld [tilespmem:s23+$0x3850];
	v5 =	vmul.f32 $2.262741660e+01, v5;
	[tilespmem:s24+$0x3C30] =	vst v11  }
0x250: {  	v4 =	vld [tilespmem:s24+$0x3C40];
	v6 =	vmul.f32 $2.262741660e+01, v6;
	[tilespmem:s23+$0x3800] =	vst v3  }
0x251: {  	v7 =	vmul.f32 $2.262741660e+01, v7;
	v3 =	vld [tilespmem:s24+$0x3C50];
	[tilespmem:s23+$0x3810] =	vst v5  }
0x252: {  	v56 =	vld [tilespmem:s23+$0x3870];
	v8 =	vmul.f32 $2.262741660e+01, v8;
	[tilespmem:s23+$0x3820] =	vst v6  }
0x253: {  	v5 =	vld [tilespmem:s24+$0x3C60];
	[tilespmem:s23+$0x3830] =	vst v7;
	v10 =	vmul.f32 $2.262741660e+01, v10  }
0x254: {  	v6 =	vld [tilespmem:s24+$0x3C70];
	[tilespmem:s23+$0x3840] =	vst v8;
	v9 =	vmul.f32 $2.262741660e+01, v9  }
0x255: {  	v57 =	vld [tilespmem:s23+$0x3C00];
	[tilespmem:s23+$0x3860] =	vst v10;
	v4 =	vmul.f32 $2.262741660e+01, v4  }
0x256: {  	v7 =	vld [tilespmem:s24+$0x4000];
	[tilespmem:s23+$0x3850] =	vst v9;
	v3 =	vmul.f32 $2.262741660e+01, v3  }
0x257: {  	v59 =	vld [tilespmem:s23+$0x3C20];
	[tilespmem:s24+$0x3C40] =	vst v4;
	v4 =	vmul.f32 $2.262741660e+01, v56  }
0x258: {  	v8 =	vld [tilespmem:s24+$0x4010];
	v5 =	vmul.f32 $2.262741660e+01, v5;
	[tilespmem:s24+$0x3C50] =	vst v3  }
0x259: {  	v58 =	vld [tilespmem:s23+$0x3C10];
	v6 =	vmul.f32 $2.262741660e+01, v6;
	[tilespmem:s23+$0x3870] =	vst v4  }
0x25a: {  	v11 =	vld [tilespmem:s23+$0x3C30];
	v4 =	vmul.f32 $2.262741660e+01, v57;
	[tilespmem:s24+$0x3C60] =	vst v5  }
0x25b: {  	v17 =	vld [tilespmem:s24+$0x4050];
	[tilespmem:s24+$0x3C70] =	vst v6;
	v5 =	vmul.f32 $2.262741660e+01, v7  }
0x25c: {  	v9 =	vld [tilespmem:s24+$0x4020];
	v6 =	vmul.f32 $2.262741660e+01, v59;
	[tilespmem:s23+$0x3C00] =	vst v4  }
0x25d: {  	v10 =	vld [tilespmem:s24+$0x4030];
	v7 =	vmul.f32 $2.262741660e+01, v8;
	[tilespmem:s24+$0x4000] =	vst v5  }
0x25e: {  	v60 =	vld [tilespmem:s23+$0x3C40];
	v4 =	vmul.f32 $2.262741660e+01, v58;
	[tilespmem:s23+$0x3C20] =	vst v6  }
0x25f: {  	v3 =	vld [tilespmem:s23+$0x3C50];
	v6 =	vmul.f32 $2.262741660e+01, v11;
	[tilespmem:s24+$0x4010] =	vst v7  }
0x260: {  	v18 =	vld [tilespmem:s24+$0x4060];
	v11 =	vmul.f32 $2.262741660e+01, v17;
	[tilespmem:s23+$0x3C10] =	vst v4  }
0x261: {  	v62 =	vld [tilespmem:s23+$0x3C60];
	v8 =	vmul.f32 $2.262741660e+01, v9;
	[tilespmem:s23+$0x3C30] =	vst v6  }
0x262: {  	v63 =	vld [tilespmem:s23+$0x3C70];
	v9 =	vmul.f32 $2.262741660e+01, v10;
	[tilespmem:s24+$0x4050] =	vst v11  }
0x263: {  	v5 =	vld [tilespmem:s23+$0x4010];
	v6 =	vmul.f32 $2.262741660e+01, v60;
	[tilespmem:s24+$0x4020] =	vst v8  }
0x264: {  	v4 =	vld [tilespmem:s23+$0x4000];
	v3 =	vmul.f32 $2.262741660e+01, v3;
	[tilespmem:s24+$0x4030] =	vst v9  }
0x265: {  	v7 =	vld [tilespmem:s23+$0x4020];
	v8 =	vmul.f32 $2.262741660e+01, v61;
	[tilespmem:s23+$0x3C40] =	vst v6  }
0x266: {  	v9 =	vmul.f32 $2.262741660e+01, v62;
	v6 =	vld [tilespmem:s23+$0x4030];
	[tilespmem:s23+$0x3C50] =	vst v3  }
0x267: {  	s31 =	simm.s32 $0x400;
	s25 =	simm.s32 $0x100;
	s26 =	simm.s32 $0x600;
	v10 =	vmul.f32 $2.262741660e+01, v63;
	[tilespmem:s24+$0x4040] =	vst v8;
	v8 =	vld [tilespmem:s23+$0x4040]  }
0x268: {  	s2 =	sand.u32 $0x7000, s31;
	s0 =	sand.u32 $0x380, s25;
	v3 =	vmul.f32 $2.262741660e+01, v18;
	[tilespmem:s23+$0x3C60] =	vst v9;
	v9 =	vld [tilespmem:s23+$0x4050]  }
.LBB2_8:
0x269: {  	p0 =	sne.s32 s26, $0x7E00;
	s0 =	sor.u32 s0, s2;
	[tilespmem:s23+$0x3C70] =	vst v10;
	v4 =	vmul.f32 $2.262741660e+01, v4;
	v5 =	vmul.f32 $2.262741660e+01, v5;
	v10 =	vld [tilespmem:s23+$0x4060]  }
0x26a: {  	v11 =	vld [tilespmem:s0+$0x4070];
	v7 =	vmul.f32 $2.262741660e+01, v7;
	[tilespmem:s24+$0x4060] =	vst v3;
	s24 =	smov.u32 s23;
	s23 =	smov.u32 s0  }
0x26b: {  	v12 =	vld [tilespmem:s23+$0x3400];
	[tilespmem:s24+$0x4000] =	vst v4;
	v3 =	vmul.f32 $2.262741660e+01, v6  }
0x26c: {  	v4 =	vld [tilespmem:s23+$0x3410];
	[tilespmem:s24+$0x4010] =	vst v5;
	v5 =	vmul.f32 $2.262741660e+01, v8  }
0x26d: {  	v6 =	vld [tilespmem:s23+$0x3420];
	[tilespmem:s24+$0x4020] =	vst v7;
	v7 =	vmul.f32 $2.262741660e+01, v9  }
0x26e: {  	v8 =	vld [tilespmem:s23+$0x3430];
	[tilespmem:s24+$0x4030] =	vst v3;
	v3 =	vmul.f32 $2.262741660e+01, v10  }
0x26f: {  	v9 =	vld [tilespmem:s23+$0x3440];
	v10 =	vmul.f32 $2.262741660e+01, v11;
	[tilespmem:s24+$0x4040] =	vst v5  }
0x270: {  	v5 =	vmul.f32 $2.262741660e+01, v12;
	v11 =	vld [tilespmem:s23+$0x3450];
	[tilespmem:s24+$0x4050] =	vst v7  }
0x271: {  	v4 =	vmul.f32 $2.262741660e+01, v4;
	v7 =	vld [tilespmem:s23+$0x3460];
	[tilespmem:s23+$0x4070] =	vst v10  }
0x272: {  	[tilespmem:s23+$0x3400] =	vst v5;
	v5 =	vmul.f32 $2.262741660e+01, v6;
	v6 =	vld [tilespmem:s23+$0x3470]  }
0x273: {  	[tilespmem:s23+$0x3410] =	vst v4;
	v4 =	vmul.f32 $2.262741660e+01, v8;
	v8 =	vld [tilespmem:s23+$0x3800]  }
0x274: {  	[tilespmem:s23+$0x3420] =	vst v5;
	v5 =	vmul.f32 $2.262741660e+01, v9;
	v9 =	vld [tilespmem:s23+$0x3810]  }
0x275: {  	[tilespmem:s23+$0x3430] =	vst v4;
	v4 =	vmul.f32 $2.262741660e+01, v11;
	v10 =	vld [tilespmem:s23+$0x3820]  }
0x276: {  	[tilespmem:s23+$0x3440] =	vst v5;
	v5 =	vmul.f32 $2.262741660e+01, v7;
	v7 =	vld [tilespmem:s23+$0x3830]  }
0x277: {  	[tilespmem:s23+$0x3450] =	vst v4;
	v4 =	vmul.f32 $2.262741660e+01, v6;
	v6 =	vld [tilespmem:s23+$0x3840]  }
0x278: {  	[tilespmem:s23+$0x3460] =	vst v5;
	v5 =	vmul.f32 $2.262741660e+01, v8;
	v8 =	vld [tilespmem:s23+$0x3850]  }
0x279: {  	[tilespmem:s23+$0x3470] =	vst v4;
	v4 =	vmul.f32 $2.262741660e+01, v9;
	v9 =	vld [tilespmem:s23+$0x3860]  }
0x27a: {  	[tilespmem:s23+$0x3800] =	vst v5;
	v5 =	vmul.f32 $2.262741660e+01, v10;
	v10 =	vld [tilespmem:s23+$0x3870]  }
0x27b: {  	[tilespmem:s23+$0x3810] =	vst v4;
	v4 =	vmul.f32 $2.262741660e+01, v7;
	v7 =	vld [tilespmem:s23+$0x3C00]  }
0x27c: {  	[tilespmem:s23+$0x3820] =	vst v5;
	v5 =	vmul.f32 $2.262741660e+01, v6;
	v6 =	vld [tilespmem:s23+$0x3C10]  }
0x27d: {  	[tilespmem:s23+$0x3830] =	vst v4;
	v4 =	vmul.f32 $2.262741660e+01, v8;
	v8 =	vld [tilespmem:s23+$0x3C20]  }
0x27e: {  	[tilespmem:s23+$0x3840] =	vst v5;
	v5 =	vmul.f32 $2.262741660e+01, v9;
	v9 =	vld [tilespmem:s23+$0x3C30]  }
0x27f: {  	[tilespmem:s23+$0x3850] =	vst v4;
	v4 =	vmul.f32 $2.262741660e+01, v10;
	v10 =	vld [tilespmem:s23+$0x3C40]  }
0x280: {  	[tilespmem:s23+$0x3860] =	vst v5;
	v5 =	vmul.f32 $2.262741660e+01, v7;
	v7 =	vld [tilespmem:s23+$0x3C50]  }
0x281: {  	[tilespmem:s23+$0x3870] =	vst v4;
	v4 =	vmul.f32 $2.262741660e+01, v6;
	v6 =	vld [tilespmem:s23+$0x3C60]  }
0x282: {  	[tilespmem:s23+$0x3C00] =	vst v5;
	v5 =	vmul.f32 $2.262741660e+01, v8;
	v8 =	vld [tilespmem:s23+$0x3C70]  }
0x283: {  	[tilespmem:s23+$0x3C10] =	vst v4;
	v9 =	vmul.f32 $2.262741660e+01, v9;
	v4 =	vld [tilespmem:s23+$0x4000]  }
.Ltmp3:
0x284: {  	[tilespmem:s23+$0x3C20] =	vst v5;
	v10 =	vmul.f32 $2.262741660e+01, v10;
	v5 =	vld [tilespmem:s23+$0x4010];
	(pc) =	sbr.rel @p0 .LBB2_8-.Ltmp3, $4  }
0x285: {  	[tilespmem:s23+$0x3C30] =	vst v9;
	v9 =	vmul.f32 $2.262741660e+01, v7;
	v7 =	vld [tilespmem:s23+$0x4020]  }
0x286: {  	[tilespmem:s23+$0x3C40] =	vst v10;
	v11 =	vmul.f32 $2.262741660e+01, v6;
	v6 =	vld [tilespmem:s23+$0x4030]  }
0x287: {  	s25 =	sadd.s32 $0x80, s25;
	[tilespmem:s23+$0x3C50] =	vst v9;
	v10 =	vmul.f32 $2.262741660e+01, v8;
	v8 =	vld [tilespmem:s23+$0x4040]  }
0x288: {  	s2 =	sand.u32 $0x7000, s26;
	s26 =	sadd.s32 $0x200, s26;
	s0 =	sand.u32 $0x380, s25;
	[tilespmem:s23+$0x3C60] =	vst v11;
	v9 =	vld [tilespmem:s23+$0x4050]  }
0x289: {  	[tilespmem:s23+$0x3C70] =	vst v10;
	s25 =	sor.u32 s0, s2;
	v4 =	vmul.f32 $2.262741660e+01, v4  }
0x28a: {  	v5 =	vmul.f32 $2.262741660e+01, v5;
	[tilespmem:s24+$0x4060] =	vst v3;
	v11 =	vld [tilespmem:s25+$0x4070]  }
0x28b: {  	v3 =	vmul.f32 $2.262741660e+01, v7;
	v7 =	vld [tilespmem:s25+$0x3400];
	[tilespmem:s23+$0x4000] =	vst v4  }
0x28c: {  	v4 =	vmul.f32 $2.262741660e+01, v6;
	v6 =	vld [tilespmem:s25+$0x3410];
	[tilespmem:s23+$0x4010] =	vst v5  }
0x28d: {  	v5 =	vmul.f32 $2.262741660e+01, v8;
	v8 =	vld [tilespmem:s25+$0x3420];
	[tilespmem:s23+$0x4020] =	vst v3  }
0x28e: {  	v3 =	vmul.f32 $2.262741660e+01, v9;
	v9 =	vld [tilespmem:s25+$0x3430];
	[tilespmem:s23+$0x4030] =	vst v4  }
0x28f: {  	v4 =	vld [tilespmem:s25+$0x3440];
	[tilespmem:s23+$0x4040] =	vst v5;
	v11 =	vmul.f32 $2.262741660e+01, v11  }
0x290: {  	v5 =	vmul.f32 $2.262741660e+01, v7;
	v7 =	vld [tilespmem:s25+$0x3450];
	[tilespmem:s23+$0x4050] =	vst v3  }
0x291: {  	v3 =	vmul.f32 $2.262741660e+01, v6;
	v6 =	vld [tilespmem:s25+$0x3460];
	[tilespmem:s25+$0x4070] =	vst v11  }
0x292: {  	[tilespmem:s25+$0x3400] =	vst v5;
	v5 =	vmul.f32 $2.262741660e+01, v8;
	v8 =	vld [tilespmem:s25+$0x3470]  }
0x293: {  	[tilespmem:s25+$0x3410] =	vst v3;
	v3 =	vmul.f32 $2.262741660e+01, v9;
	v9 =	vld [tilespmem:s25+$0x3800]  }
0x294: {  	v4 =	vmul.f32 $2.262741660e+01, v4;
	[tilespmem:s25+$0x3420] =	vst v5;
	v5 =	vld [tilespmem:s25+$0x3810]  }
0x295: {  	[tilespmem:s25+$0x3430] =	vst v3;
	v3 =	vmul.f32 $2.262741660e+01, v7;
	v7 =	vld [tilespmem:s25+$0x3820]  }
0x296: {  	[tilespmem:s25+$0x3440] =	vst v4;
	v4 =	vmul.f32 $2.262741660e+01, v6;
	v6 =	vld [tilespmem:s25+$0x3830]  }
0x297: {  	[tilespmem:s25+$0x3450] =	vst v3;
	v3 =	vmul.f32 $2.262741660e+01, v8;
	v8 =	vld [tilespmem:s25+$0x3840]  }
0x298: {  	[tilespmem:s25+$0x3460] =	vst v4;
	v4 =	vmul.f32 $2.262741660e+01, v9;
	v9 =	vld [tilespmem:s25+$0x3850]  }
0x299: {  	[tilespmem:s25+$0x3470] =	vst v3;
	v3 =	vmul.f32 $2.262741660e+01, v5;
	v5 =	vld [tilespmem:s25+$0x3860]  }
0x29a: {  	[tilespmem:s25+$0x3800] =	vst v4;
	v4 =	vmul.f32 $2.262741660e+01, v7;
	v7 =	vld [tilespmem:s25+$0x3870]  }
0x29b: {  	[tilespmem:s25+$0x3810] =	vst v3;
	v3 =	vmul.f32 $2.262741660e+01, v6;
	v6 =	vld [tilespmem:s25+$0x3C00]  }
0x29c: {  	[tilespmem:s25+$0x3820] =	vst v4;
	v4 =	vmul.f32 $2.262741660e+01, v8;
	v8 =	vld [tilespmem:s25+$0x3C10]  }
0x29d: {  	[tilespmem:s25+$0x3830] =	vst v3;
	v3 =	vmul.f32 $2.262741660e+01, v9;
	v9 =	vld [tilespmem:s25+$0x3C20]  }
0x29e: {  	[tilespmem:s25+$0x3840] =	vst v4;
	v4 =	vmul.f32 $2.262741660e+01, v5;
	v5 =	vld [tilespmem:s25+$0x3C30]  }
0x29f: {  	[tilespmem:s25+$0x3850] =	vst v3;
	v3 =	vmul.f32 $2.262741660e+01, v7;
	v7 =	vld [tilespmem:s25+$0x3C40]  }
0x2a0: {  	[tilespmem:s25+$0x3860] =	vst v4;
	v4 =	vmul.f32 $2.262741660e+01, v6;
	v6 =	vld [tilespmem:s25+$0x3C50]  }
0x2a1: {  	[tilespmem:s25+$0x3870] =	vst v3;
	v3 =	vmul.f32 $2.262741660e+01, v8;
	v8 =	vld [tilespmem:s25+$0x3C60]  }
0x2a2: {  	[tilespmem:s25+$0x3C00] =	vst v4;
	v4 =	vmul.f32 $2.262741660e+01, v9;
	v9 =	vld [tilespmem:s25+$0x3C70]  }
0x2a3: {  	v10 =	vld [tilespmem:s23+$0x4060];
	[tilespmem:s25+$0x3C10] =	vst v3;
	v3 =	vmul.f32 $2.262741660e+01, v5  }
0x2a4: {  	v5 =	vld [tilespmem:s25+$0x4000];
	[tilespmem:s25+$0x3C20] =	vst v4;
	v4 =	vmul.f32 $2.262741660e+01, v7  }
0x2a5: {  	v7 =	vld [tilespmem:s25+$0x4010];
	[tilespmem:s25+$0x3C30] =	vst v3;
	v3 =	vmul.f32 $2.262741660e+01, v6  }
0x2a6: {  	v6 =	vld [tilespmem:s25+$0x4020];
	[tilespmem:s25+$0x3C40] =	vst v4;
	v4 =	vmul.f32 $2.262741660e+01, v8  }
0x2a7: {  	v8 =	vld [tilespmem:s25+$0x4030];
	[tilespmem:s25+$0x3C50] =	vst v3;
	v3 =	vmul.f32 $2.262741660e+01, v9  }
0x2a8: {  	v9 =	vmul.f32 $2.262741660e+01, v10;
	v10 =	vld [tilespmem:s25+$0x4040];
	[tilespmem:s25+$0x3C60] =	vst v4  }
0x2a9: {  	v4 =	vld [tilespmem:s25+$0x4050];
	[tilespmem:s25+$0x3C70] =	vst v3;
	v3 =	vmul.f32 $2.262741660e+01, v5  }
0x2aa: {  	v5 =	vmul.f32 $2.262741660e+01, v7;
	v7 =	vld [tilespmem:s25+$0x4060];
	[tilespmem:s23+$0x4060] =	vst v9  }
0x2ab: {  	v6 =	vmul.f32 $2.262741660e+01, v6;
	[tilespmem:s25+$0x4000] =	vst v3  }
0x2ac: {  	v3 =	vmul.f32 $2.262741660e+01, v8;
	[tilespmem:s25+$0x4010] =	vst v5  }
0x2ad: {  	v5 =	vmul.f32 $2.262741660e+01, v10;
	[tilespmem:s25+$0x4020] =	vst v6  }
0x2ae: {  	v4 =	vmul.f32 $2.262741660e+01, v4;
	[tilespmem:s25+$0x4030] =	vst v3  }
0x2af: {  	v3 =	vmul.f32 $2.262741660e+01, v7;
	[tilespmem:s25+$0x4040] =	vst v5  }
0x2b0: {  	[tilespmem:s25+$0x4050] =	vst v4  }
0x2b1: {  	[tilespmem:s25+$0x4060] =	vst v3  }
0x2b2: {  	s24 =	simm.s32 $0x0;
	s25 =	rddreg [dreg:$0x5]  }
0x2b3: {  	[hbm4b:s25+s24] =	stream.linear.scatter [tilespmem:s12], [sflag:$0x3], $0x8000, $0x38;
	[tilespmem:$0x13400] =	vst v63  }
0x2b4: {  	_ =	swait.ge [sflag:s21], $0x8000  }
0x2b5: {  	s26 =	sand.u32 $0x7000, s24;
	s0 =	sand.u32 $0x380, s24;
	[sflag:s21] =	ssyncset.done $0x0  }
0x2b6: {  	s24 =	sor.u32 s0, s26;
	[sflag:s21] =	ssyncadd.s32 $0xFFFF8000  }
0x2b7: {  	v3 =	vld [tilespmem:s24+$0xC070]  }
0x2b8: {  	s28 =	simm.s32 $0x200;
	s30 =	simm.s32 $0x80;
	v4 =	vld [tilespmem:s24+$0xB400]  }
0x2b9: {  	s2 =	sand.u32 $0x380, s30;
	s0 =	sand.u32 $0x7000, s28;
	v5 =	vld [tilespmem:s24+$0xB410]  }
0x2ba: {  	s23 =	sor.u32 s2, s0;
	v10 =	vld [tilespmem:s24+$0xB460]  }
0x2bb: {  	v13 =	vld [tilespmem:s23+$0xB420]  }
0x2bc: {  	v14 =	vld [tilespmem:s23+$0xB430]  }
0x2bd: {  	v15 =	vld [tilespmem:s23+$0xB440];
	v3 =	vmul.f32 $2.262741660e+01, v3  }
0x2be: {  	v16 =	vld [tilespmem:s23+$0xB450];
	v4 =	vmul.f32 $2.262741660e+01, v4  }
0x2bf: {  	v51 =	vld [tilespmem:s24+$0xBC00];
	v10 =	vmul.f32 $2.262741660e+01, v10;
	[tilespmem:s24+$0xC070] =	vst v3  }
0x2c0: {  	v53 =	vld [tilespmem:s24+$0xBC10];
	v48 =	vmul.f32 $2.262741660e+01, v13;
	[tilespmem:s24+$0xB400] =	vst v4  }
0x2c1: {  	v55 =	vld [tilespmem:s24+$0xBC20];
	v50 =	vmul.f32 $2.262741660e+01, v14;
	[tilespmem:s24+$0xB460] =	vst v10  }
0x2c2: {  	v6 =	vld [tilespmem:s24+$0xB420];
	v52 =	vmul.f32 $2.262741660e+01, v15;
	[tilespmem:s23+$0xB420] =	vst v48  }
0x2c3: {  	v7 =	vld [tilespmem:s24+$0xB430];
	v54 =	vmul.f32 $2.262741660e+01, v16;
	[tilespmem:s23+$0xB430] =	vst v50  }
0x2c4: {  	v8 =	vld [tilespmem:s24+$0xB440];
	v13 =	vmul.f32 $2.262741660e+01, v51;
	[tilespmem:s23+$0xB440] =	vst v52  }
0x2c5: {  	v9 =	vld [tilespmem:s24+$0xB450];
	v14 =	vmul.f32 $2.262741660e+01, v53;
	[tilespmem:s23+$0xB450] =	vst v54  }
0x2c6: {  	v11 =	vld [tilespmem:s23+$0xB400];
	v15 =	vmul.f32 $2.262741660e+01, v55;
	[tilespmem:s24+$0xBC00] =	vst v13  }
0x2c7: {  	v12 =	vld [tilespmem:s23+$0xB410];
	v3 =	vmul.f32 $2.262741660e+01, v5;
	[tilespmem:s24+$0xBC10] =	vst v14  }
0x2c8: {  	v49 =	vld [tilespmem:s24+$0xB870];
	v5 =	vmul.f32 $2.262741660e+01, v6;
	[tilespmem:s24+$0xBC20] =	vst v15  }
0x2c9: {  	v56 =	vld [tilespmem:s23+$0xB870];
	v6 =	vmul.f32 $2.262741660e+01, v7;
	[tilespmem:s24+$0xB410] =	vst v3  }
0x2ca: {  	v7 =	vmul.f32 $2.262741660e+01, v8;
	v8 =	vmul.f32 $2.262741660e+01, v9;
	v9 =	vld [tilespmem:s23+$0xC070];
	[tilespmem:s24+$0xB420] =	vst v5  }
0x2cb: {  	v4 =	vld [tilespmem:s24+$0xB470];
	v10 =	vmul.f32 $2.262741660e+01, v11;
	[tilespmem:s24+$0xB430] =	vst v6  }
0x2cc: {  	v11 =	vld [tilespmem:s23+$0xB460];
	[tilespmem:s24+$0xB440] =	vst v7  }
0x2cd: {  	v3 =	vld [tilespmem:s24+$0xB800];
	[tilespmem:s23+$0xB400] =	vst v10;
	v10 =	vmul.f32 $2.262741660e+01, v12  }
0x2ce: {  	v5 =	vld [tilespmem:s24+$0xB810];
	[tilespmem:s24+$0xB450] =	vst v8;
	v12 =	vmul.f32 $2.262741660e+01, v49  }
0x2cf: {  	v6 =	vld [tilespmem:s24+$0xB820];
	[tilespmem:s23+$0xB410] =	vst v10;
	v9 =	vmul.f32 $2.262741660e+01, v9  }
0x2d0: {  	v7 =	vld [tilespmem:s24+$0xB830];
	[tilespmem:s24+$0xB870] =	vst v12;
	v4 =	vmul.f32 $2.262741660e+01, v4  }
0x2d1: {  	v8 =	vld [tilespmem:s24+$0xB840];
	v11 =	vmul.f32 $2.262741660e+01, v11;
	[tilespmem:s23+$0xC070] =	vst v9  }
0x2d2: {  	v10 =	vld [tilespmem:s24+$0xB860];
	v3 =	vmul.f32 $2.262741660e+01, v3;
	[tilespmem:s24+$0xB470] =	vst v4  }
0x2d3: {  	v9 =	vld [tilespmem:s24+$0xB850];
	v5 =	vmul.f32 $2.262741660e+01, v5;
	[tilespmem:s23+$0xB460] =	vst v11  }
0x2d4: {  	v4 =	vld [tilespmem:s23+$0xB470];
	v6 =	vmul.f32 $2.262741660e+01, v6;
	[tilespmem:s24+$0xB800] =	vst v3  }
0x2d5: {  	v7 =	vmul.f32 $2.262741660e+01, v7;
	v11 =	vld [tilespmem:s24+$0xBC30];
	[tilespmem:s24+$0xB810] =	vst v5  }
0x2d6: {  	v8 =	vmul.f32 $2.262741660e+01, v8;
	v3 =	vld [tilespmem:s23+$0xB800];
	[tilespmem:s24+$0xB820] =	vst v6  }
0x2d7: {  	v5 =	vld [tilespmem:s23+$0xB810];
	[tilespmem:s24+$0xB830] =	vst v7;
	v10 =	vmul.f32 $2.262741660e+01, v10  }
0x2d8: {  	v6 =	vld [tilespmem:s23+$0xB820];
	[tilespmem:s24+$0xB840] =	vst v8;
	v9 =	vmul.f32 $2.262741660e+01, v9  }
0x2d9: {  	v7 =	vld [tilespmem:s23+$0xB830];
	[tilespmem:s24+$0xB860] =	vst v10;
	v4 =	vmul.f32 $2.262741660e+01, v4  }
0x2da: {  	v8 =	vld [tilespmem:s23+$0xB840];
	v11 =	vmul.f32 $2.262741660e+01, v11;
	[tilespmem:s24+$0xB850] =	vst v9  }
0x2db: {  	v10 =	vld [tilespmem:s23+$0xB860];
	[tilespmem:s23+$0xB470] =	vst v4;
	v3 =	vmul.f32 $2.262741660e+01, v3  }
0x2dc: {  	v9 =	vld [tilespmem:s23+$0xB850];
	v5 =	vmul.f32 $2.262741660e+01, v5;
	[tilespmem:s24+$0xBC30] =	vst v11  }
0x2dd: {  	v4 =	vld [tilespmem:s24+$0xBC40];
	v6 =	vmul.f32 $2.262741660e+01, v6;
	[tilespmem:s23+$0xB800] =	vst v3  }
0x2de: {  	v7 =	vmul.f32 $2.262741660e+01, v7;
	v3 =	vld [tilespmem:s24+$0xBC50];
	[tilespmem:s23+$0xB810] =	vst v5  }
0x2df: {  	v57 =	vld [tilespmem:s23+$0xBC00];
	v8 =	vmul.f32 $2.262741660e+01, v8;
	[tilespmem:s23+$0xB820] =	vst v6  }
0x2e0: {  	v5 =	vld [tilespmem:s24+$0xBC60];
	[tilespmem:s23+$0xB830] =	vst v7;
	v10 =	vmul.f32 $2.262741660e+01, v10  }
0x2e1: {  	v6 =	vld [tilespmem:s24+$0xBC70];
	[tilespmem:s23+$0xB840] =	vst v8;
	v9 =	vmul.f32 $2.262741660e+01, v9  }
0x2e2: {  	v58 =	vld [tilespmem:s23+$0xBC10];
	[tilespmem:s23+$0xB860] =	vst v10;
	v4 =	vmul.f32 $2.262741660e+01, v4  }
0x2e3: {  	v7 =	vld [tilespmem:s24+$0xC000];
	[tilespmem:s23+$0xB850] =	vst v9;
	v3 =	vmul.f32 $2.262741660e+01, v3  }
0x2e4: {  	v59 =	vld [tilespmem:s23+$0xBC20];
	[tilespmem:s24+$0xBC40] =	vst v4;
	v4 =	vmul.f32 $2.262741660e+01, v56  }
0x2e5: {  	v8 =	vld [tilespmem:s24+$0xC010];
	v5 =	vmul.f32 $2.262741660e+01, v5;
	[tilespmem:s24+$0xBC50] =	vst v3  }
0x2e6: {  	v60 =	vld [tilespmem:s23+$0xBC40];
	v6 =	vmul.f32 $2.262741660e+01, v6;
	[tilespmem:s23+$0xB870] =	vst v4  }
0x2e7: {  	v11 =	vld [tilespmem:s23+$0xBC30];
	v4 =	vmul.f32 $2.262741660e+01, v57;
	[tilespmem:s24+$0xBC60] =	vst v5  }
0x2e8: {  	v17 =	vld [tilespmem:s24+$0xC050];
	[tilespmem:s24+$0xBC70] =	vst v6;
	v5 =	vmul.f32 $2.262741660e+01, v7  }
0x2e9: {  	v9 =	vld [tilespmem:s24+$0xC020];
	v6 =	vmul.f32 $2.262741660e+01, v59;
	[tilespmem:s23+$0xBC00] =	vst v4  }
0x2ea: {  	v10 =	vld [tilespmem:s24+$0xC030];
	v7 =	vmul.f32 $2.262741660e+01, v8;
	[tilespmem:s24+$0xC000] =	vst v5  }
0x2eb: {  	v61 =	vld [tilespmem:s24+$0xC040];
	v4 =	vmul.f32 $2.262741660e+01, v58;
	[tilespmem:s23+$0xBC20] =	vst v6  }
0x2ec: {  	v3 =	vld [tilespmem:s23+$0xBC50];
	v6 =	vmul.f32 $2.262741660e+01, v11;
	[tilespmem:s24+$0xC010] =	vst v7  }
0x2ed: {  	v62 =	vld [tilespmem:s23+$0xBC60];
	v11 =	vmul.f32 $2.262741660e+01, v17;
	[tilespmem:s23+$0xBC10] =	vst v4  }
0x2ee: {  	v63 =	vld [tilespmem:s23+$0xBC70];
	v8 =	vmul.f32 $2.262741660e+01, v9;
	[tilespmem:s23+$0xBC30] =	vst v6  }
0x2ef: {  	v18 =	vld [tilespmem:s24+$0xC060];
	v9 =	vmul.f32 $2.262741660e+01, v10;
	[tilespmem:s24+$0xC050] =	vst v11  }
0x2f0: {  	v5 =	vld [tilespmem:s23+$0xC010];
	v6 =	vmul.f32 $2.262741660e+01, v60;
	[tilespmem:s24+$0xC020] =	vst v8  }
0x2f1: {  	v4 =	vld [tilespmem:s23+$0xC000];
	v3 =	vmul.f32 $2.262741660e+01, v3;
	[tilespmem:s24+$0xC030] =	vst v9  }
0x2f2: {  	v7 =	vld [tilespmem:s23+$0xC020];
	v8 =	vmul.f32 $2.262741660e+01, v61;
	[tilespmem:s23+$0xBC40] =	vst v6  }
0x2f3: {  	v9 =	vmul.f32 $2.262741660e+01, v62;
	v6 =	vld [tilespmem:s23+$0xC030];
	[tilespmem:s23+$0xBC50] =	vst v3  }
0x2f4: {  	s31 =	simm.s32 $0x400;
	s25 =	simm.s32 $0x100;
	s26 =	simm.s32 $0x600;
	v10 =	vmul.f32 $2.262741660e+01, v63;
	[tilespmem:s24+$0xC040] =	vst v8;
	v8 =	vld [tilespmem:s23+$0xC040]  }
0x2f5: {  	s2 =	sand.u32 $0x7000, s31;
	s0 =	sand.u32 $0x380, s25;
	v3 =	vmul.f32 $2.262741660e+01, v18;
	[tilespmem:s23+$0xBC60] =	vst v9;
	v9 =	vld [tilespmem:s23+$0xC050]  }
.LBB2_10:
0x2f6: {  	p0 =	sne.s32 s26, $0x7E00;
	s0 =	sor.u32 s0, s2;
	[tilespmem:s23+$0xBC70] =	vst v10;
	v4 =	vmul.f32 $2.262741660e+01, v4;
	v5 =	vmul.f32 $2.262741660e+01, v5;
	v10 =	vld [tilespmem:s23+$0xC060]  }
0x2f7: {  	v11 =	vld [tilespmem:s0+$0xC070];
	v7 =	vmul.f32 $2.262741660e+01, v7;
	[tilespmem:s24+$0xC060] =	vst v3;
	s24 =	smov.u32 s23;
	s23 =	smov.u32 s0  }
0x2f8: {  	v12 =	vld [tilespmem:s23+$0xB400];
	[tilespmem:s24+$0xC000] =	vst v4;
	v3 =	vmul.f32 $2.262741660e+01, v6  }
0x2f9: {  	v4 =	vld [tilespmem:s23+$0xB410];
	[tilespmem:s24+$0xC010] =	vst v5;
	v5 =	vmul.f32 $2.262741660e+01, v8  }
0x2fa: {  	v6 =	vld [tilespmem:s23+$0xB420];
	[tilespmem:s24+$0xC020] =	vst v7;
	v7 =	vmul.f32 $2.262741660e+01, v9  }
0x2fb: {  	v8 =	vld [tilespmem:s23+$0xB430];
	[tilespmem:s24+$0xC030] =	vst v3;
	v3 =	vmul.f32 $2.262741660e+01, v10  }
0x2fc: {  	v9 =	vld [tilespmem:s23+$0xB440];
	v10 =	vmul.f32 $2.262741660e+01, v11;
	[tilespmem:s24+$0xC040] =	vst v5  }
0x2fd: {  	v5 =	vmul.f32 $2.262741660e+01, v12;
	v11 =	vld [tilespmem:s23+$0xB450];
	[tilespmem:s24+$0xC050] =	vst v7  }
0x2fe: {  	v4 =	vmul.f32 $2.262741660e+01, v4;
	v7 =	vld [tilespmem:s23+$0xB460];
	[tilespmem:s23+$0xC070] =	vst v10  }
0x2ff: {  	[tilespmem:s23+$0xB400] =	vst v5;
	v5 =	vmul.f32 $2.262741660e+01, v6;
	v6 =	vld [tilespmem:s23+$0xB470]  }
0x300: {  	[tilespmem:s23+$0xB410] =	vst v4;
	v4 =	vmul.f32 $2.262741660e+01, v8;
	v8 =	vld [tilespmem:s23+$0xB800]  }
0x301: {  	[tilespmem:s23+$0xB420] =	vst v5;
	v5 =	vmul.f32 $2.262741660e+01, v9;
	v9 =	vld [tilespmem:s23+$0xB810]  }
0x302: {  	[tilespmem:s23+$0xB430] =	vst v4;
	v4 =	vmul.f32 $2.262741660e+01, v11;
	v10 =	vld [tilespmem:s23+$0xB820]  }
0x303: {  	[tilespmem:s23+$0xB440] =	vst v5;
	v5 =	vmul.f32 $2.262741660e+01, v7;
	v7 =	vld [tilespmem:s23+$0xB830]  }
0x304: {  	[tilespmem:s23+$0xB450] =	vst v4;
	v4 =	vmul.f32 $2.262741660e+01, v6;
	v6 =	vld [tilespmem:s23+$0xB840]  }
0x305: {  	[tilespmem:s23+$0xB460] =	vst v5;
	v5 =	vmul.f32 $2.262741660e+01, v8;
	v8 =	vld [tilespmem:s23+$0xB850]  }
0x306: {  	[tilespmem:s23+$0xB470] =	vst v4;
	v4 =	vmul.f32 $2.262741660e+01, v9;
	v9 =	vld [tilespmem:s23+$0xB860]  }
0x307: {  	[tilespmem:s23+$0xB800] =	vst v5;
	v5 =	vmul.f32 $2.262741660e+01, v10;
	v10 =	vld [tilespmem:s23+$0xB870]  }
0x308: {  	[tilespmem:s23+$0xB810] =	vst v4;
	v4 =	vmul.f32 $2.262741660e+01, v7;
	v7 =	vld [tilespmem:s23+$0xBC00]  }
0x309: {  	[tilespmem:s23+$0xB820] =	vst v5;
	v5 =	vmul.f32 $2.262741660e+01, v6;
	v6 =	vld [tilespmem:s23+$0xBC10]  }
0x30a: {  	[tilespmem:s23+$0xB830] =	vst v4;
	v4 =	vmul.f32 $2.262741660e+01, v8;
	v8 =	vld [tilespmem:s23+$0xBC20]  }
0x30b: {  	[tilespmem:s23+$0xB840] =	vst v5;
	v5 =	vmul.f32 $2.262741660e+01, v9;
	v9 =	vld [tilespmem:s23+$0xBC30]  }
0x30c: {  	[tilespmem:s23+$0xB850] =	vst v4;
	v4 =	vmul.f32 $2.262741660e+01, v10;
	v10 =	vld [tilespmem:s23+$0xBC40]  }
0x30d: {  	[tilespmem:s23+$0xB860] =	vst v5;
	v5 =	vmul.f32 $2.262741660e+01, v7;
	v7 =	vld [tilespmem:s23+$0xBC50]  }
0x30e: {  	[tilespmem:s23+$0xB870] =	vst v4;
	v4 =	vmul.f32 $2.262741660e+01, v6;
	v6 =	vld [tilespmem:s23+$0xBC60]  }
0x30f: {  	[tilespmem:s23+$0xBC00] =	vst v5;
	v5 =	vmul.f32 $2.262741660e+01, v8;
	v8 =	vld [tilespmem:s23+$0xBC70]  }
0x310: {  	[tilespmem:s23+$0xBC10] =	vst v4;
	v9 =	vmul.f32 $2.262741660e+01, v9;
	v4 =	vld [tilespmem:s23+$0xC000]  }
.Ltmp4:
0x311: {  	[tilespmem:s23+$0xBC20] =	vst v5;
	v10 =	vmul.f32 $2.262741660e+01, v10;
	v5 =	vld [tilespmem:s23+$0xC010];
	(pc) =	sbr.rel @p0 .LBB2_10-.Ltmp4, $4  }
0x312: {  	[tilespmem:s23+$0xBC30] =	vst v9;
	v9 =	vmul.f32 $2.262741660e+01, v7;
	v7 =	vld [tilespmem:s23+$0xC020]  }
0x313: {  	[tilespmem:s23+$0xBC40] =	vst v10;
	v11 =	vmul.f32 $2.262741660e+01, v6;
	v6 =	vld [tilespmem:s23+$0xC030]  }
0x314: {  	s25 =	sadd.s32 $0x80, s25;
	[tilespmem:s23+$0xBC50] =	vst v9;
	v10 =	vmul.f32 $2.262741660e+01, v8;
	v8 =	vld [tilespmem:s23+$0xC040]  }
0x315: {  	s2 =	sand.u32 $0x7000, s26;
	s26 =	sadd.s32 $0x200, s26;
	s0 =	sand.u32 $0x380, s25;
	[tilespmem:s23+$0xBC60] =	vst v11;
	v9 =	vld [tilespmem:s23+$0xC050]  }
0x316: {  	[tilespmem:s23+$0xBC70] =	vst v10;
	v4 =	vmul.f32 $2.262741660e+01, v4  }
0x317: {  	s25 =	sor.u32 s0, s2;
	v16 =	vld [tilespmem:s23+$0xC060];
	v5 =	vmul.f32 $2.262741660e+01, v5;
	[tilespmem:s24+$0xC060] =	vst v3  }
0x318: {  	v11 =	vld [tilespmem:s25+$0xC070];
	v3 =	vmul.f32 $2.262741660e+01, v7;
	[tilespmem:s23+$0xC000] =	vst v4  }
0x319: {  	v17 =	vld [tilespmem:s25+$0xB400];
	v18 =	vmul.f32 $2.262741660e+01, v6;
	[tilespmem:s23+$0xC010] =	vst v5  }
0x31a: {  	v19 =	vld [tilespmem:s25+$0xB410];
	v20 =	vmul.f32 $2.262741660e+01, v8;
	[tilespmem:s23+$0xC020] =	vst v3  }
0x31b: {  	v21 =	vld [tilespmem:s25+$0xB420];
	v3 =	vmul.f32 $2.262741660e+01, v9;
	[tilespmem:s23+$0xC030] =	vst v18  }
0x31c: {  	v23 =	vld [tilespmem:s25+$0xB440];
	[tilespmem:s23+$0xC040] =	vst v20;
	v58 =	vmul.f32 $2.262741660e+01, v16  }
0x31d: {  	v22 =	vld [tilespmem:s25+$0xB430];
	v11 =	vmul.f32 $2.262741660e+01, v11;
	[tilespmem:s23+$0xC050] =	vst v3  }
0x31e: {  	v26 =	vld [tilespmem:s25+$0xB460];
	v24 =	vmul.f32 $2.262741660e+01, v17;
	[tilespmem:s23+$0xC060] =	vst v58  }
0x31f: {  	v25 =	vld [tilespmem:s25+$0xB450];
	v3 =	vmul.f32 $2.262741660e+01, v19;
	[tilespmem:s25+$0xC070] =	vst v11  }
0x320: {  	v29 =	vld [tilespmem:s25+$0xB800];
	v27 =	vmul.f32 $2.262741660e+01, v21;
	[tilespmem:s25+$0xB400] =	vst v24  }
0x321: {  	v28 =	vld [tilespmem:s25+$0xB470];
	v4 =	vmul.f32 $2.262741660e+01, v23;
	[tilespmem:s25+$0xB410] =	vst v3  }
0x322: {  	v31 =	vld [tilespmem:s25+$0xB820];
	v3 =	vmul.f32 $2.262741660e+01, v22;
	[tilespmem:s25+$0xB420] =	vst v27  }
0x323: {  	v30 =	vld [tilespmem:s25+$0xB810];
	v32 =	vmul.f32 $2.262741660e+01, v26;
	[tilespmem:s25+$0xB440] =	vst v4  }
0x324: {  	v34 =	vld [tilespmem:s25+$0xB840];
	[tilespmem:s25+$0xB430] =	vst v3;
	v3 =	vmul.f32 $2.262741660e+01, v25  }
0x325: {  	v33 =	vld [tilespmem:s25+$0xB830];
	v35 =	vmul.f32 $2.262741660e+01, v29;
	[tilespmem:s25+$0xB460] =	vst v32  }
0x326: {  	v37 =	vld [tilespmem:s25+$0xB860];
	[tilespmem:s25+$0xB450] =	vst v3;
	v3 =	vmul.f32 $2.262741660e+01, v28  }
0x327: {  	v36 =	vld [tilespmem:s25+$0xB850];
	v38 =	vmul.f32 $2.262741660e+01, v31;
	[tilespmem:s25+$0xB800] =	vst v35  }
0x328: {  	v40 =	vld [tilespmem:s25+$0xBC00];
	[tilespmem:s25+$0xB470] =	vst v3;
	v3 =	vmul.f32 $2.262741660e+01, v30  }
0x329: {  	v39 =	vld [tilespmem:s25+$0xB870];
	v41 =	vmul.f32 $2.262741660e+01, v34;
	[tilespmem:s25+$0xB820] =	vst v38  }
0x32a: {  	v43 =	vld [tilespmem:s25+$0xBC20];
	[tilespmem:s25+$0xB810] =	vst v3;
	v3 =	vmul.f32 $2.262741660e+01, v33  }
0x32b: {  	v42 =	vld [tilespmem:s25+$0xBC10];
	v44 =	vmul.f32 $2.262741660e+01, v37;
	[tilespmem:s25+$0xB840] =	vst v41  }
0x32c: {  	v46 =	vld [tilespmem:s25+$0xBC40];
	[tilespmem:s25+$0xB830] =	vst v3;
	v3 =	vmul.f32 $2.262741660e+01, v36  }
0x32d: {  	v45 =	vld [tilespmem:s25+$0xBC30];
	v47 =	vmul.f32 $2.262741660e+01, v40;
	[tilespmem:s25+$0xB860] =	vst v44  }
0x32e: {  	v49 =	vld [tilespmem:s25+$0xBC60];
	[tilespmem:s25+$0xB850] =	vst v3;
	v3 =	vmul.f32 $2.262741660e+01, v39  }
0x32f: {  	v48 =	vld [tilespmem:s25+$0xBC50];
	v50 =	vmul.f32 $2.262741660e+01, v43;
	[tilespmem:s25+$0xBC00] =	vst v47  }
0x330: {  	v54 =	vld [tilespmem:s25+$0xC010];
	[tilespmem:s25+$0xB870] =	vst v3;
	v3 =	vmul.f32 $2.262741660e+01, v42  }
0x331: {  	v51 =	vld [tilespmem:s25+$0xBC70];
	v53 =	vmul.f32 $2.262741660e+01, v46;
	[tilespmem:s25+$0xBC20] =	vst v50  }
0x332: {  	v55 =	vld [tilespmem:s25+$0xC020];
	[tilespmem:s25+$0xBC10] =	vst v3;
	v3 =	vmul.f32 $2.262741660e+01, v45  }
0x333: {  	v52 =	vld [tilespmem:s25+$0xC000];
	v56 =	vmul.f32 $2.262741660e+01, v49;
	[tilespmem:s25+$0xBC40] =	vst v53  }
0x334: {  	v59 =	vld [tilespmem:s25+$0xC040];
	[tilespmem:s25+$0xBC30] =	vst v3;
	v3 =	vmul.f32 $2.262741660e+01, v48  }
0x335: {  	v57 =	vld [tilespmem:s25+$0xC030];
	v61 =	vmul.f32 $2.262741660e+01, v54;
	[tilespmem:s25+$0xBC60] =	vst v56  }
0x336: {  	v60 =	vld [tilespmem:s25+$0xC050];
	[tilespmem:s25+$0xBC50] =	vst v3;
	v3 =	vmul.f32 $2.262741660e+01, v51  }
0x337: {  	v62 =	vld [tilespmem:s25+$0xC060];
	v6 =	vmul.f32 $2.262741660e+01, v55;
	[tilespmem:s25+$0xC010] =	vst v61  }
0x338: {  	[tilespmem:s25+$0xBC70] =	vst v3;
	v3 =	vmul.f32 $2.262741660e+01, v52  }
0x339: {  	v63 =	vmul.f32 $2.262741660e+01, v59;
	[tilespmem:s25+$0xC020] =	vst v6  }
0x33a: {  	[tilespmem:s25+$0xC000] =	vst v3;
	v3 =	vmul.f32 $2.262741660e+01, v57  }
0x33b: {  	v4 =	vmul.f32 $2.262741660e+01, v60;
	[tilespmem:s25+$0xC040] =	vst v63  }
0x33c: {  	[tilespmem:s25+$0xC030] =	vst v3;
	v3 =	vmul.f32 $2.262741660e+01, v62  }
0x33d: {  	[tilespmem:s25+$0xC050] =	vst v4  }
0x33e: {  	[tilespmem:s25+$0xC060] =	vst v3  }
0x33f: {  	s28 =	rddreg [dreg:$0x6]  }
0x340: {  	[hbm4b:s28+s3] =	stream.linear.scatter [tilespmem:s29], [sflag:$0x4], $0x8000, $0x38;
	[tilespmem:$0x13400] =	vst v63  }
0x341: {  	_ =	swait.ge [sflag:s20], $0x8000  }
0x342: {  	[sflag:s20] =	ssyncset.done $0x0  }
0x343: {  	[sflag:s20] =	ssyncadd.s32 $0xFFFF8000  }
0x344: {  	_ =	swait.ge [sflag:s22], $0x8000  }
0x345: {  	s30 =	rddreg [dreg:$0x8]  }
0x346: {  	s31 =	rddreg [dreg:$0x7];
	s2 =	sadd.s32 $0x1, s30  }
0x347: {  	p0 =	sne.s32 s2, s31  }
.Ltmp5:
0x348: {  	_ = 	snop;
	(pc) =	sbr.rel @p0 .LBB2_1-.Ltmp5, $3  }
0x349: {  	_ =	sdelay $0x1  }
0x34a: {  	[sflag:s22] =	ssyncset.done $0x0  }
0x34b: {  	[sflag:s22] =	ssyncadd.s32 $0xFFFF8000  }
0x34c: {  	_ =	sfence.sel $0x180000  }
0x34d: {  	[bflag:$0x0] =	sbarrier.arrive $0xFFFF  }
0x34e: {  	_ =	strace $0x90000047  }
0x34f: {  	s0 =	stileid.u32;
	[bflag:$0x2] =	sbarrier.arrive $0xFFFF  }
0x350: {  	p0 =	sne.s32 s0, $0x0;
	s0 =	rddreg [dreg:$0x3]  }
0x351: {  	s0 =	sadd.s32 @!p0 $0x100000, s0  }
0x352: {  	[sflag:s0] =	ssyncadd.tile.s32 @!p0 $0x1;
	_ =	shalt  }
.Lfunc_end2:
_tile_overlayer_lowered:
.L_overlay_start_2:
0x353: {  	(tag) =	ssettag $0x2  }
0x354: {  	s0 =	rddreg [dreg:$0x0];
	s2 =	stileid.u32  }
0x355: {  	s1 =	rddreg [dreg:$0x1];
	p0 =	sne.s32 s2, $0x0  }
0x356: {  	s3 =	rddreg [dreg:$0x2];
	[bflag:$0x3] =	sbarrier.arrive $0xFFFF;
	s2 =	simm.s32 @!p0 $0x1C05  }
0x357: {  	[timem:s3], [sflag:s2] =	dma.local @!p0 [hbm:s0], s1  }
0x358: {  	s0 =	simm.s32 @!p0 $0x5  }
0x359: {  	_ =	swait.ge @!p0 [sflag:s0], s1  }
0x35a: {  	s1 =	ssub.s32 @!p0 $0x0, s1;
	[sflag:s0] =	ssyncset.done @!p0 $0x0  }
0x35b: {  	[sflag:s0] =	ssyncadd.s32 @!p0 s1  }
0x35c: {  	[bflag:$0x3] =	sbarrier.arrive $0xFFFF  }
0x35d: {  	_ =	shalt  }

</sc_bundles>
